<compile_context>
chip_gen: v7x
topology: tpu7x:2x2x1
jax: 0.10.2.dev20260603
libtpu: 0.0.44.dev20260713+nightly
codegen_flags: <defaults>
</compile_context>

<pallas_src>
import functools

import numpy as np
import jax
import jax.numpy as jnp
from jax import lax
from jax.experimental import pallas as pl
from jax.experimental.pallas import tpu as pltpu
from jax.experimental.pallas import tpu_sc as plsc

N = 10000
E = 320000
G = 64
D_IN = 128
D_H = 256
EPS = 1e-5

NC = 2
NS = 16
NPAD = 10240
EPAD = 327680
ROWS = EPAD // 128
TILE_ROWS = NPAD // NS

_BLK = 1024
_GRID = NPAD // _BLK

def _mesh():
    return plsc.VectorSubcoreMesh(core_axis_name="c", subcore_axis_name="s",
                                  num_cores=NC, num_subcores=NS)


_ZROW = 10112


def _sc_agg1(x_pad, src2d, dst2d):
    C0, C1 = 80, 80
    NG0, NG1 = C0 // 16, C1 // 16

    @functools.partial(
        pl.kernel,
        out_type=[
            jax.ShapeDtypeStruct((NC * NPAD, 128), jnp.float32),
            jax.ShapeDtypeStruct((NC * NPAD,), jnp.float32),
        ],
        mesh=_mesh(),
        scratch_types=[
            pltpu.VMEM_SHARED((NPAD, 128), jnp.float32),
            pltpu.VMEM_SHARED((NPAD,), jnp.float32),
            pltpu.VMEM((16, 128), jnp.int32),
            pltpu.VMEM((16, 128), jnp.int32),
            pltpu.VMEM((128, 128), jnp.float32),
            pltpu.VMEM((128, 128), jnp.float32),
            pltpu.VMEM((128,), jnp.float32),
            pltpu.SemaphoreType.DMA,
            pltpu.SemaphoreType.DMA,
            pltpu.SemaphoreType.DMA,
        ],
    )
    def k(x_hbm, src_hbm, dst_hbm, out_hbm, deg_hbm,
          acc_sp, deg_sp, si_v, di_v, rows_a, rows_b, ones_v,
          sem_ga, sem_gb, sem_d):
        c = lax.axis_index("c")
        s = lax.axis_index("s")
        wid = c * NS + s
        pltpu.sync_copy(x_hbm.at[pl.ds(_ZROW, 128)], rows_a)
        one = jnp.ones((16,), jnp.float32)
        for j in range(8):
            ones_v[pl.ds(j * 16, 16)] = one

        def zero_step(kk, _):
            pltpu.sync_copy(rows_a, acc_sp.at[pl.ds(s * TILE_ROWS + kk * 128, 128)])
            pltpu.sync_copy(rows_a.at[0], deg_sp.at[pl.ds(s * TILE_ROWS + kk * 128, 128)])
            return 0
        lax.fori_loop(0, TILE_ROWS // 128, zero_step, 0)
        plsc.subcore_barrier()

        tile_base = jnp.where(c == 0, s * C0, NS * C0 + s * C1)
        ngroups = jnp.where(c == 0, NG0, NG1)

        def group(g, _):
            base = tile_base + g * 16
            pltpu.sync_copy(src_hbm.at[pl.ds(base, 16)], si_v)
            pltpu.sync_copy(dst_hbm.at[pl.ds(base, 16)], di_v)
            pltpu.async_copy(x_hbm.at[si_v.at[0]], rows_a, sem_ga)

            def pair(p, __):
                j = 2 * p
                pltpu.async_copy(x_hbm.at[si_v.at[j + 1]], rows_b, sem_gb)
                pltpu.make_async_copy(x_hbm.at[si_v.at[j]], rows_a, sem_ga).wait()
                pltpu.sync_copy(rows_a, acc_sp.at[di_v.at[j]], add=True)
                pltpu.async_copy(ones_v, deg_sp.at[di_v.at[j]], sem_d, add=True)

                @pl.when(p < 7)
                def _():
                    pltpu.async_copy(x_hbm.at[si_v.at[j + 2]], rows_a, sem_ga)
                pltpu.make_async_copy(x_hbm.at[si_v.at[j + 1]], rows_b, sem_gb).wait()
                pltpu.sync_copy(rows_b, acc_sp.at[di_v.at[j + 1]], add=True)
                pltpu.async_copy(ones_v, deg_sp.at[di_v.at[j + 1]], sem_d, add=True)
                return 0
            lax.fori_loop(0, 8, pair, 0)
            def ddrain(t, __):
                pltpu.make_async_copy(ones_v, deg_sp.at[di_v.at[0]], sem_d).wait()
                return 0
            return lax.fori_loop(0, 16, ddrain, 0)
        lax.fori_loop(0, ngroups, group, 0)
        plsc.subcore_barrier()

        pltpu.sync_copy(
            acc_sp.at[pl.ds(s * TILE_ROWS, TILE_ROWS)],
            out_hbm.at[pl.ds(c * NPAD + s * TILE_ROWS, TILE_ROWS)])
        pltpu.sync_copy(
            deg_sp.at[pl.ds(s * TILE_ROWS, TILE_ROWS)],
            deg_hbm.at[pl.ds(c * NPAD + s * TILE_ROWS, TILE_ROWS)])

    return k(x_pad, src2d, dst2d)


def _sc_agg2(h0, h1, src2d, dst2d):
    nchunk = ROWS // NS

    @functools.partial(
        pl.kernel,
        out_type=jax.ShapeDtypeStruct((NC * NPAD, 128), jnp.float32),
        mesh=_mesh(),
        scratch_types=[
            pltpu.VMEM_SHARED((NPAD, 128), jnp.float32),
            pltpu.VMEM((16, 128), jnp.int32),
            pltpu.VMEM((16, 128), jnp.int32),
            pltpu.VMEM((128, 128), jnp.float32),
            pltpu.VMEM((128, 128), jnp.float32),
            pltpu.SemaphoreType.DMA,
            pltpu.SemaphoreType.DMA,
            pltpu.SemaphoreType.DMA,
            pltpu.SemaphoreType.DMA,
        ],
    )
    def k(h0_hbm, h1_hbm, src_hbm, dst_hbm, out_hbm,
          acc_sp, si_v, di_v, rows_a, rows_b,
          sem_ga, sem_gb, sem_sa, sem_sb):
        c = lax.axis_index("c")
        s = lax.axis_index("s")
        pltpu.sync_copy(h0_hbm.at[pl.ds(_ZROW, 128)], rows_a)

        def zero_step(kk, _):
            pltpu.sync_copy(rows_a, acc_sp.at[pl.ds(s * TILE_ROWS + kk * 128, 128)])
            return 0
        lax.fori_loop(0, TILE_ROWS // 128, zero_step, 0)
        plsc.subcore_barrier()

        def make_group(tab):
            def group(g, _):
                base = s * nchunk + g * 16
                pltpu.sync_copy(src_hbm.at[pl.ds(base, 16)], si_v)
                pltpu.sync_copy(dst_hbm.at[pl.ds(base, 16)], di_v)
                pltpu.async_copy(tab.at[si_v.at[0]], rows_a, sem_ga)

                def pair(p, __):
                    j = 2 * p
                    pltpu.async_copy(tab.at[si_v.at[j + 1]], rows_b, sem_gb)
                    pltpu.make_async_copy(tab.at[si_v.at[j]], rows_a, sem_ga).wait()
                    pltpu.sync_copy(rows_a, acc_sp.at[di_v.at[j]], add=True)

                    @pl.when(p < 7)
                    def _():
                        pltpu.async_copy(tab.at[si_v.at[j + 2]], rows_a, sem_ga)
                    pltpu.make_async_copy(tab.at[si_v.at[j + 1]], rows_b, sem_gb).wait()
                    pltpu.sync_copy(rows_b, acc_sp.at[di_v.at[j + 1]], add=True)
                    return 0
                return lax.fori_loop(0, 8, pair, 0)
            return group

        @pl.when(c == 0)
        def _():
            lax.fori_loop(0, nchunk // 16, make_group(h0_hbm), 0)

        @pl.when(c == 1)
        def _():
            lax.fori_loop(0, nchunk // 16, make_group(h1_hbm), 0)

        plsc.subcore_barrier()
        pltpu.sync_copy(
            acc_sp.at[pl.ds(s * TILE_ROWS, TILE_ROWS)],
            out_hbm.at[pl.ds(c * NPAD + s * TILE_ROWS, TILE_ROWS)])

    return k(h0, h1, src2d, dst2d)


def _dotT(a, w):
    return lax.dot_general(a, w, (((1,), (1,)), ((), ())),
                           preferred_element_type=jnp.float32)


def _tc_layer1(agg1, deg1, x_pad, W1l, W1r, b1l, b1r, bn_g, bn_b):
    bnscale = float(1.0 / np.sqrt(1.0 + EPS))

    def body(agg_a_ref, agg_b_ref, deg_a_ref, deg_b_ref, x_ref,
             wl_ref, wr_ref, bl_ref, br_ref,
             g_ref, bb_ref, h0_ref, h1_ref, dinv_ref):
        agg = agg_a_ref[...] + agg_b_ref[...]
        deg = jnp.maximum(deg_a_ref[...] + deg_b_ref[...], 1.0)[:, None]
        mean = agg / deg
        xb = x_ref[...]
        acc = _dotT(mean, wl_ref[...]) + _dotT(xb, wr_ref[...])
        h = (acc + bl_ref[...] + br_ref[...]) * (g_ref[...] * bnscale) + bb_ref[...]
        h = jnp.maximum(h, 0.0)
        rowid = (lax.broadcasted_iota(jnp.int32, (_BLK, 1), 0)
                 + pl.program_id(0) * _BLK)
        h = jnp.where(rowid < N, h, 0.0)
        h0_ref[...] = h[:, :128]
        h1_ref[...] = h[:, 128:]
        dinv_ref[...] = 1.0 / deg

    return pl.pallas_call(
        body,
        grid=(_GRID,),
        in_specs=[
            pl.BlockSpec((_BLK, 128), lambda i: (i, 0)),
            pl.BlockSpec((_BLK, 128), lambda i: (i + _GRID, 0)),
            pl.BlockSpec((_BLK,), lambda i: (i,)),
            pl.BlockSpec((_BLK,), lambda i: (i + _GRID,)),
            pl.BlockSpec((_BLK, 128), lambda i: (i, 0)),
            pl.BlockSpec((D_H, D_IN), lambda i: (0, 0)),
            pl.BlockSpec((D_H, D_IN), lambda i: (0, 0)),
            pl.BlockSpec((D_H,), lambda i: (0,)),
            pl.BlockSpec((D_H,), lambda i: (0,)),
            pl.BlockSpec((D_H,), lambda i: (0,)),
            pl.BlockSpec((D_H,), lambda i: (0,)),
        ],
        out_specs=[
            pl.BlockSpec((_BLK, 128), lambda i: (i, 0)),
            pl.BlockSpec((_BLK, 128), lambda i: (i, 0)),
            pl.BlockSpec((_BLK, 1), lambda i: (i, 0)),
        ],
        out_shape=[
            jax.ShapeDtypeStruct((NPAD, 128), jnp.float32),
            jax.ShapeDtypeStruct((NPAD, 128), jnp.float32),
            jax.ShapeDtypeStruct((NPAD, 1), jnp.float32),
        ],
    )(agg1, agg1, deg1, deg1, x_pad, W1l, W1r, b1l, b1r, bn_g, bn_b)


def _tc_final(agg2, h0, h1, dinv, batch_p,
              W2l, b2l, W2r, b2r, Wc1, bc1, Wc2, bc2):
    def body(agg_a_ref, agg_b_ref, h0_ref, h1_ref, dinv_ref, b_ref,
             w2l_ref, b2l_ref, w2r_ref, b2r_ref,
             wc1_ref, bc1_ref, wc2_ref, bc2_ref,
             out_ref, accm, acch, accc):
        i = pl.program_id(0)

        @pl.when(i == 0)
        def _():
            accm[...] = jnp.zeros_like(accm)
            acch[...] = jnp.zeros_like(acch)
            accc[...] = jnp.zeros_like(accc)

        bvec = b_ref[...]
        onehot = (lax.broadcasted_iota(jnp.int32, (G, _BLK), 0)
                  == bvec[None, :]).astype(jnp.float32)
        m2 = jnp.concatenate([agg_a_ref[...], agg_b_ref[...]], axis=1) * dinv_ref[...]
        hb = jnp.concatenate([h0_ref[...], h1_ref[...]], axis=1)
        accm[...] += lax.dot_general(onehot, m2, (((1,), (0,)), ((), ())),
                                     preferred_element_type=jnp.float32)
        acch[...] += lax.dot_general(onehot, hb, (((1,), (0,)), ((), ())),
                                     preferred_element_type=jnp.float32)
        accc[...] += jnp.broadcast_to(
            jnp.sum(onehot, axis=1, keepdims=True), accc.shape)

        @pl.when(i == _GRID - 1)
        def _():
            cnt = accc[:, 0:1]
            ps = _dotT(accm[...], w2l_ref[...]) + _dotT(acch[...], w2r_ref[...])
            ps = ps + cnt * (b2l_ref[...] + b2r_ref[...])[None, :]
            pooled = ps / jnp.maximum(cnt, 1.0)
            z = jnp.maximum(_dotT(pooled, wc1_ref[...]) + bc1_ref[...][None, :], 0.0)
            logits = _dotT(z, wc2_ref[...]) + bc2_ref[...][None, :]
            mx = jnp.max(logits, axis=1, keepdims=True)
            lse = mx + jnp.log(jnp.sum(jnp.exp(logits - mx), axis=1, keepdims=True))
            out_ref[...] = logits - lse

    return pl.pallas_call(
        body,
        grid=(_GRID,),
        in_specs=[
            pl.BlockSpec((_BLK, 128), lambda i: (i, 0)),
            pl.BlockSpec((_BLK, 128), lambda i: (i + _GRID, 0)),
            pl.BlockSpec((_BLK, 128), lambda i: (i, 0)),
            pl.BlockSpec((_BLK, 128), lambda i: (i, 0)),
            pl.BlockSpec((_BLK, 1), lambda i: (i, 0)),
            pl.BlockSpec((_BLK,), lambda i: (i,)),
            pl.BlockSpec((D_H, D_H), lambda i: (0, 0)),
            pl.BlockSpec((D_H,), lambda i: (0,)),
            pl.BlockSpec((D_H, D_H), lambda i: (0, 0)),
            pl.BlockSpec((D_H,), lambda i: (0,)),
            pl.BlockSpec((D_H // 2, D_H), lambda i: (0, 0)),
            pl.BlockSpec((D_H // 2,), lambda i: (0,)),
            pl.BlockSpec((2, D_H // 2), lambda i: (0, 0)),
            pl.BlockSpec((2,), lambda i: (0,)),
        ],
        out_specs=pl.BlockSpec((G, 2), lambda i: (0, 0)),
        out_shape=jax.ShapeDtypeStruct((G, 2), jnp.float32),
        scratch_shapes=[
            pltpu.VMEM((G, D_H), jnp.float32),
            pltpu.VMEM((G, D_H), jnp.float32),
            pltpu.VMEM((G, 128), jnp.float32),
        ],
    )(agg2, agg2, h0, h1, dinv, batch_p,
      W2l, b2l, W2r, b2r, Wc1, bc1, Wc2, bc2)


def kernel(x, edge_index, batch, W1l, b1l, W1r, b1r, bn_g, bn_b,
           W2l, b2l, W2r, b2r, Wc1, bc1, Wc2, bc2):
    src = edge_index[0]
    dst = edge_index[1]
    pad_e = EPAD - E
    pad_idx = jnp.arange(pad_e, dtype=jnp.int32)
    pad_src = pad_idx % N
    pad_dst = N + (pad_idx % (NPAD - N))
    src2d = jnp.concatenate([src, pad_src]).reshape(ROWS, 128)
    dst2d = jnp.concatenate([dst, pad_dst]).reshape(ROWS, 128)
    x_pad = jnp.concatenate(
        [x, jnp.zeros((NPAD - N, D_IN), jnp.float32)], axis=0)
    batch_p = jnp.concatenate([batch, jnp.full((NPAD - N,), G, jnp.int32)])

    agg1, deg1 = _sc_agg1(x_pad, src2d, dst2d)
    h0, h1, dinv = _tc_layer1(agg1, deg1, x_pad, W1l, W1r, b1l, b1r, bn_g, bn_b)
    agg2 = _sc_agg2(h0, h1, src2d, dst2d)
    return _tc_final(agg2, h0, h1, dinv, batch_p,
                     W2l, b2l, W2r, b2r, Wc1, bc1, Wc2, bc2)

# --- scband reference (transcript-rebuilt; emitter-appended) ---
"""Pipeline reference for scband-graph-sage-44813688767214 (READ-ONLY COPY).

The authoritative reference and input builder live on the scoring server;
editing this copy changes nothing except your own understanding.
"""

import jax, jax.numpy as jnp
import numpy as np

N = 10000
E = 320000
G = 64
D_IN = 128
D_H = 256
D_OUT = 2
EPS = 1e-5


def _lin_init(key, out_d, in_d):
    bound = 1.0 / np.sqrt(in_d)
    kw, kb = jax.random.split(key)
    W = jax.random.uniform(kw, (out_d, in_d), minval=-bound, maxval=bound, dtype=jnp.float32)
    b = jax.random.uniform(kb, (out_d,), minval=-bound, maxval=bound, dtype=jnp.float32)
    return W, b


def setup_inputs(seed: int = 0):
    key = jax.random.key(seed)
    ks = jax.random.split(key, 10)
    x = jax.random.normal(ks[0], (N, D_IN), dtype=jnp.float32)
    edge_index = jax.random.randint(ks[1], (2, E), 0, N, dtype=jnp.int32)
    batch = jnp.sort(jax.random.randint(ks[2], (N,), 0, G, dtype=jnp.int32))
    W1l, b1l = _lin_init(ks[3], D_H, D_IN)
    W1r, b1r = _lin_init(ks[4], D_H, D_IN)
    W2l, b2l = _lin_init(ks[5], D_H, D_H)
    W2r, b2r = _lin_init(ks[6], D_H, D_H)
    bn_g = jnp.ones((D_H,), jnp.float32)
    bn_b = jnp.zeros((D_H,), jnp.float32)
    Wc1, bc1 = _lin_init(ks[7], D_H // 2, D_H)
    Wc2, bc2 = _lin_init(ks[8], D_OUT, D_H // 2)
    return {"x": x, "edge_index": edge_index, "batch": batch,
            "W1l": W1l, "b1l": b1l, "W1r": W1r, "b1r": b1r,
            "bn_g": bn_g, "bn_b": bn_b,
            "W2l": W2l, "b2l": b2l, "W2r": W2r, "b2r": b2r,
            "Wc1": Wc1, "bc1": bc1, "Wc2": Wc2, "bc2": bc2}


def _sage_conv(x, edge_index, Wl, bl, Wr, br):
    # PyG SAGEConv(aggr='mean'): out = lin_l(mean_{j in N(i)} x_j) + lin_r(x_i)
    src = edge_index[0]
    dst = edge_index[1]
    msg = jnp.take(x, src, axis=0)
    agg = jax.ops.segment_sum(msg, dst, num_segments=N)
    deg = jax.ops.segment_sum(jnp.ones((edge_index.shape[1],), x.dtype), dst, num_segments=N)
    mean = agg / jnp.maximum(deg, 1.0)[:, None]
    return mean @ Wl.T + bl + x @ Wr.T + br


def reference(x, edge_index, batch, W1l, b1l, W1r, b1r, bn_g, bn_b, W2l, b2l, W2r, b2r, Wc1, bc1, Wc2, bc2):
    # layer 1 + eval-mode BatchNorm (running_mean=0, running_var=1) + ReLU (dropout = identity in eval)
    h = _sage_conv(x, edge_index, W1l, b1l, W1r, b1r)
    h = (h - 0.0) / jnp.sqrt(1.0 + EPS) * bn_g + bn_b
    h = jax.nn.relu(h)
    # layer 2 (no BN/ReLU after last conv, matching the torch forward)
    h = _sage_conv(h, edge_index, W2l, b2l, W2r, b2r)
    # global mean pool over graphs
    gsum = jax.ops.segment_sum(h, batch, num_segments=G)
    cnt = jax.ops.segment_sum(jnp.ones((N,), h.dtype), batch, num_segments=G)
    pooled = gsum / jnp.maximum(cnt, 1.0)[:, None]
    # classifier: Linear -> ReLU -> (Dropout eval=id) -> Linear
    z = jax.nn.relu(pooled @ Wc1.T + bc1)
    logits = z @ Wc2.T + bc2
    return jax.nn.log_softmax(logits, axis=-1)

if __name__ == "__main__":
    import jax
    _d = setup_inputs()
    print(jax.jit(kernel)(*tuple(_d.values())))

</pallas_src>

<mosaic_0001>
#map = affine_map<(d0, d1) -> (0, 0)>
#map1 = affine_map<(d0, d1) -> (0)>
module attributes {stable_mosaic.version = 14 : i64} {
  func.func @k(%arg0: i32, %arg1: i32, %arg2: memref<10240x128xf32, #tpu.memory_space<hbm>>, %arg3: memref<2560x128xi32, #tpu.memory_space<hbm>>, %arg4: memref<2560x128xi32, #tpu.memory_space<hbm>>, %arg5: memref<20480x128xf32, #tpu.memory_space<hbm>>, %arg6: memref<20480xf32, #tpu.memory_space<hbm>>, %arg7: memref<10240x128xf32, #tpu.memory_space<vmem_shared>>, %arg8: memref<10240xf32, #tpu.memory_space<vmem_shared>>, %arg9: memref<16x128xi32, #tpu.memory_space<vmem>>, %arg10: memref<16x128xi32, #tpu.memory_space<vmem>>, %arg11: memref<128x128xf32, #tpu.memory_space<vmem>>, %arg12: memref<128x128xf32, #tpu.memory_space<vmem>>, %arg13: memref<128xf32, #tpu.memory_space<vmem>>, %arg14: memref<!tpu.dma_semaphore, #tpu.memory_space<semaphore_mem>>, %arg15: memref<!tpu.dma_semaphore, #tpu.memory_space<semaphore_mem>>, %arg16: memref<!tpu.dma_semaphore, #tpu.memory_space<semaphore_mem>>) attributes {dimension_semantics = [#tpu.dimension_semantics<core_parallel>, #tpu.dimension_semantics<subcore_parallel>], iteration_bounds = array<i64: 2, 16>, scalar_prefetch = 0 : i64, scratch_operands = 10 : i64, tpu.core_type = #tpu.core_type<sc_vector_subcore>, window_params = [{transform_indices = #map}, {transform_indices = #map}, {transform_indices = #map}, {transform_indices = #map}, {transform_indices = #map1}]} {
    %mul3A = arith.constant 16 : i32
    %mul3A_0 = arith.muli %arg0, %mul3A : i32
    %add3A = arith.addi %mul3A_0, %arg1 : i32
    "tpu.region"() ({
      %run_scoped3A = tpu.sem_alloc : memref<!tpu.dma_semaphore, #tpu.memory_space<semaphore_mem>>
      %dma_start3A = arith.constant 10112 : i32
      %dma_start3A_76 = arith.constant 0 : i32
      %dma_start3A_77 = tpu.memref_slice %arg2[%dma_start3A, %dma_start3A_76] : memref<10240x128xf32, #tpu.memory_space<hbm>> -> memref<128x128xf32, #tpu.memory_space<hbm>>
      %dma_start3A_78 = arith.constant 10112 : i32
      %dma_start3A_79 = arith.constant 0 : i32
      %dma_start3A_80 = tpu.memref_slice %arg2[%dma_start3A_78, %dma_start3A_79] : memref<10240x128xf32, #tpu.memory_space<hbm>> -> memref<128x128xf32, #tpu.memory_space<hbm>>
      tpu.enqueue_dma source(%dma_start3A_80 : memref<128x128xf32, #tpu.memory_space<hbm>>) target(%arg11 : memref<128x128xf32, #tpu.memory_space<vmem>>) target_semaphore(%run_scoped3A : memref<!tpu.dma_semaphore, #tpu.memory_space<semaphore_mem>>)
      %dma_wait3A = arith.constant 10112 : i32
      %dma_wait3A_81 = arith.constant 0 : i32
      %dma_wait3A_82 = tpu.memref_slice %arg2[%dma_wait3A, %dma_wait3A_81] : memref<10240x128xf32, #tpu.memory_space<hbm>> -> memref<128x128xf32, #tpu.memory_space<hbm>>
      %dma_wait3A_83 = arith.constant 10112 : i32
      %dma_wait3A_84 = arith.constant 0 : i32
      %dma_wait3A_85 = tpu.memref_slice %arg2[%dma_wait3A_83, %dma_wait3A_84] : memref<10240x128xf32, #tpu.memory_space<hbm>> -> memref<128x128xf32, #tpu.memory_space<hbm>>
      tpu.wait_dma2 semaphore(%run_scoped3A : memref<!tpu.dma_semaphore, #tpu.memory_space<semaphore_mem>>) src(%dma_wait3A_85 : memref<128x128xf32, #tpu.memory_space<hbm>>) dst(%arg11 : memref<128x128xf32, #tpu.memory_space<vmem>>)
      tpu.yield
    }) : () -> ()
    %broadcast_in_dim3A = arith.constant 1.000000e+00 : f32
    %broadcast_in_dim3A_1 = vector.broadcast %broadcast_in_dim3A : f32 to vector<16xf32>
    %swap3A = arith.constant 0 : index
    %swap3A_2 = tpu.vector_load %arg13[%swap3A] {strides = array<i32>} : memref<128xf32, #tpu.memory_space<vmem>>, vector<16xf32>,
    %swap3A_3 = vector.shape_cast %swap3A_2 : vector<16xf32> to vector<16xf32>
    %swap3A_4 = vector.shape_cast %broadcast_in_dim3A_1 : vector<16xf32> to vector<16xf32>
    tpu.vector_store %arg13[%swap3A], %swap3A_4 {strides = array<i32>} : memref<128xf32, #tpu.memory_space<vmem>>, vector<16xf32>,
    %swap3A_5 = arith.constant 16 : index
    %swap3A_6 = tpu.vector_load %arg13[%swap3A_5] {strides = array<i32>} : memref<128xf32, #tpu.memory_space<vmem>>, vector<16xf32>,
    %swap3A_7 = vector.shape_cast %swap3A_6 : vector<16xf32> to vector<16xf32>
    %swap3A_8 = vector.shape_cast %broadcast_in_dim3A_1 : vector<16xf32> to vector<16xf32>
    tpu.vector_store %arg13[%swap3A_5], %swap3A_8 {strides = array<i32>} : memref<128xf32, #tpu.memory_space<vmem>>, vector<16xf32>,
    %swap3A_9 = arith.constant 32 : index
    %swap3A_10 = tpu.vector_load %arg13[%swap3A_9] {strides = array<i32>} : memref<128xf32, #tpu.memory_space<vmem>>, vector<16xf32>,
    %swap3A_11 = vector.shape_cast %swap3A_10 : vector<16xf32> to vector<16xf32>
    %swap3A_12 = vector.shape_cast %broadcast_in_dim3A_1 : vector<16xf32> to vector<16xf32>
    tpu.vector_store %arg13[%swap3A_9], %swap3A_12 {strides = array<i32>} : memref<128xf32, #tpu.memory_space<vmem>>, vector<16xf32>,
    %swap3A_13 = arith.constant 48 : index
    %swap3A_14 = tpu.vector_load %arg13[%swap3A_13] {strides = array<i32>} : memref<128xf32, #tpu.memory_space<vmem>>, vector<16xf32>,
    %swap3A_15 = vector.shape_cast %swap3A_14 : vector<16xf32> to vector<16xf32>
    %swap3A_16 = vector.shape_cast %broadcast_in_dim3A_1 : vector<16xf32> to vector<16xf32>
    tpu.vector_store %arg13[%swap3A_13], %swap3A_16 {strides = array<i32>} : memref<128xf32, #tpu.memory_space<vmem>>, vector<16xf32>,
    %swap3A_17 = arith.constant 64 : index
    %swap3A_18 = tpu.vector_load %arg13[%swap3A_17] {strides = array<i32>} : memref<128xf32, #tpu.memory_space<vmem>>, vector<16xf32>,
    %swap3A_19 = vector.shape_cast %swap3A_18 : vector<16xf32> to vector<16xf32>
    %swap3A_20 = vector.shape_cast %broadcast_in_dim3A_1 : vector<16xf32> to vector<16xf32>
    tpu.vector_store %arg13[%swap3A_17], %swap3A_20 {strides = array<i32>} : memref<128xf32, #tpu.memory_space<vmem>>, vector<16xf32>,
    %swap3A_21 = arith.constant 80 : index
    %swap3A_22 = tpu.vector_load %arg13[%swap3A_21] {strides = array<i32>} : memref<128xf32, #tpu.memory_space<vmem>>, vector<16xf32>,
    %swap3A_23 = vector.shape_cast %swap3A_22 : vector<16xf32> to vector<16xf32>
    %swap3A_24 = vector.shape_cast %broadcast_in_dim3A_1 : vector<16xf32> to vector<16xf32>
    tpu.vector_store %arg13[%swap3A_21], %swap3A_24 {strides = array<i32>} : memref<128xf32, #tpu.memory_space<vmem>>, vector<16xf32>,
    %swap3A_25 = arith.constant 96 : index
    %swap3A_26 = tpu.vector_load %arg13[%swap3A_25] {strides = array<i32>} : memref<128xf32, #tpu.memory_space<vmem>>, vector<16xf32>,
    %swap3A_27 = vector.shape_cast %swap3A_26 : vector<16xf32> to vector<16xf32>
    %swap3A_28 = vector.shape_cast %broadcast_in_dim3A_1 : vector<16xf32> to vector<16xf32>
    tpu.vector_store %arg13[%swap3A_25], %swap3A_28 {strides = array<i32>} : memref<128xf32, #tpu.memory_space<vmem>>, vector<16xf32>,
    %swap3A_29 = arith.constant 112 : index
    %swap3A_30 = tpu.vector_load %arg13[%swap3A_29] {strides = array<i32>} : memref<128xf32, #tpu.memory_space<vmem>>, vector<16xf32>,
    %swap3A_31 = vector.shape_cast %swap3A_30 : vector<16xf32> to vector<16xf32>
    %swap3A_32 = vector.shape_cast %broadcast_in_dim3A_1 : vector<16xf32> to vector<16xf32>
    tpu.vector_store %arg13[%swap3A_29], %swap3A_32 {strides = array<i32>} : memref<128xf32, #tpu.memory_space<vmem>>, vector<16xf32>,
    %scan3A = arith.constant 0 : i32
    %scan3A_33 = arith.constant 0 : i32
    %scan3A_34 = arith.constant 5 : i32
    %scan3A_35 = arith.addi %scan3A_33, %scan3A_34 : i32
    %scan3A_36 = arith.constant 1 : i32
    %scan3A_37 = scf.for %scan3A_76 = %scan3A_33 to %scan3A_35 step %scan3A_36 iter_args(%scan3A_77 = %scan3A) -> (i32)  : i32 {
      %mul3A_78 = arith.constant 640 : i32
      %mul3A_79 = arith.muli %arg1, %mul3A_78 : i32
      %mul3A_80 = arith.constant 128 : i32
      %mul3A_81 = arith.muli %scan3A_76, %mul3A_80 : i32
      %add3A_82 = arith.addi %mul3A_79, %mul3A_81 : i32
      "tpu.region"() ({
        %run_scoped3A_89 = tpu.sem_alloc : memref<!tpu.dma_semaphore, #tpu.memory_space<semaphore_mem>>
        %dma_start3A = arith.constant 0 : i32
        %dma_start3A_90 = tpu.memref_slice %arg7[%add3A_82, %dma_start3A] : memref<10240x128xf32, #tpu.memory_space<vmem_shared>> -> memref<128x128xf32, #tpu.memory_space<vmem_shared>>
        %dma_start3A_91 = arith.constant 0 : i32
        %dma_start3A_92 = tpu.memref_slice %arg7[%add3A_82, %dma_start3A_91] : memref<10240x128xf32, #tpu.memory_space<vmem_shared>> -> memref<128x128xf32, #tpu.memory_space<vmem_shared>>
        tpu.enqueue_dma source(%arg11 : memref<128x128xf32, #tpu.memory_space<vmem>>) target(%dma_start3A_92 : memref<128x128xf32, #tpu.memory_space<vmem_shared>>) target_semaphore(%run_scoped3A_89 : memref<!tpu.dma_semaphore, #tpu.memory_space<semaphore_mem>>)
        %dma_wait3A = arith.constant 0 : i32
        %dma_wait3A_93 = tpu.memref_slice %arg7[%add3A_82, %dma_wait3A] : memref<10240x128xf32, #tpu.memory_space<vmem_shared>> -> memref<128x128xf32, #tpu.memory_space<vmem_shared>>
        %dma_wait3A_94 = arith.constant 0 : i32
        %dma_wait3A_95 = tpu.memref_slice %arg7[%add3A_82, %dma_wait3A_94] : memref<10240x128xf32, #tpu.memory_space<vmem_shared>> -> memref<128x128xf32, #tpu.memory_space<vmem_shared>>
        tpu.wait_dma2 semaphore(%run_scoped3A_89 : memref<!tpu.dma_semaphore, #tpu.memory_space<semaphore_mem>>) src(%arg11 : memref<128x128xf32, #tpu.memory_space<vmem>>) dst(%dma_wait3A_95 : memref<128x128xf32, #tpu.memory_space<vmem_shared>>)
        tpu.yield
      }) : () -> ()
      %mul3A_83 = arith.constant 640 : i32
      %mul3A_84 = arith.muli %arg1, %mul3A_83 : i32
      %mul3A_85 = arith.constant 128 : i32
      %mul3A_86 = arith.muli %scan3A_76, %mul3A_85 : i32
      %add3A_87 = arith.addi %mul3A_84, %mul3A_86 : i32
      %run_scoped3A = arith.constant 0 : i32
      "tpu.region"() ({
        %run_scoped3A_89 = tpu.sem_alloc : memref<!tpu.dma_semaphore, #tpu.memory_space<semaphore_mem>>
        %dma_start3A = arith.constant 0 : i32
        %dma_start3A_90 = tpu.memref_slice %arg11[%run_scoped3A, %dma_start3A] : memref<128x128xf32, #tpu.memory_space<vmem>> -> memref<1x128xf32, #tpu.memory_space<vmem>>
        %dma_start3A_91 = tpu.memref_squeeze %dma_start3A_90 : memref<1x128xf32, #tpu.memory_space<vmem>> -> memref<128xf32, #tpu.memory_space<vmem>>
        %dma_start3A_92 = tpu.memref_slice %arg8[%add3A_87] : memref<10240xf32, #tpu.memory_space<vmem_shared>> -> memref<128xf32, #tpu.memory_space<vmem_shared>>
        %dma_start3A_93 = tpu.memref_slice %arg8[%add3A_87] : memref<10240xf32, #tpu.memory_space<vmem_shared>> -> memref<128xf32, #tpu.memory_space<vmem_shared>>
        %dma_start3A_94 = arith.constant 0 : i32
        %dma_start3A_95 = tpu.memref_slice %arg11[%run_scoped3A, %dma_start3A_94] : memref<128x128xf32, #tpu.memory_space<vmem>> -> memref<1x128xf32, #tpu.memory_space<vmem>>
        %dma_start3A_96 = tpu.memref_squeeze %dma_start3A_95 : memref<1x128xf32, #tpu.memory_space<vmem>> -> memref<128xf32, #tpu.memory_space<vmem>>
        tpu.enqueue_dma source(%dma_start3A_96 : memref<128xf32, #tpu.memory_space<vmem>>) target(%dma_start3A_93 : memref<128xf32, #tpu.memory_space<vmem_shared>>) target_semaphore(%run_scoped3A_89 : memref<!tpu.dma_semaphore, #tpu.memory_space<semaphore_mem>>)
        %dma_wait3A = arith.constant 0 : i32
        %dma_wait3A_97 = tpu.memref_slice %arg11[%run_scoped3A, %dma_wait3A] : memref<128x128xf32, #tpu.memory_space<vmem>> -> memref<1x128xf32, #tpu.memory_space<vmem>>
        %dma_wait3A_98 = tpu.memref_squeeze %dma_wait3A_97 : memref<1x128xf32, #tpu.memory_space<vmem>> -> memref<128xf32, #tpu.memory_space<vmem>>
        %dma_wait3A_99 = tpu.memref_slice %arg8[%add3A_87] : memref<10240xf32, #tpu.memory_space<vmem_shared>> -> memref<128xf32, #tpu.memory_space<vmem_shared>>
        %dma_wait3A_100 = tpu.memref_slice %arg8[%add3A_87] : memref<10240xf32, #tpu.memory_space<vmem_shared>> -> memref<128xf32, #tpu.memory_space<vmem_shared>>
        %dma_wait3A_101 = arith.constant 0 : i32
        %dma_wait3A_102 = tpu.memref_slice %arg11[%run_scoped3A, %dma_wait3A_101] : memref<128x128xf32, #tpu.memory_space<vmem>> -> memref<1x128xf32, #tpu.memory_space<vmem>>
        %dma_wait3A_103 = tpu.memref_squeeze %dma_wait3A_102 : memref<1x128xf32, #tpu.memory_space<vmem>> -> memref<128xf32, #tpu.memory_space<vmem>>
        tpu.wait_dma2 semaphore(%run_scoped3A_89 : memref<!tpu.dma_semaphore, #tpu.memory_space<semaphore_mem>>) src(%dma_wait3A_103 : memref<128xf32, #tpu.memory_space<vmem>>) dst(%dma_wait3A_100 : memref<128xf32, #tpu.memory_space<vmem_shared>>)
        tpu.yield
      }) : () -> ()
      %scan3A_88 = arith.constant 0 : i32
      scf.yield %scan3A_88 : i32
    }
    %scan3A_38 = arith.constant 5 : i32
    %barrier3A = arith.constant 0 : index
    tpu.barrier barrier_id(%barrier3A)
    %eq3A = arith.constant 0 : i32
    %eq3A_39 = arith.cmpi eq, %arg0, %eq3A : i32
    %mul3A_40 = arith.constant 80 : i32
    %mul3A_41 = arith.muli %arg1, %mul3A_40 : i32
    %mul3A_42 = arith.constant 80 : i32
    %mul3A_43 = arith.muli %arg1, %mul3A_42 : i32
    %add3A_44 = arith.constant 1280 : i32
    %add3A_45 = arith.addi %add3A_44, %mul3A_43 : i32
    %select_n3A = arith.select %eq3A_39, %mul3A_41, %add3A_45 : i32
    %eq3A_46 = arith.constant 0 : i32
    %eq3A_47 = arith.cmpi eq, %arg0, %eq3A_46 : i32
    %jit3A = arith.constant 5 : i32
    %jit3A_48 = arith.constant 5 : i32
    %select_n3A_49 = arith.select %eq3A_47, %jit3A, %jit3A_48 : i32
    %while3A = arith.constant 0 : i32
    %while3A_50 = arith.constant 0 : i32
    %while3A_51 = arith.subi %select_n3A_49, %while3A : i32
    %while3A_52 = arith.addi %while3A, %while3A_51 : i32
    %while3A_53 = arith.constant 1 : i32
    %while3A_54 = arith.divsi %while3A_51, %while3A_53 : i32
    %while3A_55 = arith.muli %while3A_54, %while3A_53 : i32
    %while3A_56 = arith.addi %while3A, %while3A_55 : i32
    %while3A_57 = arith.constant 1 : i32
    %while3A_58 = scf.for %while3A_76 = %while3A to %while3A_56 step %while3A_57 iter_args(%while3A_77 = %while3A_50) -> (i32)  : i32 {
      %mul3A_78 = arith.constant 16 : i32
      %mul3A_79 = arith.muli %while3A_76, %mul3A_78 : i32
      %add3A_80 = arith.addi %select_n3A, %mul3A_79 : i32
      "tpu.region"() ({
        %run_scoped3A = tpu.sem_alloc : memref<!tpu.dma_semaphore, #tpu.memory_space<semaphore_mem>>
        %dma_start3A_101 = arith.constant 0 : i32
        %dma_start3A_102 = tpu.memref_slice %arg3[%add3A_80, %dma_start3A_101] : memref<2560x128xi32, #tpu.memory_space<hbm>> -> memref<16x128xi32, #tpu.memory_space<hbm>>
        %dma_start3A_103 = arith.constant 0 : i32
        %dma_start3A_104 = tpu.memref_slice %arg3[%add3A_80, %dma_start3A_103] : memref<2560x128xi32, #tpu.memory_space<hbm>> -> memref<16x128xi32, #tpu.memory_space<hbm>>
        tpu.enqueue_dma source(%dma_start3A_104 : memref<16x128xi32, #tpu.memory_space<hbm>>) target(%arg9 : memref<16x128xi32, #tpu.memory_space<vmem>>) target_semaphore(%run_scoped3A : memref<!tpu.dma_semaphore, #tpu.memory_space<semaphore_mem>>)
        %dma_wait3A = arith.constant 0 : i32
        %dma_wait3A_105 = tpu.memref_slice %arg3[%add3A_80, %dma_wait3A] : memref<2560x128xi32, #tpu.memory_space<hbm>> -> memref<16x128xi32, #tpu.memory_space<hbm>>
        %dma_wait3A_106 = arith.constant 0 : i32
        %dma_wait3A_107 = tpu.memref_slice %arg3[%add3A_80, %dma_wait3A_106] : memref<2560x128xi32, #tpu.memory_space<hbm>> -> memref<16x128xi32, #tpu.memory_space<hbm>>
        tpu.wait_dma2 semaphore(%run_scoped3A : memref<!tpu.dma_semaphore, #tpu.memory_space<semaphore_mem>>) src(%dma_wait3A_107 : memref<16x128xi32, #tpu.memory_space<hbm>>) dst(%arg9 : memref<16x128xi32, #tpu.memory_space<vmem>>)
        tpu.yield
      }) : () -> ()
      "tpu.region"() ({
        %run_scoped3A = tpu.sem_alloc : memref<!tpu.dma_semaphore, #tpu.memory_space<semaphore_mem>>
        %dma_start3A_101 = arith.constant 0 : i32
        %dma_start3A_102 = tpu.memref_slice %arg4[%add3A_80, %dma_start3A_101] : memref<2560x128xi32, #tpu.memory_space<hbm>> -> memref<16x128xi32, #tpu.memory_space<hbm>>
        %dma_start3A_103 = arith.constant 0 : i32
        %dma_start3A_104 = tpu.memref_slice %arg4[%add3A_80, %dma_start3A_103] : memref<2560x128xi32, #tpu.memory_space<hbm>> -> memref<16x128xi32, #tpu.memory_space<hbm>>
        tpu.enqueue_dma source(%dma_start3A_104 : memref<16x128xi32, #tpu.memory_space<hbm>>) target(%arg10 : memref<16x128xi32, #tpu.memory_space<vmem>>) target_semaphore(%run_scoped3A : memref<!tpu.dma_semaphore, #tpu.memory_space<semaphore_mem>>)
        %dma_wait3A = arith.constant 0 : i32
        %dma_wait3A_105 = tpu.memref_slice %arg4[%add3A_80, %dma_wait3A] : memref<2560x128xi32, #tpu.memory_space<hbm>> -> memref<16x128xi32, #tpu.memory_space<hbm>>
        %dma_wait3A_106 = arith.constant 0 : i32
        %dma_wait3A_107 = tpu.memref_slice %arg4[%add3A_80, %dma_wait3A_106] : memref<2560x128xi32, #tpu.memory_space<hbm>> -> memref<16x128xi32, #tpu.memory_space<hbm>>
        tpu.wait_dma2 semaphore(%run_scoped3A : memref<!tpu.dma_semaphore, #tpu.memory_space<semaphore_mem>>) src(%dma_wait3A_107 : memref<16x128xi32, #tpu.memory_space<hbm>>) dst(%arg10 : memref<16x128xi32, #tpu.memory_space<vmem>>)
        tpu.yield
      }) : () -> ()
      %dma_start3A = arith.constant 0 : i32
      %dma_start3A_81 = arith.constant 0 : i32
      %dma_start3A_82 = tpu.memref_slice %arg9[%dma_start3A, %dma_start3A_81] : memref<16x128xi32, #tpu.memory_space<vmem>> -> memref<1x128xi32, #tpu.memory_space<vmem>>
      %dma_start3A_83 = tpu.memref_squeeze %dma_start3A_82 : memref<1x128xi32, #tpu.memory_space<vmem>> -> memref<128xi32, #tpu.memory_space<vmem>>
      %dma_start3A_84 = arith.constant 0 : i32
      %dma_start3A_85 = arith.constant 0 : i32
      %dma_start3A_86 = tpu.memref_slice %arg2[%dma_start3A_84, %dma_start3A_85] : memref<10240x128xf32, #tpu.memory_space<hbm>> -> memref<10240x128xf32, #tpu.memory_space<hbm>>
      tpu.enqueue_indirect_dma source(%dma_start3A_86 : memref<10240x128xf32, #tpu.memory_space<hbm>>) target(%arg11 : memref<128x128xf32, #tpu.memory_space<vmem>>) offsets(%dma_start3A_83 : memref<128xi32, #tpu.memory_space<vmem>>) semaphore(%arg14 : memref<!tpu.dma_semaphore, #tpu.memory_space<semaphore_mem>>)
      %scan3A_87 = arith.constant 0 : i32
      %scan3A_88 = arith.constant 0 : i32
      %scan3A_89 = arith.constant 8 : i32
      %scan3A_90 = arith.addi %scan3A_88, %scan3A_89 : i32
      %scan3A_91 = arith.constant 1 : i32
      %scan3A_92 = scf.for %scan3A_101 = %scan3A_88 to %scan3A_90 step %scan3A_91 iter_args(%scan3A_102 = %scan3A_87) -> (i32)  : i32 {
        %mul3A_103 = arith.constant 2 : i32
        %mul3A_104 = arith.muli %mul3A_103, %scan3A_101 : i32
        %add3A_105 = arith.constant 1 : i32
        %add3A_106 = arith.addi %mul3A_104, %add3A_105 : i32
        %dma_start3A_107 = arith.constant 0 : i32
        %dma_start3A_108 = tpu.memref_slice %arg9[%add3A_106, %dma_start3A_107] : memref<16x128xi32, #tpu.memory_space<vmem>> -> memref<1x128xi32, #tpu.memory_space<vmem>>
        %dma_start3A_109 = tpu.memref_squeeze %dma_start3A_108 : memref<1x128xi32, #tpu.memory_space<vmem>> -> memref<128xi32, #tpu.memory_space<vmem>>
        %dma_start3A_110 = arith.constant 0 : i32
        %dma_start3A_111 = arith.constant 0 : i32
        %dma_start3A_112 = tpu.memref_slice %arg2[%dma_start3A_110, %dma_start3A_111] : memref<10240x128xf32, #tpu.memory_space<hbm>> -> memref<10240x128xf32, #tpu.memory_space<hbm>>
        tpu.enqueue_indirect_dma source(%dma_start3A_112 : memref<10240x128xf32, #tpu.memory_space<hbm>>) target(%arg12 : memref<128x128xf32, #tpu.memory_space<vmem>>) offsets(%dma_start3A_109 : memref<128xi32, #tpu.memory_space<vmem>>) semaphore(%arg15 : memref<!tpu.dma_semaphore, #tpu.memory_space<semaphore_mem>>)
        %dma_wait3A = arith.constant 0 : i32
        %dma_wait3A_113 = tpu.memref_slice %arg9[%mul3A_104, %dma_wait3A] : memref<16x128xi32, #tpu.memory_space<vmem>> -> memref<1x128xi32, #tpu.memory_space<vmem>>
        %dma_wait3A_114 = tpu.memref_squeeze %dma_wait3A_113 : memref<1x128xi32, #tpu.memory_space<vmem>> -> memref<128xi32, #tpu.memory_space<vmem>>
        %dma_wait3A_115 = arith.constant 0 : i32
        %dma_wait3A_116 = arith.constant 0 : i32
        %dma_wait3A_117 = tpu.memref_slice %arg2[%dma_wait3A_115, %dma_wait3A_116] : memref<10240x128xf32, #tpu.memory_space<hbm>> -> memref<10240x128xf32, #tpu.memory_space<hbm>>
        tpu.wait_indirect_dma semaphore(%arg14 : memref<!tpu.dma_semaphore, #tpu.memory_space<semaphore_mem>>) src(%dma_wait3A_117 : memref<10240x128xf32, #tpu.memory_space<hbm>>) dst(%arg11 : memref<128x128xf32, #tpu.memory_space<vmem>>)
        "tpu.region"() ({
          %run_scoped3A = tpu.sem_alloc : memref<!tpu.dma_semaphore, #tpu.memory_space<semaphore_mem>>
          %dma_start3A_143 = arith.constant 0 : i32
          %dma_start3A_144 = tpu.memref_slice %arg10[%mul3A_104, %dma_start3A_143] : memref<16x128xi32, #tpu.memory_space<vmem>> -> memref<1x128xi32, #tpu.memory_space<vmem>>
          %dma_start3A_145 = tpu.memref_squeeze %dma_start3A_144 : memref<1x128xi32, #tpu.memory_space<vmem>> -> memref<128xi32, #tpu.memory_space<vmem>>
          %dma_start3A_146 = arith.constant 0 : i32
          %dma_start3A_147 = arith.constant 0 : i32
          %dma_start3A_148 = tpu.memref_slice %arg7[%dma_start3A_146, %dma_start3A_147] : memref<10240x128xf32, #tpu.memory_space<vmem_shared>> -> memref<10240x128xf32, #tpu.memory_space<vmem_shared>>
          tpu.enqueue_indirect_dma source(%arg11 : memref<128x128xf32, #tpu.memory_space<vmem>>) target(%dma_start3A_148 : memref<10240x128xf32, #tpu.memory_space<vmem_shared>>) offsets(%dma_start3A_145 : memref<128xi32, #tpu.memory_space<vmem>>) semaphore(%run_scoped3A : memref<!tpu.dma_semaphore, #tpu.memory_space<semaphore_mem>>) {add = true}
          %dma_wait3A_149 = arith.constant 0 : i32
          %dma_wait3A_150 = tpu.memref_slice %arg10[%mul3A_104, %dma_wait3A_149] : memref<16x128xi32, #tpu.memory_space<vmem>> -> memref<1x128xi32, #tpu.memory_space<vmem>>
          %dma_wait3A_151 = tpu.memref_squeeze %dma_wait3A_150 : memref<1x128xi32, #tpu.memory_space<vmem>> -> memref<128xi32, #tpu.memory_space<vmem>>
          %dma_wait3A_152 = arith.constant 0 : i32
          %dma_wait3A_153 = arith.constant 0 : i32
          %dma_wait3A_154 = tpu.memref_slice %arg7[%dma_wait3A_152, %dma_wait3A_153] : memref<10240x128xf32, #tpu.memory_space<vmem_shared>> -> memref<10240x128xf32, #tpu.memory_space<vmem_shared>>
          tpu.wait_indirect_dma semaphore(%run_scoped3A : memref<!tpu.dma_semaphore, #tpu.memory_space<semaphore_mem>>) src(%arg11 : memref<128x128xf32, #tpu.memory_space<vmem>>) dst(%dma_wait3A_154 : memref<10240x128xf32, #tpu.memory_space<vmem_shared>>)
          tpu.yield
        }) : () -> ()
        %dma_start3A_118 = arith.constant 0 : i32
        %dma_start3A_119 = tpu.memref_slice %arg10[%mul3A_104, %dma_start3A_118] : memref<16x128xi32, #tpu.memory_space<vmem>> -> memref<1x128xi32, #tpu.memory_space<vmem>>
        %dma_start3A_120 = tpu.memref_squeeze %dma_start3A_119 : memref<1x128xi32, #tpu.memory_space<vmem>> -> memref<128xi32, #tpu.memory_space<vmem>>
        %dma_start3A_121 = arith.constant 0 : i32
        %dma_start3A_122 = tpu.memref_slice %arg8[%dma_start3A_121] : memref<10240xf32, #tpu.memory_space<vmem_shared>> -> memref<10240xf32, #tpu.memory_space<vmem_shared>>
        tpu.enqueue_indirect_dma source(%arg13 : memref<128xf32, #tpu.memory_space<vmem>>) target(%dma_start3A_122 : memref<10240xf32, #tpu.memory_space<vmem_shared>>) offsets(%dma_start3A_120 : memref<128xi32, #tpu.memory_space<vmem>>) semaphore(%arg16 : memref<!tpu.dma_semaphore, #tpu.memory_space<semaphore_mem>>) {add = true}
        %lt3A = arith.constant 7 : i32
        %lt3A_123 = arith.cmpi slt, %scan3A_101, %lt3A : i32
        %convert_element_type3A = arith.extui %lt3A_123 : i1 to i32
        %cond3A = arith.constant 0 : i32
        %cond3A_124 = arith.cmpi ne, %convert_element_type3A, %cond3A : i32
        scf.if %cond3A_124 {
          %add3A_143 = arith.constant 2 : i32
          %add3A_144 = arith.addi %mul3A_104, %add3A_143 : i32
          %dma_start3A_145 = arith.constant 0 : i32
          %dma_start3A_146 = tpu.memref_slice %arg9[%add3A_144, %dma_start3A_145] : memref<16x128xi32, #tpu.memory_space<vmem>> -> memref<1x128xi32, #tpu.memory_space<vmem>>
          %dma_start3A_147 = tpu.memref_squeeze %dma_start3A_146 : memref<1x128xi32, #tpu.memory_space<vmem>> -> memref<128xi32, #tpu.memory_space<vmem>>
          %dma_start3A_148 = arith.constant 0 : i32
          %dma_start3A_149 = arith.constant 0 : i32
          %dma_start3A_150 = tpu.memref_slice %arg2[%dma_start3A_148, %dma_start3A_149] : memref<10240x128xf32, #tpu.memory_space<hbm>> -> memref<10240x128xf32, #tpu.memory_space<hbm>>
          tpu.enqueue_indirect_dma source(%dma_start3A_150 : memref<10240x128xf32, #tpu.memory_space<hbm>>) target(%arg11 : memref<128x128xf32, #tpu.memory_space<vmem>>) offsets(%dma_start3A_147 : memref<128xi32, #tpu.memory_space<vmem>>) semaphore(%arg14 : memref<!tpu.dma_semaphore, #tpu.memory_space<semaphore_mem>>)
        } else {
        }
        %add3A_125 = arith.constant 1 : i32
        %add3A_126 = arith.addi %mul3A_104, %add3A_125 : i32
        %dma_wait3A_127 = arith.constant 0 : i32
        %dma_wait3A_128 = tpu.memref_slice %arg9[%add3A_126, %dma_wait3A_127] : memref<16x128xi32, #tpu.memory_space<vmem>> -> memref<1x128xi32, #tpu.memory_space<vmem>>
        %dma_wait3A_129 = tpu.memref_squeeze %dma_wait3A_128 : memref<1x128xi32, #tpu.memory_space<vmem>> -> memref<128xi32, #tpu.memory_space<vmem>>
        %dma_wait3A_130 = arith.constant 0 : i32
        %dma_wait3A_131 = arith.constant 0 : i32
        %dma_wait3A_132 = tpu.memref_slice %arg2[%dma_wait3A_130, %dma_wait3A_131] : memref<10240x128xf32, #tpu.memory_space<hbm>> -> memref<10240x128xf32, #tpu.memory_space<hbm>>
        tpu.wait_indirect_dma semaphore(%arg15 : memref<!tpu.dma_semaphore, #tpu.memory_space<semaphore_mem>>) src(%dma_wait3A_132 : memref<10240x128xf32, #tpu.memory_space<hbm>>) dst(%arg12 : memref<128x128xf32, #tpu.memory_space<vmem>>)
        %add3A_133 = arith.constant 1 : i32
        %add3A_134 = arith.addi %mul3A_104, %add3A_133 : i32
        "tpu.region"() ({
          %run_scoped3A = tpu.sem_alloc : memref<!tpu.dma_semaphore, #tpu.memory_space<semaphore_mem>>
          %dma_start3A_143 = arith.constant 0 : i32
          %dma_start3A_144 = tpu.memref_slice %arg10[%add3A_134, %dma_start3A_143] : memref<16x128xi32, #tpu.memory_space<vmem>> -> memref<1x128xi32, #tpu.memory_space<vmem>>
          %dma_start3A_145 = tpu.memref_squeeze %dma_start3A_144 : memref<1x128xi32, #tpu.memory_space<vmem>> -> memref<128xi32, #tpu.memory_space<vmem>>
          %dma_start3A_146 = arith.constant 0 : i32
          %dma_start3A_147 = arith.constant 0 : i32
          %dma_start3A_148 = tpu.memref_slice %arg7[%dma_start3A_146, %dma_start3A_147] : memref<10240x128xf32, #tpu.memory_space<vmem_shared>> -> memref<10240x128xf32, #tpu.memory_space<vmem_shared>>
          tpu.enqueue_indirect_dma source(%arg12 : memref<128x128xf32, #tpu.memory_space<vmem>>) target(%dma_start3A_148 : memref<10240x128xf32, #tpu.memory_space<vmem_shared>>) offsets(%dma_start3A_145 : memref<128xi32, #tpu.memory_space<vmem>>) semaphore(%run_scoped3A : memref<!tpu.dma_semaphore, #tpu.memory_space<semaphore_mem>>) {add = true}
          %dma_wait3A_149 = arith.constant 0 : i32
          %dma_wait3A_150 = tpu.memref_slice %arg10[%add3A_134, %dma_wait3A_149] : memref<16x128xi32, #tpu.memory_space<vmem>> -> memref<1x128xi32, #tpu.memory_space<vmem>>
          %dma_wait3A_151 = tpu.memref_squeeze %dma_wait3A_150 : memref<1x128xi32, #tpu.memory_space<vmem>> -> memref<128xi32, #tpu.memory_space<vmem>>
          %dma_wait3A_152 = arith.constant 0 : i32
          %dma_wait3A_153 = arith.constant 0 : i32
          %dma_wait3A_154 = tpu.memref_slice %arg7[%dma_wait3A_152, %dma_wait3A_153] : memref<10240x128xf32, #tpu.memory_space<vmem_shared>> -> memref<10240x128xf32, #tpu.memory_space<vmem_shared>>
          tpu.wait_indirect_dma semaphore(%run_scoped3A : memref<!tpu.dma_semaphore, #tpu.memory_space<semaphore_mem>>) src(%arg12 : memref<128x128xf32, #tpu.memory_space<vmem>>) dst(%dma_wait3A_154 : memref<10240x128xf32, #tpu.memory_space<vmem_shared>>)
          tpu.yield
        }) : () -> ()
        %add3A_135 = arith.constant 1 : i32
        %add3A_136 = arith.addi %mul3A_104, %add3A_135 : i32
        %dma_start3A_137 = arith.constant 0 : i32
        %dma_start3A_138 = tpu.memref_slice %arg10[%add3A_136, %dma_start3A_137] : memref<16x128xi32, #tpu.memory_space<vmem>> -> memref<1x128xi32, #tpu.memory_space<vmem>>
        %dma_start3A_139 = tpu.memref_squeeze %dma_start3A_138 : memref<1x128xi32, #tpu.memory_space<vmem>> -> memref<128xi32, #tpu.memory_space<vmem>>
        %dma_start3A_140 = arith.constant 0 : i32
        %dma_start3A_141 = tpu.memref_slice %arg8[%dma_start3A_140] : memref<10240xf32, #tpu.memory_space<vmem_shared>> -> memref<10240xf32, #tpu.memory_space<vmem_shared>>
        tpu.enqueue_indirect_dma source(%arg13 : memref<128xf32, #tpu.memory_space<vmem>>) target(%dma_start3A_141 : memref<10240xf32, #tpu.memory_space<vmem_shared>>) offsets(%dma_start3A_139 : memref<128xi32, #tpu.memory_space<vmem>>) semaphore(%arg16 : memref<!tpu.dma_semaphore, #tpu.memory_space<semaphore_mem>>) {add = true}
        %scan3A_142 = arith.constant 0 : i32
        scf.yield %scan3A_142 : i32
      }
      %scan3A_93 = arith.constant 8 : i32
      %scan3A_94 = arith.constant 0 : i32
      %scan3A_95 = arith.constant 0 : i32
      %scan3A_96 = arith.constant 16 : i32
      %scan3A_97 = arith.addi %scan3A_95, %scan3A_96 : i32
      %scan3A_98 = arith.constant 1 : i32
      %scan3A_99 = scf.for %scan3A_101 = %scan3A_95 to %scan3A_97 step %scan3A_98 iter_args(%scan3A_102 = %scan3A_94) -> (i32)  : i32 {
        %dma_wait3A = arith.constant 0 : i32
        %dma_wait3A_103 = arith.constant 0 : i32
        %dma_wait3A_104 = tpu.memref_slice %arg10[%dma_wait3A, %dma_wait3A_103] : memref<16x128xi32, #tpu.memory_space<vmem>> -> memref<1x128xi32, #tpu.memory_space<vmem>>
        %dma_wait3A_105 = tpu.memref_squeeze %dma_wait3A_104 : memref<1x128xi32, #tpu.memory_space<vmem>> -> memref<128xi32, #tpu.memory_space<vmem>>
        %dma_wait3A_106 = arith.constant 0 : i32
        %dma_wait3A_107 = tpu.memref_slice %arg8[%dma_wait3A_106] : memref<10240xf32, #tpu.memory_space<vmem_shared>> -> memref<10240xf32, #tpu.memory_space<vmem_shared>>
        tpu.wait_indirect_dma semaphore(%arg16 : memref<!tpu.dma_semaphore, #tpu.memory_space<semaphore_mem>>) src(%arg13 : memref<128xf32, #tpu.memory_space<vmem>>) dst(%dma_wait3A_107 : memref<10240xf32, #tpu.memory_space<vmem_shared>>)
        %scan3A_108 = arith.constant 0 : i32
        scf.yield %scan3A_108 : i32
      }
      %scan3A_100 = arith.constant 16 : i32
      scf.yield %scan3A_99 : i32
    }
    %while3A_59 = arith.constant 1 : i32
    %while3A_60 = scf.for %while3A_76 = %while3A_56 to %while3A_52 step %while3A_59 iter_args(%while3A_77 = %while3A_58) -> (i32)  : i32 {
      %mul3A_78 = arith.constant 16 : i32
      %mul3A_79 = arith.muli %while3A_76, %mul3A_78 : i32
      %add3A_80 = arith.addi %select_n3A, %mul3A_79 : i32
      "tpu.region"() ({
        %run_scoped3A = tpu.sem_alloc : memref<!tpu.dma_semaphore, #tpu.memory_space<semaphore_mem>>
        %dma_start3A_101 = arith.constant 0 : i32
        %dma_start3A_102 = tpu.memref_slice %arg3[%add3A_80, %dma_start3A_101] : memref<2560x128xi32, #tpu.memory_space<hbm>> -> memref<16x128xi32, #tpu.memory_space<hbm>>
        %dma_start3A_103 = arith.constant 0 : i32
        %dma_start3A_104 = tpu.memref_slice %arg3[%add3A_80, %dma_start3A_103] : memref<2560x128xi32, #tpu.memory_space<hbm>> -> memref<16x128xi32, #tpu.memory_space<hbm>>
        tpu.enqueue_dma source(%dma_start3A_104 : memref<16x128xi32, #tpu.memory_space<hbm>>) target(%arg9 : memref<16x128xi32, #tpu.memory_space<vmem>>) target_semaphore(%run_scoped3A : memref<!tpu.dma_semaphore, #tpu.memory_space<semaphore_mem>>)
        %dma_wait3A = arith.constant 0 : i32
        %dma_wait3A_105 = tpu.memref_slice %arg3[%add3A_80, %dma_wait3A] : memref<2560x128xi32, #tpu.memory_space<hbm>> -> memref<16x128xi32, #tpu.memory_space<hbm>>
        %dma_wait3A_106 = arith.constant 0 : i32
        %dma_wait3A_107 = tpu.memref_slice %arg3[%add3A_80, %dma_wait3A_106] : memref<2560x128xi32, #tpu.memory_space<hbm>> -> memref<16x128xi32, #tpu.memory_space<hbm>>
        tpu.wait_dma2 semaphore(%run_scoped3A : memref<!tpu.dma_semaphore, #tpu.memory_space<semaphore_mem>>) src(%dma_wait3A_107 : memref<16x128xi32, #tpu.memory_space<hbm>>) dst(%arg9 : memref<16x128xi32, #tpu.memory_space<vmem>>)
        tpu.yield
      }) : () -> ()
      "tpu.region"() ({
        %run_scoped3A = tpu.sem_alloc : memref<!tpu.dma_semaphore, #tpu.memory_space<semaphore_mem>>
        %dma_start3A_101 = arith.constant 0 : i32
        %dma_start3A_102 = tpu.memref_slice %arg4[%add3A_80, %dma_start3A_101] : memref<2560x128xi32, #tpu.memory_space<hbm>> -> memref<16x128xi32, #tpu.memory_space<hbm>>
        %dma_start3A_103 = arith.constant 0 : i32
        %dma_start3A_104 = tpu.memref_slice %arg4[%add3A_80, %dma_start3A_103] : memref<2560x128xi32, #tpu.memory_space<hbm>> -> memref<16x128xi32, #tpu.memory_space<hbm>>
        tpu.enqueue_dma source(%dma_start3A_104 : memref<16x128xi32, #tpu.memory_space<hbm>>) target(%arg10 : memref<16x128xi32, #tpu.memory_space<vmem>>) target_semaphore(%run_scoped3A : memref<!tpu.dma_semaphore, #tpu.memory_space<semaphore_mem>>)
        %dma_wait3A = arith.constant 0 : i32
        %dma_wait3A_105 = tpu.memref_slice %arg4[%add3A_80, %dma_wait3A] : memref<2560x128xi32, #tpu.memory_space<hbm>> -> memref<16x128xi32, #tpu.memory_space<hbm>>
        %dma_wait3A_106 = arith.constant 0 : i32
        %dma_wait3A_107 = tpu.memref_slice %arg4[%add3A_80, %dma_wait3A_106] : memref<2560x128xi32, #tpu.memory_space<hbm>> -> memref<16x128xi32, #tpu.memory_space<hbm>>
        tpu.wait_dma2 semaphore(%run_scoped3A : memref<!tpu.dma_semaphore, #tpu.memory_space<semaphore_mem>>) src(%dma_wait3A_107 : memref<16x128xi32, #tpu.memory_space<hbm>>) dst(%arg10 : memref<16x128xi32, #tpu.memory_space<vmem>>)
        tpu.yield
      }) : () -> ()
      %dma_start3A = arith.constant 0 : i32
      %dma_start3A_81 = arith.constant 0 : i32
      %dma_start3A_82 = tpu.memref_slice %arg9[%dma_start3A, %dma_start3A_81] : memref<16x128xi32, #tpu.memory_space<vmem>> -> memref<1x128xi32, #tpu.memory_space<vmem>>
      %dma_start3A_83 = tpu.memref_squeeze %dma_start3A_82 : memref<1x128xi32, #tpu.memory_space<vmem>> -> memref<128xi32, #tpu.memory_space<vmem>>
      %dma_start3A_84 = arith.constant 0 : i32
      %dma_start3A_85 = arith.constant 0 : i32
      %dma_start3A_86 = tpu.memref_slice %arg2[%dma_start3A_84, %dma_start3A_85] : memref<10240x128xf32, #tpu.memory_space<hbm>> -> memref<10240x128xf32, #tpu.memory_space<hbm>>
      tpu.enqueue_indirect_dma source(%dma_start3A_86 : memref<10240x128xf32, #tpu.memory_space<hbm>>) target(%arg11 : memref<128x128xf32, #tpu.memory_space<vmem>>) offsets(%dma_start3A_83 : memref<128xi32, #tpu.memory_space<vmem>>) semaphore(%arg14 : memref<!tpu.dma_semaphore, #tpu.memory_space<semaphore_mem>>)
      %scan3A_87 = arith.constant 0 : i32
      %scan3A_88 = arith.constant 0 : i32
      %scan3A_89 = arith.constant 8 : i32
      %scan3A_90 = arith.addi %scan3A_88, %scan3A_89 : i32
      %scan3A_91 = arith.constant 1 : i32
      %scan3A_92 = scf.for %scan3A_101 = %scan3A_88 to %scan3A_90 step %scan3A_91 iter_args(%scan3A_102 = %scan3A_87) -> (i32)  : i32 {
        %mul3A_103 = arith.constant 2 : i32
        %mul3A_104 = arith.muli %mul3A_103, %scan3A_101 : i32
        %add3A_105 = arith.constant 1 : i32
        %add3A_106 = arith.addi %mul3A_104, %add3A_105 : i32
        %dma_start3A_107 = arith.constant 0 : i32
        %dma_start3A_108 = tpu.memref_slice %arg9[%add3A_106, %dma_start3A_107] : memref<16x128xi32, #tpu.memory_space<vmem>> -> memref<1x128xi32, #tpu.memory_space<vmem>>
        %dma_start3A_109 = tpu.memref_squeeze %dma_start3A_108 : memref<1x128xi32, #tpu.memory_space<vmem>> -> memref<128xi32, #tpu.memory_space<vmem>>
        %dma_start3A_110 = arith.constant 0 : i32
        %dma_start3A_111 = arith.constant 0 : i32
        %dma_start3A_112 = tpu.memref_slice %arg2[%dma_start3A_110, %dma_start3A_111] : memref<10240x128xf32, #tpu.memory_space<hbm>> -> memref<10240x128xf32, #tpu.memory_space<hbm>>
        tpu.enqueue_indirect_dma source(%dma_start3A_112 : memref<10240x128xf32, #tpu.memory_space<hbm>>) target(%arg12 : memref<128x128xf32, #tpu.memory_space<vmem>>) offsets(%dma_start3A_109 : memref<128xi32, #tpu.memory_space<vmem>>) semaphore(%arg15 : memref<!tpu.dma_semaphore, #tpu.memory_space<semaphore_mem>>)
        %dma_wait3A = arith.constant 0 : i32
        %dma_wait3A_113 = tpu.memref_slice %arg9[%mul3A_104, %dma_wait3A] : memref<16x128xi32, #tpu.memory_space<vmem>> -> memref<1x128xi32, #tpu.memory_space<vmem>>
        %dma_wait3A_114 = tpu.memref_squeeze %dma_wait3A_113 : memref<1x128xi32, #tpu.memory_space<vmem>> -> memref<128xi32, #tpu.memory_space<vmem>>
        %dma_wait3A_115 = arith.constant 0 : i32
        %dma_wait3A_116 = arith.constant 0 : i32
        %dma_wait3A_117 = tpu.memref_slice %arg2[%dma_wait3A_115, %dma_wait3A_116] : memref<10240x128xf32, #tpu.memory_space<hbm>> -> memref<10240x128xf32, #tpu.memory_space<hbm>>
        tpu.wait_indirect_dma semaphore(%arg14 : memref<!tpu.dma_semaphore, #tpu.memory_space<semaphore_mem>>) src(%dma_wait3A_117 : memref<10240x128xf32, #tpu.memory_space<hbm>>) dst(%arg11 : memref<128x128xf32, #tpu.memory_space<vmem>>)
        "tpu.region"() ({
          %run_scoped3A = tpu.sem_alloc : memref<!tpu.dma_semaphore, #tpu.memory_space<semaphore_mem>>
          %dma_start3A_143 = arith.constant 0 : i32
          %dma_start3A_144 = tpu.memref_slice %arg10[%mul3A_104, %dma_start3A_143] : memref<16x128xi32, #tpu.memory_space<vmem>> -> memref<1x128xi32, #tpu.memory_space<vmem>>
          %dma_start3A_145 = tpu.memref_squeeze %dma_start3A_144 : memref<1x128xi32, #tpu.memory_space<vmem>> -> memref<128xi32, #tpu.memory_space<vmem>>
          %dma_start3A_146 = arith.constant 0 : i32
          %dma_start3A_147 = arith.constant 0 : i32
          %dma_start3A_148 = tpu.memref_slice %arg7[%dma_start3A_146, %dma_start3A_147] : memref<10240x128xf32, #tpu.memory_space<vmem_shared>> -> memref<10240x128xf32, #tpu.memory_space<vmem_shared>>
          tpu.enqueue_indirect_dma source(%arg11 : memref<128x128xf32, #tpu.memory_space<vmem>>) target(%dma_start3A_148 : memref<10240x128xf32, #tpu.memory_space<vmem_shared>>) offsets(%dma_start3A_145 : memref<128xi32, #tpu.memory_space<vmem>>) semaphore(%run_scoped3A : memref<!tpu.dma_semaphore, #tpu.memory_space<semaphore_mem>>) {add = true}
          %dma_wait3A_149 = arith.constant 0 : i32
          %dma_wait3A_150 = tpu.memref_slice %arg10[%mul3A_104, %dma_wait3A_149] : memref<16x128xi32, #tpu.memory_space<vmem>> -> memref<1x128xi32, #tpu.memory_space<vmem>>
          %dma_wait3A_151 = tpu.memref_squeeze %dma_wait3A_150 : memref<1x128xi32, #tpu.memory_space<vmem>> -> memref<128xi32, #tpu.memory_space<vmem>>
          %dma_wait3A_152 = arith.constant 0 : i32
          %dma_wait3A_153 = arith.constant 0 : i32
          %dma_wait3A_154 = tpu.memref_slice %arg7[%dma_wait3A_152, %dma_wait3A_153] : memref<10240x128xf32, #tpu.memory_space<vmem_shared>> -> memref<10240x128xf32, #tpu.memory_space<vmem_shared>>
          tpu.wait_indirect_dma semaphore(%run_scoped3A : memref<!tpu.dma_semaphore, #tpu.memory_space<semaphore_mem>>) src(%arg11 : memref<128x128xf32, #tpu.memory_space<vmem>>) dst(%dma_wait3A_154 : memref<10240x128xf32, #tpu.memory_space<vmem_shared>>)
          tpu.yield
        }) : () -> ()
        %dma_start3A_118 = arith.constant 0 : i32
        %dma_start3A_119 = tpu.memref_slice %arg10[%mul3A_104, %dma_start3A_118] : memref<16x128xi32, #tpu.memory_space<vmem>> -> memref<1x128xi32, #tpu.memory_space<vmem>>
        %dma_start3A_120 = tpu.memref_squeeze %dma_start3A_119 : memref<1x128xi32, #tpu.memory_space<vmem>> -> memref<128xi32, #tpu.memory_space<vmem>>
        %dma_start3A_121 = arith.constant 0 : i32
        %dma_start3A_122 = tpu.memref_slice %arg8[%dma_start3A_121] : memref<10240xf32, #tpu.memory_space<vmem_shared>> -> memref<10240xf32, #tpu.memory_space<vmem_shared>>
        tpu.enqueue_indirect_dma source(%arg13 : memref<128xf32, #tpu.memory_space<vmem>>) target(%dma_start3A_122 : memref<10240xf32, #tpu.memory_space<vmem_shared>>) offsets(%dma_start3A_120 : memref<128xi32, #tpu.memory_space<vmem>>) semaphore(%arg16 : memref<!tpu.dma_semaphore, #tpu.memory_space<semaphore_mem>>) {add = true}
        %lt3A = arith.constant 7 : i32
        %lt3A_123 = arith.cmpi slt, %scan3A_101, %lt3A : i32
        %convert_element_type3A = arith.extui %lt3A_123 : i1 to i32
        %cond3A = arith.constant 0 : i32
        %cond3A_124 = arith.cmpi ne, %convert_element_type3A, %cond3A : i32
        scf.if %cond3A_124 {
          %add3A_143 = arith.constant 2 : i32
          %add3A_144 = arith.addi %mul3A_104, %add3A_143 : i32
          %dma_start3A_145 = arith.constant 0 : i32
          %dma_start3A_146 = tpu.memref_slice %arg9[%add3A_144, %dma_start3A_145] : memref<16x128xi32, #tpu.memory_space<vmem>> -> memref<1x128xi32, #tpu.memory_space<vmem>>
          %dma_start3A_147 = tpu.memref_squeeze %dma_start3A_146 : memref<1x128xi32, #tpu.memory_space<vmem>> -> memref<128xi32, #tpu.memory_space<vmem>>
          %dma_start3A_148 = arith.constant 0 : i32
          %dma_start3A_149 = arith.constant 0 : i32
          %dma_start3A_150 = tpu.memref_slice %arg2[%dma_start3A_148, %dma_start3A_149] : memref<10240x128xf32, #tpu.memory_space<hbm>> -> memref<10240x128xf32, #tpu.memory_space<hbm>>
          tpu.enqueue_indirect_dma source(%dma_start3A_150 : memref<10240x128xf32, #tpu.memory_space<hbm>>) target(%arg11 : memref<128x128xf32, #tpu.memory_space<vmem>>) offsets(%dma_start3A_147 : memref<128xi32, #tpu.memory_space<vmem>>) semaphore(%arg14 : memref<!tpu.dma_semaphore, #tpu.memory_space<semaphore_mem>>)
        } else {
        }
        %add3A_125 = arith.constant 1 : i32
        %add3A_126 = arith.addi %mul3A_104, %add3A_125 : i32
        %dma_wait3A_127 = arith.constant 0 : i32
        %dma_wait3A_128 = tpu.memref_slice %arg9[%add3A_126, %dma_wait3A_127] : memref<16x128xi32, #tpu.memory_space<vmem>> -> memref<1x128xi32, #tpu.memory_space<vmem>>
        %dma_wait3A_129 = tpu.memref_squeeze %dma_wait3A_128 : memref<1x128xi32, #tpu.memory_space<vmem>> -> memref<128xi32, #tpu.memory_space<vmem>>
        %dma_wait3A_130 = arith.constant 0 : i32
        %dma_wait3A_131 = arith.constant 0 : i32
        %dma_wait3A_132 = tpu.memref_slice %arg2[%dma_wait3A_130, %dma_wait3A_131] : memref<10240x128xf32, #tpu.memory_space<hbm>> -> memref<10240x128xf32, #tpu.memory_space<hbm>>
        tpu.wait_indirect_dma semaphore(%arg15 : memref<!tpu.dma_semaphore, #tpu.memory_space<semaphore_mem>>) src(%dma_wait3A_132 : memref<10240x128xf32, #tpu.memory_space<hbm>>) dst(%arg12 : memref<128x128xf32, #tpu.memory_space<vmem>>)
        %add3A_133 = arith.constant 1 : i32
        %add3A_134 = arith.addi %mul3A_104, %add3A_133 : i32
        "tpu.region"() ({
          %run_scoped3A = tpu.sem_alloc : memref<!tpu.dma_semaphore, #tpu.memory_space<semaphore_mem>>
          %dma_start3A_143 = arith.constant 0 : i32
          %dma_start3A_144 = tpu.memref_slice %arg10[%add3A_134, %dma_start3A_143] : memref<16x128xi32, #tpu.memory_space<vmem>> -> memref<1x128xi32, #tpu.memory_space<vmem>>
          %dma_start3A_145 = tpu.memref_squeeze %dma_start3A_144 : memref<1x128xi32, #tpu.memory_space<vmem>> -> memref<128xi32, #tpu.memory_space<vmem>>
          %dma_start3A_146 = arith.constant 0 : i32
          %dma_start3A_147 = arith.constant 0 : i32
          %dma_start3A_148 = tpu.memref_slice %arg7[%dma_start3A_146, %dma_start3A_147] : memref<10240x128xf32, #tpu.memory_space<vmem_shared>> -> memref<10240x128xf32, #tpu.memory_space<vmem_shared>>
          tpu.enqueue_indirect_dma source(%arg12 : memref<128x128xf32, #tpu.memory_space<vmem>>) target(%dma_start3A_148 : memref<10240x128xf32, #tpu.memory_space<vmem_shared>>) offsets(%dma_start3A_145 : memref<128xi32, #tpu.memory_space<vmem>>) semaphore(%run_scoped3A : memref<!tpu.dma_semaphore, #tpu.memory_space<semaphore_mem>>) {add = true}
          %dma_wait3A_149 = arith.constant 0 : i32
          %dma_wait3A_150 = tpu.memref_slice %arg10[%add3A_134, %dma_wait3A_149] : memref<16x128xi32, #tpu.memory_space<vmem>> -> memref<1x128xi32, #tpu.memory_space<vmem>>
          %dma_wait3A_151 = tpu.memref_squeeze %dma_wait3A_150 : memref<1x128xi32, #tpu.memory_space<vmem>> -> memref<128xi32, #tpu.memory_space<vmem>>
          %dma_wait3A_152 = arith.constant 0 : i32
          %dma_wait3A_153 = arith.constant 0 : i32
          %dma_wait3A_154 = tpu.memref_slice %arg7[%dma_wait3A_152, %dma_wait3A_153] : memref<10240x128xf32, #tpu.memory_space<vmem_shared>> -> memref<10240x128xf32, #tpu.memory_space<vmem_shared>>
          tpu.wait_indirect_dma semaphore(%run_scoped3A : memref<!tpu.dma_semaphore, #tpu.memory_space<semaphore_mem>>) src(%arg12 : memref<128x128xf32, #tpu.memory_space<vmem>>) dst(%dma_wait3A_154 : memref<10240x128xf32, #tpu.memory_space<vmem_shared>>)
          tpu.yield
        }) : () -> ()
        %add3A_135 = arith.constant 1 : i32
        %add3A_136 = arith.addi %mul3A_104, %add3A_135 : i32
        %dma_start3A_137 = arith.constant 0 : i32
        %dma_start3A_138 = tpu.memref_slice %arg10[%add3A_136, %dma_start3A_137] : memref<16x128xi32, #tpu.memory_space<vmem>> -> memref<1x128xi32, #tpu.memory_space<vmem>>
        %dma_start3A_139 = tpu.memref_squeeze %dma_start3A_138 : memref<1x128xi32, #tpu.memory_space<vmem>> -> memref<128xi32, #tpu.memory_space<vmem>>
        %dma_start3A_140 = arith.constant 0 : i32
        %dma_start3A_141 = tpu.memref_slice %arg8[%dma_start3A_140] : memref<10240xf32, #tpu.memory_space<vmem_shared>> -> memref<10240xf32, #tpu.memory_space<vmem_shared>>
        tpu.enqueue_indirect_dma source(%arg13 : memref<128xf32, #tpu.memory_space<vmem>>) target(%dma_start3A_141 : memref<10240xf32, #tpu.memory_space<vmem_shared>>) offsets(%dma_start3A_139 : memref<128xi32, #tpu.memory_space<vmem>>) semaphore(%arg16 : memref<!tpu.dma_semaphore, #tpu.memory_space<semaphore_mem>>) {add = true}
        %scan3A_142 = arith.constant 0 : i32
        scf.yield %scan3A_142 : i32
      }
      %scan3A_93 = arith.constant 8 : i32
      %scan3A_94 = arith.constant 0 : i32
      %scan3A_95 = arith.constant 0 : i32
      %scan3A_96 = arith.constant 16 : i32
      %scan3A_97 = arith.addi %scan3A_95, %scan3A_96 : i32
      %scan3A_98 = arith.constant 1 : i32
      %scan3A_99 = scf.for %scan3A_101 = %scan3A_95 to %scan3A_97 step %scan3A_98 iter_args(%scan3A_102 = %scan3A_94) -> (i32)  : i32 {
        %dma_wait3A = arith.constant 0 : i32
        %dma_wait3A_103 = arith.constant 0 : i32
        %dma_wait3A_104 = tpu.memref_slice %arg10[%dma_wait3A, %dma_wait3A_103] : memref<16x128xi32, #tpu.memory_space<vmem>> -> memref<1x128xi32, #tpu.memory_space<vmem>>
        %dma_wait3A_105 = tpu.memref_squeeze %dma_wait3A_104 : memref<1x128xi32, #tpu.memory_space<vmem>> -> memref<128xi32, #tpu.memory_space<vmem>>
        %dma_wait3A_106 = arith.constant 0 : i32
        %dma_wait3A_107 = tpu.memref_slice %arg8[%dma_wait3A_106] : memref<10240xf32, #tpu.memory_space<vmem_shared>> -> memref<10240xf32, #tpu.memory_space<vmem_shared>>
        tpu.wait_indirect_dma semaphore(%arg16 : memref<!tpu.dma_semaphore, #tpu.memory_space<semaphore_mem>>) src(%arg13 : memref<128xf32, #tpu.memory_space<vmem>>) dst(%dma_wait3A_107 : memref<10240xf32, #tpu.memory_space<vmem_shared>>)
        %scan3A_108 = arith.constant 0 : i32
        scf.yield %scan3A_108 : i32
      }
      %scan3A_100 = arith.constant 16 : i32
      scf.yield %scan3A_99 : i32
    }
    %barrier3A_61 = arith.constant 0 : index
    tpu.barrier barrier_id(%barrier3A_61)
    %mul3A_62 = arith.constant 640 : i32
    %mul3A_63 = arith.muli %arg1, %mul3A_62 : i32
    %mul3A_64 = arith.constant 10240 : i32
    %mul3A_65 = arith.muli %arg0, %mul3A_64 : i32
    %mul3A_66 = arith.constant 640 : i32
    %mul3A_67 = arith.muli %arg1, %mul3A_66 : i32
    %add3A_68 = arith.addi %mul3A_65, %mul3A_67 : i32
    "tpu.region"() ({
      %run_scoped3A = tpu.sem_alloc : memref<!tpu.dma_semaphore, #tpu.memory_space<semaphore_mem>>
      %dma_start3A = arith.constant 0 : i32
      %dma_start3A_76 = tpu.memref_slice %arg5[%add3A_68, %dma_start3A] : memref<20480x128xf32, #tpu.memory_space<hbm>> -> memref<640x128xf32, #tpu.memory_space<hbm>>
      %dma_start3A_77 = arith.constant 0 : i32
      %dma_start3A_78 = tpu.memref_slice %arg7[%mul3A_63, %dma_start3A_77] : memref<10240x128xf32, #tpu.memory_space<vmem_shared>> -> memref<640x128xf32, #tpu.memory_space<vmem_shared>>
      tpu.enqueue_dma source(%dma_start3A_78 : memref<640x128xf32, #tpu.memory_space<vmem_shared>>) target(%dma_start3A_76 : memref<640x128xf32, #tpu.memory_space<hbm>>) target_semaphore(%run_scoped3A : memref<!tpu.dma_semaphore, #tpu.memory_space<semaphore_mem>>)
      %dma_wait3A = arith.constant 0 : i32
      %dma_wait3A_79 = tpu.memref_slice %arg5[%add3A_68, %dma_wait3A] : memref<20480x128xf32, #tpu.memory_space<hbm>> -> memref<640x128xf32, #tpu.memory_space<hbm>>
      %dma_wait3A_80 = arith.constant 0 : i32
      %dma_wait3A_81 = tpu.memref_slice %arg7[%mul3A_63, %dma_wait3A_80] : memref<10240x128xf32, #tpu.memory_space<vmem_shared>> -> memref<640x128xf32, #tpu.memory_space<vmem_shared>>
      tpu.wait_dma2 semaphore(%run_scoped3A : memref<!tpu.dma_semaphore, #tpu.memory_space<semaphore_mem>>) src(%dma_wait3A_81 : memref<640x128xf32, #tpu.memory_space<vmem_shared>>) dst(%dma_wait3A_79 : memref<640x128xf32, #tpu.memory_space<hbm>>)
      tpu.yield
    }) : () -> ()
    %mul3A_69 = arith.constant 640 : i32
    %mul3A_70 = arith.muli %arg1, %mul3A_69 : i32
    %mul3A_71 = arith.constant 10240 : i32
    %mul3A_72 = arith.muli %arg0, %mul3A_71 : i32
    %mul3A_73 = arith.constant 640 : i32
    %mul3A_74 = arith.muli %arg1, %mul3A_73 : i32
    %add3A_75 = arith.addi %mul3A_72, %mul3A_74 : i32
    "tpu.region"() ({
      %run_scoped3A = tpu.sem_alloc : memref<!tpu.dma_semaphore, #tpu.memory_space<semaphore_mem>>
      %dma_start3A = tpu.memref_slice %arg6[%add3A_75] : memref<20480xf32, #tpu.memory_space<hbm>> -> memref<640xf32, #tpu.memory_space<hbm>>
      %dma_start3A_76 = tpu.memref_slice %arg8[%mul3A_70] : memref<10240xf32, #tpu.memory_space<vmem_shared>> -> memref<640xf32, #tpu.memory_space<vmem_shared>>
      tpu.enqueue_dma source(%dma_start3A_76 : memref<640xf32, #tpu.memory_space<vmem_shared>>) target(%dma_start3A : memref<640xf32, #tpu.memory_space<hbm>>) target_semaphore(%run_scoped3A : memref<!tpu.dma_semaphore, #tpu.memory_space<semaphore_mem>>)
      %dma_wait3A = tpu.memref_slice %arg6[%add3A_75] : memref<20480xf32, #tpu.memory_space<hbm>> -> memref<640xf32, #tpu.memory_space<hbm>>
      %dma_wait3A_77 = tpu.memref_slice %arg8[%mul3A_70] : memref<10240xf32, #tpu.memory_space<vmem_shared>> -> memref<640xf32, #tpu.memory_space<vmem_shared>>
      tpu.wait_dma2 semaphore(%run_scoped3A : memref<!tpu.dma_semaphore, #tpu.memory_space<semaphore_mem>>) src(%dma_wait3A_77 : memref<640xf32, #tpu.memory_space<vmem_shared>>) dst(%dma_wait3A : memref<640xf32, #tpu.memory_space<hbm>>)
      tpu.yield
    }) : () -> ()
    return
  }
}

#map = affine_map<(d0, d1) -> (0, 0)>
module attributes {stable_mosaic.version = 14 : i64} {
  func.func @k(%arg0: i32, %arg1: i32, %arg2: memref<10240x128xf32, #tpu.memory_space<hbm>>, %arg3: memref<10240x128xf32, #tpu.memory_space<hbm>>, %arg4: memref<2560x128xi32, #tpu.memory_space<hbm>>, %arg5: memref<2560x128xi32, #tpu.memory_space<hbm>>, %arg6: memref<20480x128xf32, #tpu.memory_space<hbm>>, %arg7: memref<10240x128xf32, #tpu.memory_space<vmem_shared>>, %arg8: memref<16x128xi32, #tpu.memory_space<vmem>>, %arg9: memref<16x128xi32, #tpu.memory_space<vmem>>, %arg10: memref<128x128xf32, #tpu.memory_space<vmem>>, %arg11: memref<128x128xf32, #tpu.memory_space<vmem>>, %arg12: memref<!tpu.dma_semaphore, #tpu.memory_space<semaphore_mem>>, %arg13: memref<!tpu.dma_semaphore, #tpu.memory_space<semaphore_mem>>, %arg14: memref<!tpu.dma_semaphore, #tpu.memory_space<semaphore_mem>>, %arg15: memref<!tpu.dma_semaphore, #tpu.memory_space<semaphore_mem>>) attributes {dimension_semantics = [#tpu.dimension_semantics<core_parallel>, #tpu.dimension_semantics<subcore_parallel>], iteration_bounds = array<i64: 2, 16>, scalar_prefetch = 0 : i64, scratch_operands = 9 : i64, tpu.core_type = #tpu.core_type<sc_vector_subcore>, window_params = [{transform_indices = #map}, {transform_indices = #map}, {transform_indices = #map}, {transform_indices = #map}, {transform_indices = #map}]} {
    "tpu.region"() ({
      %run_scoped3A = tpu.sem_alloc : memref<!tpu.dma_semaphore, #tpu.memory_space<semaphore_mem>>
      %dma_start3A = arith.constant 10112 : i32
      %dma_start3A_19 = arith.constant 0 : i32
      %dma_start3A_20 = tpu.memref_slice %arg2[%dma_start3A, %dma_start3A_19] : memref<10240x128xf32, #tpu.memory_space<hbm>> -> memref<128x128xf32, #tpu.memory_space<hbm>>
      %dma_start3A_21 = arith.constant 10112 : i32
      %dma_start3A_22 = arith.constant 0 : i32
      %dma_start3A_23 = tpu.memref_slice %arg2[%dma_start3A_21, %dma_start3A_22] : memref<10240x128xf32, #tpu.memory_space<hbm>> -> memref<128x128xf32, #tpu.memory_space<hbm>>
      tpu.enqueue_dma source(%dma_start3A_23 : memref<128x128xf32, #tpu.memory_space<hbm>>) target(%arg10 : memref<128x128xf32, #tpu.memory_space<vmem>>) target_semaphore(%run_scoped3A : memref<!tpu.dma_semaphore, #tpu.memory_space<semaphore_mem>>)
      %dma_wait3A = arith.constant 10112 : i32
      %dma_wait3A_24 = arith.constant 0 : i32
      %dma_wait3A_25 = tpu.memref_slice %arg2[%dma_wait3A, %dma_wait3A_24] : memref<10240x128xf32, #tpu.memory_space<hbm>> -> memref<128x128xf32, #tpu.memory_space<hbm>>
      %dma_wait3A_26 = arith.constant 10112 : i32
      %dma_wait3A_27 = arith.constant 0 : i32
      %dma_wait3A_28 = tpu.memref_slice %arg2[%dma_wait3A_26, %dma_wait3A_27] : memref<10240x128xf32, #tpu.memory_space<hbm>> -> memref<128x128xf32, #tpu.memory_space<hbm>>
      tpu.wait_dma2 semaphore(%run_scoped3A : memref<!tpu.dma_semaphore, #tpu.memory_space<semaphore_mem>>) src(%dma_wait3A_28 : memref<128x128xf32, #tpu.memory_space<hbm>>) dst(%arg10 : memref<128x128xf32, #tpu.memory_space<vmem>>)
      tpu.yield
    }) : () -> ()
    %scan3A = arith.constant 0 : i32
    %scan3A_0 = arith.constant 0 : i32
    %scan3A_1 = arith.constant 5 : i32
    %scan3A_2 = arith.addi %scan3A_0, %scan3A_1 : i32
    %scan3A_3 = arith.constant 1 : i32
    %scan3A_4 = scf.for %scan3A_19 = %scan3A_0 to %scan3A_2 step %scan3A_3 iter_args(%scan3A_20 = %scan3A) -> (i32)  : i32 {
      %mul3A_21 = arith.constant 640 : i32
      %mul3A_22 = arith.muli %arg1, %mul3A_21 : i32
      %mul3A_23 = arith.constant 128 : i32
      %mul3A_24 = arith.muli %scan3A_19, %mul3A_23 : i32
      %add3A_25 = arith.addi %mul3A_22, %mul3A_24 : i32
      "tpu.region"() ({
        %run_scoped3A = tpu.sem_alloc : memref<!tpu.dma_semaphore, #tpu.memory_space<semaphore_mem>>
        %dma_start3A = arith.constant 0 : i32
        %dma_start3A_27 = tpu.memref_slice %arg7[%add3A_25, %dma_start3A] : memref<10240x128xf32, #tpu.memory_space<vmem_shared>> -> memref<128x128xf32, #tpu.memory_space<vmem_shared>>
        %dma_start3A_28 = arith.constant 0 : i32
        %dma_start3A_29 = tpu.memref_slice %arg7[%add3A_25, %dma_start3A_28] : memref<10240x128xf32, #tpu.memory_space<vmem_shared>> -> memref<128x128xf32, #tpu.memory_space<vmem_shared>>
        tpu.enqueue_dma source(%arg10 : memref<128x128xf32, #tpu.memory_space<vmem>>) target(%dma_start3A_29 : memref<128x128xf32, #tpu.memory_space<vmem_shared>>) target_semaphore(%run_scoped3A : memref<!tpu.dma_semaphore, #tpu.memory_space<semaphore_mem>>)
        %dma_wait3A = arith.constant 0 : i32
        %dma_wait3A_30 = tpu.memref_slice %arg7[%add3A_25, %dma_wait3A] : memref<10240x128xf32, #tpu.memory_space<vmem_shared>> -> memref<128x128xf32, #tpu.memory_space<vmem_shared>>
        %dma_wait3A_31 = arith.constant 0 : i32
        %dma_wait3A_32 = tpu.memref_slice %arg7[%add3A_25, %dma_wait3A_31] : memref<10240x128xf32, #tpu.memory_space<vmem_shared>> -> memref<128x128xf32, #tpu.memory_space<vmem_shared>>
        tpu.wait_dma2 semaphore(%run_scoped3A : memref<!tpu.dma_semaphore, #tpu.memory_space<semaphore_mem>>) src(%arg10 : memref<128x128xf32, #tpu.memory_space<vmem>>) dst(%dma_wait3A_32 : memref<128x128xf32, #tpu.memory_space<vmem_shared>>)
        tpu.yield
      }) : () -> ()
      %scan3A_26 = arith.constant 0 : i32
      scf.yield %scan3A_26 : i32
    }
    %scan3A_5 = arith.constant 5 : i32
    %barrier3A = arith.constant 0 : index
    tpu.barrier barrier_id(%barrier3A)
    %eq3A = arith.constant 0 : i32
    %eq3A_6 = arith.cmpi eq, %arg0, %eq3A : i32
    %convert_element_type3A = arith.extui %eq3A_6 : i1 to i32
    %cond3A = arith.constant 0 : i32
    %cond3A_7 = arith.cmpi ne, %convert_element_type3A, %cond3A : i32
    scf.if %cond3A_7 {
      %scan3A_19 = arith.constant 0 : i32
      %scan3A_20 = arith.constant 0 : i32
      %scan3A_21 = arith.constant 10 : i32
      %scan3A_22 = arith.addi %scan3A_20, %scan3A_21 : i32
      %scan3A_23 = arith.constant 1 : i32
      %scan3A_24 = scf.for %scan3A_26 = %scan3A_20 to %scan3A_22 step %scan3A_23 iter_args(%scan3A_27 = %scan3A_19) -> (i32)  : i32 {
        %mul3A_28 = arith.constant 160 : i32
        %mul3A_29 = arith.muli %arg1, %mul3A_28 : i32
        %mul3A_30 = arith.constant 16 : i32
        %mul3A_31 = arith.muli %scan3A_26, %mul3A_30 : i32
        %add3A_32 = arith.addi %mul3A_29, %mul3A_31 : i32
        "tpu.region"() ({
          %run_scoped3A = tpu.sem_alloc : memref<!tpu.dma_semaphore, #tpu.memory_space<semaphore_mem>>
          %dma_start3A_46 = arith.constant 0 : i32
          %dma_start3A_47 = tpu.memref_slice %arg4[%add3A_32, %dma_start3A_46] : memref<2560x128xi32, #tpu.memory_space<hbm>> -> memref<16x128xi32, #tpu.memory_space<hbm>>
          %dma_start3A_48 = arith.constant 0 : i32
          %dma_start3A_49 = tpu.memref_slice %arg4[%add3A_32, %dma_start3A_48] : memref<2560x128xi32, #tpu.memory_space<hbm>> -> memref<16x128xi32, #tpu.memory_space<hbm>>
          tpu.enqueue_dma source(%dma_start3A_49 : memref<16x128xi32, #tpu.memory_space<hbm>>) target(%arg8 : memref<16x128xi32, #tpu.memory_space<vmem>>) target_semaphore(%run_scoped3A : memref<!tpu.dma_semaphore, #tpu.memory_space<semaphore_mem>>)
          %dma_wait3A = arith.constant 0 : i32
          %dma_wait3A_50 = tpu.memref_slice %arg4[%add3A_32, %dma_wait3A] : memref<2560x128xi32, #tpu.memory_space<hbm>> -> memref<16x128xi32, #tpu.memory_space<hbm>>
          %dma_wait3A_51 = arith.constant 0 : i32
          %dma_wait3A_52 = tpu.memref_slice %arg4[%add3A_32, %dma_wait3A_51] : memref<2560x128xi32, #tpu.memory_space<hbm>> -> memref<16x128xi32, #tpu.memory_space<hbm>>
          tpu.wait_dma2 semaphore(%run_scoped3A : memref<!tpu.dma_semaphore, #tpu.memory_space<semaphore_mem>>) src(%dma_wait3A_52 : memref<16x128xi32, #tpu.memory_space<hbm>>) dst(%arg8 : memref<16x128xi32, #tpu.memory_space<vmem>>)
          tpu.yield
        }) : () -> ()
        "tpu.region"() ({
          %run_scoped3A = tpu.sem_alloc : memref<!tpu.dma_semaphore, #tpu.memory_space<semaphore_mem>>
          %dma_start3A_46 = arith.constant 0 : i32
          %dma_start3A_47 = tpu.memref_slice %arg5[%add3A_32, %dma_start3A_46] : memref<2560x128xi32, #tpu.memory_space<hbm>> -> memref<16x128xi32, #tpu.memory_space<hbm>>
          %dma_start3A_48 = arith.constant 0 : i32
          %dma_start3A_49 = tpu.memref_slice %arg5[%add3A_32, %dma_start3A_48] : memref<2560x128xi32, #tpu.memory_space<hbm>> -> memref<16x128xi32, #tpu.memory_space<hbm>>
          tpu.enqueue_dma source(%dma_start3A_49 : memref<16x128xi32, #tpu.memory_space<hbm>>) target(%arg9 : memref<16x128xi32, #tpu.memory_space<vmem>>) target_semaphore(%run_scoped3A : memref<!tpu.dma_semaphore, #tpu.memory_space<semaphore_mem>>)
          %dma_wait3A = arith.constant 0 : i32
          %dma_wait3A_50 = tpu.memref_slice %arg5[%add3A_32, %dma_wait3A] : memref<2560x128xi32, #tpu.memory_space<hbm>> -> memref<16x128xi32, #tpu.memory_space<hbm>>
          %dma_wait3A_51 = arith.constant 0 : i32
          %dma_wait3A_52 = tpu.memref_slice %arg5[%add3A_32, %dma_wait3A_51] : memref<2560x128xi32, #tpu.memory_space<hbm>> -> memref<16x128xi32, #tpu.memory_space<hbm>>
          tpu.wait_dma2 semaphore(%run_scoped3A : memref<!tpu.dma_semaphore, #tpu.memory_space<semaphore_mem>>) src(%dma_wait3A_52 : memref<16x128xi32, #tpu.memory_space<hbm>>) dst(%arg9 : memref<16x128xi32, #tpu.memory_space<vmem>>)
          tpu.yield
        }) : () -> ()
        %dma_start3A = arith.constant 0 : i32
        %dma_start3A_33 = arith.constant 0 : i32
        %dma_start3A_34 = tpu.memref_slice %arg8[%dma_start3A, %dma_start3A_33] : memref<16x128xi32, #tpu.memory_space<vmem>> -> memref<1x128xi32, #tpu.memory_space<vmem>>
        %dma_start3A_35 = tpu.memref_squeeze %dma_start3A_34 : memref<1x128xi32, #tpu.memory_space<vmem>> -> memref<128xi32, #tpu.memory_space<vmem>>
        %dma_start3A_36 = arith.constant 0 : i32
        %dma_start3A_37 = arith.constant 0 : i32
        %dma_start3A_38 = tpu.memref_slice %arg2[%dma_start3A_36, %dma_start3A_37] : memref<10240x128xf32, #tpu.memory_space<hbm>> -> memref<10240x128xf32, #tpu.memory_space<hbm>>
        tpu.enqueue_indirect_dma source(%dma_start3A_38 : memref<10240x128xf32, #tpu.memory_space<hbm>>) target(%arg10 : memref<128x128xf32, #tpu.memory_space<vmem>>) offsets(%dma_start3A_35 : memref<128xi32, #tpu.memory_space<vmem>>) semaphore(%arg12 : memref<!tpu.dma_semaphore, #tpu.memory_space<semaphore_mem>>)
        %scan3A_39 = arith.constant 0 : i32
        %scan3A_40 = arith.constant 0 : i32
        %scan3A_41 = arith.constant 8 : i32
        %scan3A_42 = arith.addi %scan3A_40, %scan3A_41 : i32
        %scan3A_43 = arith.constant 1 : i32
        %scan3A_44 = scf.for %scan3A_46 = %scan3A_40 to %scan3A_42 step %scan3A_43 iter_args(%scan3A_47 = %scan3A_39) -> (i32)  : i32 {
          %mul3A_48 = arith.constant 2 : i32
          %mul3A_49 = arith.muli %mul3A_48, %scan3A_46 : i32
          %add3A_50 = arith.constant 1 : i32
          %add3A_51 = arith.addi %mul3A_49, %add3A_50 : i32
          %dma_start3A_52 = arith.constant 0 : i32
          %dma_start3A_53 = tpu.memref_slice %arg8[%add3A_51, %dma_start3A_52] : memref<16x128xi32, #tpu.memory_space<vmem>> -> memref<1x128xi32, #tpu.memory_space<vmem>>
          %dma_start3A_54 = tpu.memref_squeeze %dma_start3A_53 : memref<1x128xi32, #tpu.memory_space<vmem>> -> memref<128xi32, #tpu.memory_space<vmem>>
          %dma_start3A_55 = arith.constant 0 : i32
          %dma_start3A_56 = arith.constant 0 : i32
          %dma_start3A_57 = tpu.memref_slice %arg2[%dma_start3A_55, %dma_start3A_56] : memref<10240x128xf32, #tpu.memory_space<hbm>> -> memref<10240x128xf32, #tpu.memory_space<hbm>>
          tpu.enqueue_indirect_dma source(%dma_start3A_57 : memref<10240x128xf32, #tpu.memory_space<hbm>>) target(%arg11 : memref<128x128xf32, #tpu.memory_space<vmem>>) offsets(%dma_start3A_54 : memref<128xi32, #tpu.memory_space<vmem>>) semaphore(%arg13 : memref<!tpu.dma_semaphore, #tpu.memory_space<semaphore_mem>>)
          %dma_wait3A = arith.constant 0 : i32
          %dma_wait3A_58 = tpu.memref_slice %arg8[%mul3A_49, %dma_wait3A] : memref<16x128xi32, #tpu.memory_space<vmem>> -> memref<1x128xi32, #tpu.memory_space<vmem>>
          %dma_wait3A_59 = tpu.memref_squeeze %dma_wait3A_58 : memref<1x128xi32, #tpu.memory_space<vmem>> -> memref<128xi32, #tpu.memory_space<vmem>>
          %dma_wait3A_60 = arith.constant 0 : i32
          %dma_wait3A_61 = arith.constant 0 : i32
          %dma_wait3A_62 = tpu.memref_slice %arg2[%dma_wait3A_60, %dma_wait3A_61] : memref<10240x128xf32, #tpu.memory_space<hbm>> -> memref<10240x128xf32, #tpu.memory_space<hbm>>
          tpu.wait_indirect_dma semaphore(%arg12 : memref<!tpu.dma_semaphore, #tpu.memory_space<semaphore_mem>>) src(%dma_wait3A_62 : memref<10240x128xf32, #tpu.memory_space<hbm>>) dst(%arg10 : memref<128x128xf32, #tpu.memory_space<vmem>>)
          "tpu.region"() ({
            %run_scoped3A = tpu.sem_alloc : memref<!tpu.dma_semaphore, #tpu.memory_space<semaphore_mem>>
            %dma_start3A_78 = arith.constant 0 : i32
            %dma_start3A_79 = tpu.memref_slice %arg9[%mul3A_49, %dma_start3A_78] : memref<16x128xi32, #tpu.memory_space<vmem>> -> memref<1x128xi32, #tpu.memory_space<vmem>>
            %dma_start3A_80 = tpu.memref_squeeze %dma_start3A_79 : memref<1x128xi32, #tpu.memory_space<vmem>> -> memref<128xi32, #tpu.memory_space<vmem>>
            %dma_start3A_81 = arith.constant 0 : i32
            %dma_start3A_82 = arith.constant 0 : i32
            %dma_start3A_83 = tpu.memref_slice %arg7[%dma_start3A_81, %dma_start3A_82] : memref<10240x128xf32, #tpu.memory_space<vmem_shared>> -> memref<10240x128xf32, #tpu.memory_space<vmem_shared>>
            tpu.enqueue_indirect_dma source(%arg10 : memref<128x128xf32, #tpu.memory_space<vmem>>) target(%dma_start3A_83 : memref<10240x128xf32, #tpu.memory_space<vmem_shared>>) offsets(%dma_start3A_80 : memref<128xi32, #tpu.memory_space<vmem>>) semaphore(%run_scoped3A : memref<!tpu.dma_semaphore, #tpu.memory_space<semaphore_mem>>) {add = true}
            %dma_wait3A_84 = arith.constant 0 : i32
            %dma_wait3A_85 = tpu.memref_slice %arg9[%mul3A_49, %dma_wait3A_84] : memref<16x128xi32, #tpu.memory_space<vmem>> -> memref<1x128xi32, #tpu.memory_space<vmem>>
            %dma_wait3A_86 = tpu.memref_squeeze %dma_wait3A_85 : memref<1x128xi32, #tpu.memory_space<vmem>> -> memref<128xi32, #tpu.memory_space<vmem>>
            %dma_wait3A_87 = arith.constant 0 : i32
            %dma_wait3A_88 = arith.constant 0 : i32
            %dma_wait3A_89 = tpu.memref_slice %arg7[%dma_wait3A_87, %dma_wait3A_88] : memref<10240x128xf32, #tpu.memory_space<vmem_shared>> -> memref<10240x128xf32, #tpu.memory_space<vmem_shared>>
            tpu.wait_indirect_dma semaphore(%run_scoped3A : memref<!tpu.dma_semaphore, #tpu.memory_space<semaphore_mem>>) src(%arg10 : memref<128x128xf32, #tpu.memory_space<vmem>>) dst(%dma_wait3A_89 : memref<10240x128xf32, #tpu.memory_space<vmem_shared>>)
            tpu.yield
          }) : () -> ()
          %lt3A = arith.constant 7 : i32
          %lt3A_63 = arith.cmpi slt, %scan3A_46, %lt3A : i32
          %convert_element_type3A_64 = arith.extui %lt3A_63 : i1 to i32
          %cond3A_65 = arith.constant 0 : i32
          %cond3A_66 = arith.cmpi ne, %convert_element_type3A_64, %cond3A_65 : i32
          scf.if %cond3A_66 {
            %add3A_78 = arith.constant 2 : i32
            %add3A_79 = arith.addi %mul3A_49, %add3A_78 : i32
            %dma_start3A_80 = arith.constant 0 : i32
            %dma_start3A_81 = tpu.memref_slice %arg8[%add3A_79, %dma_start3A_80] : memref<16x128xi32, #tpu.memory_space<vmem>> -> memref<1x128xi32, #tpu.memory_space<vmem>>
            %dma_start3A_82 = tpu.memref_squeeze %dma_start3A_81 : memref<1x128xi32, #tpu.memory_space<vmem>> -> memref<128xi32, #tpu.memory_space<vmem>>
            %dma_start3A_83 = arith.constant 0 : i32
            %dma_start3A_84 = arith.constant 0 : i32
            %dma_start3A_85 = tpu.memref_slice %arg2[%dma_start3A_83, %dma_start3A_84] : memref<10240x128xf32, #tpu.memory_space<hbm>> -> memref<10240x128xf32, #tpu.memory_space<hbm>>
            tpu.enqueue_indirect_dma source(%dma_start3A_85 : memref<10240x128xf32, #tpu.memory_space<hbm>>) target(%arg10 : memref<128x128xf32, #tpu.memory_space<vmem>>) offsets(%dma_start3A_82 : memref<128xi32, #tpu.memory_space<vmem>>) semaphore(%arg12 : memref<!tpu.dma_semaphore, #tpu.memory_space<semaphore_mem>>)
          } else {
          }
          %add3A_67 = arith.constant 1 : i32
          %add3A_68 = arith.addi %mul3A_49, %add3A_67 : i32
          %dma_wait3A_69 = arith.constant 0 : i32
          %dma_wait3A_70 = tpu.memref_slice %arg8[%add3A_68, %dma_wait3A_69] : memref<16x128xi32, #tpu.memory_space<vmem>> -> memref<1x128xi32, #tpu.memory_space<vmem>>
          %dma_wait3A_71 = tpu.memref_squeeze %dma_wait3A_70 : memref<1x128xi32, #tpu.memory_space<vmem>> -> memref<128xi32, #tpu.memory_space<vmem>>
          %dma_wait3A_72 = arith.constant 0 : i32
          %dma_wait3A_73 = arith.constant 0 : i32
          %dma_wait3A_74 = tpu.memref_slice %arg2[%dma_wait3A_72, %dma_wait3A_73] : memref<10240x128xf32, #tpu.memory_space<hbm>> -> memref<10240x128xf32, #tpu.memory_space<hbm>>
          tpu.wait_indirect_dma semaphore(%arg13 : memref<!tpu.dma_semaphore, #tpu.memory_space<semaphore_mem>>) src(%dma_wait3A_74 : memref<10240x128xf32, #tpu.memory_space<hbm>>) dst(%arg11 : memref<128x128xf32, #tpu.memory_space<vmem>>)
          %add3A_75 = arith.constant 1 : i32
          %add3A_76 = arith.addi %mul3A_49, %add3A_75 : i32
          "tpu.region"() ({
            %run_scoped3A = tpu.sem_alloc : memref<!tpu.dma_semaphore, #tpu.memory_space<semaphore_mem>>
            %dma_start3A_78 = arith.constant 0 : i32
            %dma_start3A_79 = tpu.memref_slice %arg9[%add3A_76, %dma_start3A_78] : memref<16x128xi32, #tpu.memory_space<vmem>> -> memref<1x128xi32, #tpu.memory_space<vmem>>
            %dma_start3A_80 = tpu.memref_squeeze %dma_start3A_79 : memref<1x128xi32, #tpu.memory_space<vmem>> -> memref<128xi32, #tpu.memory_space<vmem>>
            %dma_start3A_81 = arith.constant 0 : i32
            %dma_start3A_82 = arith.constant 0 : i32
            %dma_start3A_83 = tpu.memref_slice %arg7[%dma_start3A_81, %dma_start3A_82] : memref<10240x128xf32, #tpu.memory_space<vmem_shared>> -> memref<10240x128xf32, #tpu.memory_space<vmem_shared>>
            tpu.enqueue_indirect_dma source(%arg11 : memref<128x128xf32, #tpu.memory_space<vmem>>) target(%dma_start3A_83 : memref<10240x128xf32, #tpu.memory_space<vmem_shared>>) offsets(%dma_start3A_80 : memref<128xi32, #tpu.memory_space<vmem>>) semaphore(%run_scoped3A : memref<!tpu.dma_semaphore, #tpu.memory_space<semaphore_mem>>) {add = true}
            %dma_wait3A_84 = arith.constant 0 : i32
            %dma_wait3A_85 = tpu.memref_slice %arg9[%add3A_76, %dma_wait3A_84] : memref<16x128xi32, #tpu.memory_space<vmem>> -> memref<1x128xi32, #tpu.memory_space<vmem>>
            %dma_wait3A_86 = tpu.memref_squeeze %dma_wait3A_85 : memref<1x128xi32, #tpu.memory_space<vmem>> -> memref<128xi32, #tpu.memory_space<vmem>>
            %dma_wait3A_87 = arith.constant 0 : i32
            %dma_wait3A_88 = arith.constant 0 : i32
            %dma_wait3A_89 = tpu.memref_slice %arg7[%dma_wait3A_87, %dma_wait3A_88] : memref<10240x128xf32, #tpu.memory_space<vmem_shared>> -> memref<10240x128xf32, #tpu.memory_space<vmem_shared>>
            tpu.wait_indirect_dma semaphore(%run_scoped3A : memref<!tpu.dma_semaphore, #tpu.memory_space<semaphore_mem>>) src(%arg11 : memref<128x128xf32, #tpu.memory_space<vmem>>) dst(%dma_wait3A_89 : memref<10240x128xf32, #tpu.memory_space<vmem_shared>>)
            tpu.yield
          }) : () -> ()
          %scan3A_77 = arith.constant 0 : i32
          scf.yield %scan3A_77 : i32
        }
        %scan3A_45 = arith.constant 8 : i32
        scf.yield %scan3A_44 : i32
      }
      %scan3A_25 = arith.constant 10 : i32
    } else {
    }
    %eq3A_8 = arith.constant 1 : i32
    %eq3A_9 = arith.cmpi eq, %arg0, %eq3A_8 : i32
    %convert_element_type3A_10 = arith.extui %eq3A_9 : i1 to i32
    %cond3A_11 = arith.constant 0 : i32
    %cond3A_12 = arith.cmpi ne, %convert_element_type3A_10, %cond3A_11 : i32
    scf.if %cond3A_12 {
      %scan3A_19 = arith.constant 0 : i32
      %scan3A_20 = arith.constant 0 : i32
      %scan3A_21 = arith.constant 10 : i32
      %scan3A_22 = arith.addi %scan3A_20, %scan3A_21 : i32
      %scan3A_23 = arith.constant 1 : i32
      %scan3A_24 = scf.for %scan3A_26 = %scan3A_20 to %scan3A_22 step %scan3A_23 iter_args(%scan3A_27 = %scan3A_19) -> (i32)  : i32 {
        %mul3A_28 = arith.constant 160 : i32
        %mul3A_29 = arith.muli %arg1, %mul3A_28 : i32
        %mul3A_30 = arith.constant 16 : i32
        %mul3A_31 = arith.muli %scan3A_26, %mul3A_30 : i32
        %add3A_32 = arith.addi %mul3A_29, %mul3A_31 : i32
        "tpu.region"() ({
          %run_scoped3A = tpu.sem_alloc : memref<!tpu.dma_semaphore, #tpu.memory_space<semaphore_mem>>
          %dma_start3A_46 = arith.constant 0 : i32
          %dma_start3A_47 = tpu.memref_slice %arg4[%add3A_32, %dma_start3A_46] : memref<2560x128xi32, #tpu.memory_space<hbm>> -> memref<16x128xi32, #tpu.memory_space<hbm>>
          %dma_start3A_48 = arith.constant 0 : i32
          %dma_start3A_49 = tpu.memref_slice %arg4[%add3A_32, %dma_start3A_48] : memref<2560x128xi32, #tpu.memory_space<hbm>> -> memref<16x128xi32, #tpu.memory_space<hbm>>
          tpu.enqueue_dma source(%dma_start3A_49 : memref<16x128xi32, #tpu.memory_space<hbm>>) target(%arg8 : memref<16x128xi32, #tpu.memory_space<vmem>>) target_semaphore(%run_scoped3A : memref<!tpu.dma_semaphore, #tpu.memory_space<semaphore_mem>>)
          %dma_wait3A = arith.constant 0 : i32
          %dma_wait3A_50 = tpu.memref_slice %arg4[%add3A_32, %dma_wait3A] : memref<2560x128xi32, #tpu.memory_space<hbm>> -> memref<16x128xi32, #tpu.memory_space<hbm>>
          %dma_wait3A_51 = arith.constant 0 : i32
          %dma_wait3A_52 = tpu.memref_slice %arg4[%add3A_32, %dma_wait3A_51] : memref<2560x128xi32, #tpu.memory_space<hbm>> -> memref<16x128xi32, #tpu.memory_space<hbm>>
          tpu.wait_dma2 semaphore(%run_scoped3A : memref<!tpu.dma_semaphore, #tpu.memory_space<semaphore_mem>>) src(%dma_wait3A_52 : memref<16x128xi32, #tpu.memory_space<hbm>>) dst(%arg8 : memref<16x128xi32, #tpu.memory_space<vmem>>)
          tpu.yield
        }) : () -> ()
        "tpu.region"() ({
          %run_scoped3A = tpu.sem_alloc : memref<!tpu.dma_semaphore, #tpu.memory_space<semaphore_mem>>
          %dma_start3A_46 = arith.constant 0 : i32
          %dma_start3A_47 = tpu.memref_slice %arg5[%add3A_32, %dma_start3A_46] : memref<2560x128xi32, #tpu.memory_space<hbm>> -> memref<16x128xi32, #tpu.memory_space<hbm>>
          %dma_start3A_48 = arith.constant 0 : i32
          %dma_start3A_49 = tpu.memref_slice %arg5[%add3A_32, %dma_start3A_48] : memref<2560x128xi32, #tpu.memory_space<hbm>> -> memref<16x128xi32, #tpu.memory_space<hbm>>
          tpu.enqueue_dma source(%dma_start3A_49 : memref<16x128xi32, #tpu.memory_space<hbm>>) target(%arg9 : memref<16x128xi32, #tpu.memory_space<vmem>>) target_semaphore(%run_scoped3A : memref<!tpu.dma_semaphore, #tpu.memory_space<semaphore_mem>>)
          %dma_wait3A = arith.constant 0 : i32
          %dma_wait3A_50 = tpu.memref_slice %arg5[%add3A_32, %dma_wait3A] : memref<2560x128xi32, #tpu.memory_space<hbm>> -> memref<16x128xi32, #tpu.memory_space<hbm>>
          %dma_wait3A_51 = arith.constant 0 : i32
          %dma_wait3A_52 = tpu.memref_slice %arg5[%add3A_32, %dma_wait3A_51] : memref<2560x128xi32, #tpu.memory_space<hbm>> -> memref<16x128xi32, #tpu.memory_space<hbm>>
          tpu.wait_dma2 semaphore(%run_scoped3A : memref<!tpu.dma_semaphore, #tpu.memory_space<semaphore_mem>>) src(%dma_wait3A_52 : memref<16x128xi32, #tpu.memory_space<hbm>>) dst(%arg9 : memref<16x128xi32, #tpu.memory_space<vmem>>)
          tpu.yield
        }) : () -> ()
        %dma_start3A = arith.constant 0 : i32
        %dma_start3A_33 = arith.constant 0 : i32
        %dma_start3A_34 = tpu.memref_slice %arg8[%dma_start3A, %dma_start3A_33] : memref<16x128xi32, #tpu.memory_space<vmem>> -> memref<1x128xi32, #tpu.memory_space<vmem>>
        %dma_start3A_35 = tpu.memref_squeeze %dma_start3A_34 : memref<1x128xi32, #tpu.memory_space<vmem>> -> memref<128xi32, #tpu.memory_space<vmem>>
        %dma_start3A_36 = arith.constant 0 : i32
        %dma_start3A_37 = arith.constant 0 : i32
        %dma_start3A_38 = tpu.memref_slice %arg3[%dma_start3A_36, %dma_start3A_37] : memref<10240x128xf32, #tpu.memory_space<hbm>> -> memref<10240x128xf32, #tpu.memory_space<hbm>>
        tpu.enqueue_indirect_dma source(%dma_start3A_38 : memref<10240x128xf32, #tpu.memory_space<hbm>>) target(%arg10 : memref<128x128xf32, #tpu.memory_space<vmem>>) offsets(%dma_start3A_35 : memref<128xi32, #tpu.memory_space<vmem>>) semaphore(%arg12 : memref<!tpu.dma_semaphore, #tpu.memory_space<semaphore_mem>>)
        %scan3A_39 = arith.constant 0 : i32
        %scan3A_40 = arith.constant 0 : i32
        %scan3A_41 = arith.constant 8 : i32
        %scan3A_42 = arith.addi %scan3A_40, %scan3A_41 : i32
        %scan3A_43 = arith.constant 1 : i32
        %scan3A_44 = scf.for %scan3A_46 = %scan3A_40 to %scan3A_42 step %scan3A_43 iter_args(%scan3A_47 = %scan3A_39) -> (i32)  : i32 {
          %mul3A_48 = arith.constant 2 : i32
          %mul3A_49 = arith.muli %mul3A_48, %scan3A_46 : i32
          %add3A_50 = arith.constant 1 : i32
          %add3A_51 = arith.addi %mul3A_49, %add3A_50 : i32
          %dma_start3A_52 = arith.constant 0 : i32
          %dma_start3A_53 = tpu.memref_slice %arg8[%add3A_51, %dma_start3A_52] : memref<16x128xi32, #tpu.memory_space<vmem>> -> memref<1x128xi32, #tpu.memory_space<vmem>>
          %dma_start3A_54 = tpu.memref_squeeze %dma_start3A_53 : memref<1x128xi32, #tpu.memory_space<vmem>> -> memref<128xi32, #tpu.memory_space<vmem>>
          %dma_start3A_55 = arith.constant 0 : i32
          %dma_start3A_56 = arith.constant 0 : i32
          %dma_start3A_57 = tpu.memref_slice %arg3[%dma_start3A_55, %dma_start3A_56] : memref<10240x128xf32, #tpu.memory_space<hbm>> -> memref<10240x128xf32, #tpu.memory_space<hbm>>
          tpu.enqueue_indirect_dma source(%dma_start3A_57 : memref<10240x128xf32, #tpu.memory_space<hbm>>) target(%arg11 : memref<128x128xf32, #tpu.memory_space<vmem>>) offsets(%dma_start3A_54 : memref<128xi32, #tpu.memory_space<vmem>>) semaphore(%arg13 : memref<!tpu.dma_semaphore, #tpu.memory_space<semaphore_mem>>)
          %dma_wait3A = arith.constant 0 : i32
          %dma_wait3A_58 = tpu.memref_slice %arg8[%mul3A_49, %dma_wait3A] : memref<16x128xi32, #tpu.memory_space<vmem>> -> memref<1x128xi32, #tpu.memory_space<vmem>>
          %dma_wait3A_59 = tpu.memref_squeeze %dma_wait3A_58 : memref<1x128xi32, #tpu.memory_space<vmem>> -> memref<128xi32, #tpu.memory_space<vmem>>
          %dma_wait3A_60 = arith.constant 0 : i32
          %dma_wait3A_61 = arith.constant 0 : i32
          %dma_wait3A_62 = tpu.memref_slice %arg3[%dma_wait3A_60, %dma_wait3A_61] : memref<10240x128xf32, #tpu.memory_space<hbm>> -> memref<10240x128xf32, #tpu.memory_space<hbm>>
          tpu.wait_indirect_dma semaphore(%arg12 : memref<!tpu.dma_semaphore, #tpu.memory_space<semaphore_mem>>) src(%dma_wait3A_62 : memref<10240x128xf32, #tpu.memory_space<hbm>>) dst(%arg10 : memref<128x128xf32, #tpu.memory_space<vmem>>)
          "tpu.region"() ({
            %run_scoped3A = tpu.sem_alloc : memref<!tpu.dma_semaphore, #tpu.memory_space<semaphore_mem>>
            %dma_start3A_78 = arith.constant 0 : i32
            %dma_start3A_79 = tpu.memref_slice %arg9[%mul3A_49, %dma_start3A_78] : memref<16x128xi32, #tpu.memory_space<vmem>> -> memref<1x128xi32, #tpu.memory_space<vmem>>
            %dma_start3A_80 = tpu.memref_squeeze %dma_start3A_79 : memref<1x128xi32, #tpu.memory_space<vmem>> -> memref<128xi32, #tpu.memory_space<vmem>>
            %dma_start3A_81 = arith.constant 0 : i32
            %dma_start3A_82 = arith.constant 0 : i32
            %dma_start3A_83 = tpu.memref_slice %arg7[%dma_start3A_81, %dma_start3A_82] : memref<10240x128xf32, #tpu.memory_space<vmem_shared>> -> memref<10240x128xf32, #tpu.memory_space<vmem_shared>>
            tpu.enqueue_indirect_dma source(%arg10 : memref<128x128xf32, #tpu.memory_space<vmem>>) target(%dma_start3A_83 : memref<10240x128xf32, #tpu.memory_space<vmem_shared>>) offsets(%dma_start3A_80 : memref<128xi32, #tpu.memory_space<vmem>>) semaphore(%run_scoped3A : memref<!tpu.dma_semaphore, #tpu.memory_space<semaphore_mem>>) {add = true}
            %dma_wait3A_84 = arith.constant 0 : i32
            %dma_wait3A_85 = tpu.memref_slice %arg9[%mul3A_49, %dma_wait3A_84] : memref<16x128xi32, #tpu.memory_space<vmem>> -> memref<1x128xi32, #tpu.memory_space<vmem>>
            %dma_wait3A_86 = tpu.memref_squeeze %dma_wait3A_85 : memref<1x128xi32, #tpu.memory_space<vmem>> -> memref<128xi32, #tpu.memory_space<vmem>>
            %dma_wait3A_87 = arith.constant 0 : i32
            %dma_wait3A_88 = arith.constant 0 : i32
            %dma_wait3A_89 = tpu.memref_slice %arg7[%dma_wait3A_87, %dma_wait3A_88] : memref<10240x128xf32, #tpu.memory_space<vmem_shared>> -> memref<10240x128xf32, #tpu.memory_space<vmem_shared>>
            tpu.wait_indirect_dma semaphore(%run_scoped3A : memref<!tpu.dma_semaphore, #tpu.memory_space<semaphore_mem>>) src(%arg10 : memref<128x128xf32, #tpu.memory_space<vmem>>) dst(%dma_wait3A_89 : memref<10240x128xf32, #tpu.memory_space<vmem_shared>>)
            tpu.yield
          }) : () -> ()
          %lt3A = arith.constant 7 : i32
          %lt3A_63 = arith.cmpi slt, %scan3A_46, %lt3A : i32
          %convert_element_type3A_64 = arith.extui %lt3A_63 : i1 to i32
          %cond3A_65 = arith.constant 0 : i32
          %cond3A_66 = arith.cmpi ne, %convert_element_type3A_64, %cond3A_65 : i32
          scf.if %cond3A_66 {
            %add3A_78 = arith.constant 2 : i32
            %add3A_79 = arith.addi %mul3A_49, %add3A_78 : i32
            %dma_start3A_80 = arith.constant 0 : i32
            %dma_start3A_81 = tpu.memref_slice %arg8[%add3A_79, %dma_start3A_80] : memref<16x128xi32, #tpu.memory_space<vmem>> -> memref<1x128xi32, #tpu.memory_space<vmem>>
            %dma_start3A_82 = tpu.memref_squeeze %dma_start3A_81 : memref<1x128xi32, #tpu.memory_space<vmem>> -> memref<128xi32, #tpu.memory_space<vmem>>
            %dma_start3A_83 = arith.constant 0 : i32
            %dma_start3A_84 = arith.constant 0 : i32
            %dma_start3A_85 = tpu.memref_slice %arg3[%dma_start3A_83, %dma_start3A_84] : memref<10240x128xf32, #tpu.memory_space<hbm>> -> memref<10240x128xf32, #tpu.memory_space<hbm>>
            tpu.enqueue_indirect_dma source(%dma_start3A_85 : memref<10240x128xf32, #tpu.memory_space<hbm>>) target(%arg10 : memref<128x128xf32, #tpu.memory_space<vmem>>) offsets(%dma_start3A_82 : memref<128xi32, #tpu.memory_space<vmem>>) semaphore(%arg12 : memref<!tpu.dma_semaphore, #tpu.memory_space<semaphore_mem>>)
          } else {
          }
          %add3A_67 = arith.constant 1 : i32
          %add3A_68 = arith.addi %mul3A_49, %add3A_67 : i32
          %dma_wait3A_69 = arith.constant 0 : i32
          %dma_wait3A_70 = tpu.memref_slice %arg8[%add3A_68, %dma_wait3A_69] : memref<16x128xi32, #tpu.memory_space<vmem>> -> memref<1x128xi32, #tpu.memory_space<vmem>>
          %dma_wait3A_71 = tpu.memref_squeeze %dma_wait3A_70 : memref<1x128xi32, #tpu.memory_space<vmem>> -> memref<128xi32, #tpu.memory_space<vmem>>
          %dma_wait3A_72 = arith.constant 0 : i32
          %dma_wait3A_73 = arith.constant 0 : i32
          %dma_wait3A_74 = tpu.memref_slice %arg3[%dma_wait3A_72, %dma_wait3A_73] : memref<10240x128xf32, #tpu.memory_space<hbm>> -> memref<10240x128xf32, #tpu.memory_space<hbm>>
          tpu.wait_indirect_dma semaphore(%arg13 : memref<!tpu.dma_semaphore, #tpu.memory_space<semaphore_mem>>) src(%dma_wait3A_74 : memref<10240x128xf32, #tpu.memory_space<hbm>>) dst(%arg11 : memref<128x128xf32, #tpu.memory_space<vmem>>)
          %add3A_75 = arith.constant 1 : i32
          %add3A_76 = arith.addi %mul3A_49, %add3A_75 : i32
          "tpu.region"() ({
            %run_scoped3A = tpu.sem_alloc : memref<!tpu.dma_semaphore, #tpu.memory_space<semaphore_mem>>
            %dma_start3A_78 = arith.constant 0 : i32
            %dma_start3A_79 = tpu.memref_slice %arg9[%add3A_76, %dma_start3A_78] : memref<16x128xi32, #tpu.memory_space<vmem>> -> memref<1x128xi32, #tpu.memory_space<vmem>>
            %dma_start3A_80 = tpu.memref_squeeze %dma_start3A_79 : memref<1x128xi32, #tpu.memory_space<vmem>> -> memref<128xi32, #tpu.memory_space<vmem>>
            %dma_start3A_81 = arith.constant 0 : i32
            %dma_start3A_82 = arith.constant 0 : i32
            %dma_start3A_83 = tpu.memref_slice %arg7[%dma_start3A_81, %dma_start3A_82] : memref<10240x128xf32, #tpu.memory_space<vmem_shared>> -> memref<10240x128xf32, #tpu.memory_space<vmem_shared>>
            tpu.enqueue_indirect_dma source(%arg11 : memref<128x128xf32, #tpu.memory_space<vmem>>) target(%dma_start3A_83 : memref<10240x128xf32, #tpu.memory_space<vmem_shared>>) offsets(%dma_start3A_80 : memref<128xi32, #tpu.memory_space<vmem>>) semaphore(%run_scoped3A : memref<!tpu.dma_semaphore, #tpu.memory_space<semaphore_mem>>) {add = true}
            %dma_wait3A_84 = arith.constant 0 : i32
            %dma_wait3A_85 = tpu.memref_slice %arg9[%add3A_76, %dma_wait3A_84] : memref<16x128xi32, #tpu.memory_space<vmem>> -> memref<1x128xi32, #tpu.memory_space<vmem>>
            %dma_wait3A_86 = tpu.memref_squeeze %dma_wait3A_85 : memref<1x128xi32, #tpu.memory_space<vmem>> -> memref<128xi32, #tpu.memory_space<vmem>>
            %dma_wait3A_87 = arith.constant 0 : i32
            %dma_wait3A_88 = arith.constant 0 : i32
            %dma_wait3A_89 = tpu.memref_slice %arg7[%dma_wait3A_87, %dma_wait3A_88] : memref<10240x128xf32, #tpu.memory_space<vmem_shared>> -> memref<10240x128xf32, #tpu.memory_space<vmem_shared>>
            tpu.wait_indirect_dma semaphore(%run_scoped3A : memref<!tpu.dma_semaphore, #tpu.memory_space<semaphore_mem>>) src(%arg11 : memref<128x128xf32, #tpu.memory_space<vmem>>) dst(%dma_wait3A_89 : memref<10240x128xf32, #tpu.memory_space<vmem_shared>>)
            tpu.yield
          }) : () -> ()
          %scan3A_77 = arith.constant 0 : i32
          scf.yield %scan3A_77 : i32
        }
        %scan3A_45 = arith.constant 8 : i32
        scf.yield %scan3A_44 : i32
      }
      %scan3A_25 = arith.constant 10 : i32
    } else {
    }
    %barrier3A_13 = arith.constant 0 : index
    tpu.barrier barrier_id(%barrier3A_13)
    %mul3A = arith.constant 640 : i32
    %mul3A_14 = arith.muli %arg1, %mul3A : i32
    %mul3A_15 = arith.constant 10240 : i32
    %mul3A_16 = arith.muli %arg0, %mul3A_15 : i32
    %mul3A_17 = arith.constant 640 : i32
    %mul3A_18 = arith.muli %arg1, %mul3A_17 : i32
    %add3A = arith.addi %mul3A_16, %mul3A_18 : i32
    "tpu.region"() ({
      %run_scoped3A = tpu.sem_alloc : memref<!tpu.dma_semaphore, #tpu.memory_space<semaphore_mem>>
      %dma_start3A = arith.constant 0 : i32
      %dma_start3A_19 = tpu.memref_slice %arg6[%add3A, %dma_start3A] : memref<20480x128xf32, #tpu.memory_space<hbm>> -> memref<640x128xf32, #tpu.memory_space<hbm>>
      %dma_start3A_20 = arith.constant 0 : i32
      %dma_start3A_21 = tpu.memref_slice %arg7[%mul3A_14, %dma_start3A_20] : memref<10240x128xf32, #tpu.memory_space<vmem_shared>> -> memref<640x128xf32, #tpu.memory_space<vmem_shared>>
      tpu.enqueue_dma source(%dma_start3A_21 : memref<640x128xf32, #tpu.memory_space<vmem_shared>>) target(%dma_start3A_19 : memref<640x128xf32, #tpu.memory_space<hbm>>) target_semaphore(%run_scoped3A : memref<!tpu.dma_semaphore, #tpu.memory_space<semaphore_mem>>)
      %dma_wait3A = arith.constant 0 : i32
      %dma_wait3A_22 = tpu.memref_slice %arg6[%add3A, %dma_wait3A] : memref<20480x128xf32, #tpu.memory_space<hbm>> -> memref<640x128xf32, #tpu.memory_space<hbm>>
      %dma_wait3A_23 = arith.constant 0 : i32
      %dma_wait3A_24 = tpu.memref_slice %arg7[%mul3A_14, %dma_wait3A_23] : memref<10240x128xf32, #tpu.memory_space<vmem_shared>> -> memref<640x128xf32, #tpu.memory_space<vmem_shared>>
      tpu.wait_dma2 semaphore(%run_scoped3A : memref<!tpu.dma_semaphore, #tpu.memory_space<semaphore_mem>>) src(%dma_wait3A_24 : memref<640x128xf32, #tpu.memory_space<vmem_shared>>) dst(%dma_wait3A_22 : memref<640x128xf32, #tpu.memory_space<hbm>>)
      tpu.yield
    }) : () -> ()
    return
  }
}

module attributes {stable_mosaic.version = 14 : i64} {
  func.func @body(%arg0: i32, %arg1: memref<1024x128xf32, #tpu.memory_space<vmem>>, %arg2: memref<1024x128xf32, #tpu.memory_space<vmem>>, %arg3: memref<1024xf32, #tpu.memory_space<vmem>>, %arg4: memref<1024xf32, #tpu.memory_space<vmem>>, %arg5: memref<1024x128xf32, #tpu.memory_space<vmem>>, %arg6: memref<256x128xf32, #tpu.memory_space<vmem>>, %arg7: memref<256x128xf32, #tpu.memory_space<vmem>>, %arg8: memref<256xf32, #tpu.memory_space<vmem>>, %arg9: memref<256xf32, #tpu.memory_space<vmem>>, %arg10: memref<256xf32, #tpu.memory_space<vmem>>, %arg11: memref<256xf32, #tpu.memory_space<vmem>>, %arg12: memref<1024x128xf32, #tpu.memory_space<vmem>>, %arg13: memref<1024x128xf32, #tpu.memory_space<vmem>>, %arg14: memref<1024x1xf32, #tpu.memory_space<vmem>>) attributes {dimension_semantics = [#tpu.dimension_semantics<arbitrary>], iteration_bounds = array<i64: 10>, scalar_prefetch = 0 : i64, scratch_operands = 0 : i64, tpu.core_type = #tpu.core_type<tc>, window_params = [{transform_indices = @transform_0, window_bounds = array<i64: 1024, 128>}, {transform_indices = @transform_1, window_bounds = array<i64: 1024, 128>}, {transform_indices = @transform_2, window_bounds = array<i64: 1024>}, {transform_indices = @transform_3, window_bounds = array<i64: 1024>}, {transform_indices = @transform_4, window_bounds = array<i64: 1024, 128>}, {pipeline_mode = #tpu.pipeline_mode<synchronous>, transform_indices = @transform_5, window_bounds = array<i64: 256, 128>}, {pipeline_mode = #tpu.pipeline_mode<synchronous>, transform_indices = @transform_6, window_bounds = array<i64: 256, 128>}, {pipeline_mode = #tpu.pipeline_mode<synchronous>, transform_indices = @transform_7, window_bounds = array<i64: 256>}, {pipeline_mode = #tpu.pipeline_mode<synchronous>, transform_indices = @transform_8, window_bounds = array<i64: 256>}, {pipeline_mode = #tpu.pipeline_mode<synchronous>, transform_indices = @transform_9, window_bounds = array<i64: 256>}, {pipeline_mode = #tpu.pipeline_mode<synchronous>, transform_indices = @transform_10, window_bounds = array<i64: 256>}, {transform_indices = @transform_11, window_bounds = array<i64: 1024, 128>}, {transform_indices = @transform_12, window_bounds = array<i64: 1024, 128>}, {transform_indices = @transform_13, window_bounds = array<i64: 1024, 1>}]} {
    %get3A = arith.constant 0 : index
    %get3A_0 = arith.constant 0 : index
    %get3A_1 = vector.load %arg1[%get3A, %get3A_0] : memref<1024x128xf32, #tpu.memory_space<vmem>>, vector<1024x128xf32>
    %get3A_2 = arith.constant 0 : index
    %get3A_3 = arith.constant 0 : index
    %get3A_4 = vector.load %arg2[%get3A_2, %get3A_3] : memref<1024x128xf32, #tpu.memory_space<vmem>>, vector<1024x128xf32>
    %add3A = arith.addf %get3A_1, %get3A_4 : vector<1024x128xf32>
    %get3A_5 = arith.constant 0 : index
    %get3A_6 = vector.load %arg3[%get3A_5] : memref<1024xf32, #tpu.memory_space<vmem>>, vector<1024xf32>
    %get3A_7 = arith.constant 0 : index
    %get3A_8 = vector.load %arg4[%get3A_7] : memref<1024xf32, #tpu.memory_space<vmem>>, vector<1024xf32>
    %add3A_9 = arith.addf %get3A_6, %get3A_8 : vector<1024xf32>
    %max3A = arith.constant 1.000000e+00 : f32
    %max3A_10 = vector.broadcast %max3A : f32 to vector<1024xf32>
    %max3A_11 = arith.maximumf %add3A_9, %max3A_10 : vector<1024xf32>
    %broadcast_in_dim3A = vector.shape_cast %max3A_11 : vector<1024xf32> to vector<1024x1xf32>
    %div3A = vector.broadcast %broadcast_in_dim3A : vector<1024x1xf32> to vector<1024x128xf32>
    %div3A_12 = arith.divf %add3A, %div3A : vector<1024x128xf32>
    %get3A_13 = arith.constant 0 : index
    %get3A_14 = arith.constant 0 : index
    %get3A_15 = vector.load %arg5[%get3A_13, %get3A_14] : memref<1024x128xf32, #tpu.memory_space<vmem>>, vector<1024x128xf32>
    %get3A_16 = arith.constant 0 : index
    %get3A_17 = arith.constant 0 : index
    %get3A_18 = vector.load %arg6[%get3A_16, %get3A_17] : memref<256x128xf32, #tpu.memory_space<vmem>>, vector<256x128xf32>
    %dot_general3A = arith.constant dense<0.000000e+00> : vector<1024x256xf32>
    %dot_general3A_19 = tpu.matmul %div3A_12, %get3A_18, %dot_general3A {dimension_numbers = #tpu.dot_dimension_numbers<[1], [1], [0], [0], [0, 0, 1, 0], [], []>, transpose_lhs_hint = false} : vector<1024x128xf32>, vector<256x128xf32>, vector<1024x256xf32> -> vector<1024x256xf32>
    %get3A_20 = arith.constant 0 : index
    %get3A_21 = arith.constant 0 : index
    %get3A_22 = vector.load %arg7[%get3A_20, %get3A_21] : memref<256x128xf32, #tpu.memory_space<vmem>>, vector<256x128xf32>
    %dot_general3A_23 = arith.constant dense<0.000000e+00> : vector<1024x256xf32>
    %dot_general3A_24 = tpu.matmul %get3A_15, %get3A_22, %dot_general3A_23 {dimension_numbers = #tpu.dot_dimension_numbers<[1], [1], [0], [0], [0, 0, 1, 0], [], []>, transpose_lhs_hint = false} : vector<1024x128xf32>, vector<256x128xf32>, vector<1024x256xf32> -> vector<1024x256xf32>
    %add3A_25 = arith.addf %dot_general3A_19, %dot_general3A_24 : vector<1024x256xf32>
    %get3A_26 = arith.constant 0 : index
    %get3A_27 = vector.load %arg8[%get3A_26] : memref<256xf32, #tpu.memory_space<vmem>>, vector<256xf32>
    %broadcast_in_dim3A_28 = vector.shape_cast %get3A_27 : vector<256xf32> to vector<1x256xf32>
    %add3A_29 = vector.broadcast %broadcast_in_dim3A_28 : vector<1x256xf32> to vector<1024x256xf32>
    %add3A_30 = arith.addf %add3A_25, %add3A_29 : vector<1024x256xf32>
    %get3A_31 = arith.constant 0 : index
    %get3A_32 = vector.load %arg9[%get3A_31] : memref<256xf32, #tpu.memory_space<vmem>>, vector<256xf32>
    %broadcast_in_dim3A_33 = vector.shape_cast %get3A_32 : vector<256xf32> to vector<1x256xf32>
    %add3A_34 = vector.broadcast %broadcast_in_dim3A_33 : vector<1x256xf32> to vector<1024x256xf32>
    %add3A_35 = arith.addf %add3A_30, %add3A_34 : vector<1024x256xf32>
    %get3A_36 = arith.constant 0 : index
    %get3A_37 = vector.load %arg10[%get3A_36] : memref<256xf32, #tpu.memory_space<vmem>>, vector<256xf32>
    %mul3A = arith.constant 0.999994993 : f32
    %mul3A_38 = vector.broadcast %mul3A : f32 to vector<256xf32>
    %mul3A_39 = arith.mulf %get3A_37, %mul3A_38 : vector<256xf32>
    %broadcast_in_dim3A_40 = vector.shape_cast %mul3A_39 : vector<256xf32> to vector<1x256xf32>
    %mul3A_41 = vector.broadcast %broadcast_in_dim3A_40 : vector<1x256xf32> to vector<1024x256xf32>
    %mul3A_42 = arith.mulf %add3A_35, %mul3A_41 : vector<1024x256xf32>
    %get3A_43 = arith.constant 0 : index
    %get3A_44 = vector.load %arg11[%get3A_43] : memref<256xf32, #tpu.memory_space<vmem>>, vector<256xf32>
    %broadcast_in_dim3A_45 = vector.shape_cast %get3A_44 : vector<256xf32> to vector<1x256xf32>
    %add3A_46 = vector.broadcast %broadcast_in_dim3A_45 : vector<1x256xf32> to vector<1024x256xf32>
    %add3A_47 = arith.addf %mul3A_42, %add3A_46 : vector<1024x256xf32>
    %max3A_48 = arith.constant 0.000000e+00 : f32
    %max3A_49 = vector.broadcast %max3A_48 : f32 to vector<1024x256xf32>
    %max3A_50 = arith.maximumf %add3A_47, %max3A_49 : vector<1024x256xf32>
    %iota3A = tpu.iota {dimensions = array<i32: 0>} : vector<1024x1xi32>
    %mul3A_51 = arith.constant 1024 : i32
    %mul3A_52 = arith.muli %arg0, %mul3A_51 : i32
    %add3A_53 = vector.broadcast %mul3A_52 : i32 to vector<1024x1xi32>
    %add3A_54 = arith.addi %iota3A, %add3A_53 : vector<1024x1xi32>
    %lt3A = arith.constant 10000 : i32
    %lt3A_55 = vector.broadcast %lt3A : i32 to vector<1024x1xi32>
    %lt3A_56 = arith.cmpi slt, %add3A_54, %lt3A_55 : vector<1024x1xi32>
    %jit3A = arith.constant 0.000000e+00 : f32
    %broadcast_in_dim3A_57 = vector.shape_cast %lt3A_56 : vector<1024x1xi1> to vector<1024x1xi1>
    %broadcast_in_dim3A_58 = vector.broadcast %broadcast_in_dim3A_57 : vector<1024x1xi1> to vector<1024x256xi1>
    %broadcast_in_dim3A_59 = vector.broadcast %jit3A : f32 to vector<1024x256xf32>
    %select_n3A = arith.select %broadcast_in_dim3A_58, %max3A_50, %broadcast_in_dim3A_59 : vector<1024x256xi1>, vector<1024x256xf32>
    %slice3A = vector.extract_strided_slice %select_n3A {offsets = [0, 0], sizes = [1024, 128], strides = [1, 1]} : vector<1024x256xf32> to vector<1024x128xf32>
    %swap3A = arith.constant 0 : index
    %swap3A_60 = arith.constant 0 : index
    %swap3A_61 = vector.load %arg12[%swap3A, %swap3A_60] : memref<1024x128xf32, #tpu.memory_space<vmem>>, vector<1024x128xf32>
    tpu.vector_store %arg12[%swap3A, %swap3A_60], %slice3A {strides = array<i32>} : memref<1024x128xf32, #tpu.memory_space<vmem>>, vector<1024x128xf32>,
    %slice3A_62 = vector.extract_strided_slice %select_n3A {offsets = [0, 128], sizes = [1024, 128], strides = [1, 1]} : vector<1024x256xf32> to vector<1024x128xf32>
    %swap3A_63 = arith.constant 0 : index
    %swap3A_64 = arith.constant 0 : index
    %swap3A_65 = vector.load %arg13[%swap3A_63, %swap3A_64] : memref<1024x128xf32, #tpu.memory_space<vmem>>, vector<1024x128xf32>
    tpu.vector_store %arg13[%swap3A_63, %swap3A_64], %slice3A_62 {strides = array<i32>} : memref<1024x128xf32, #tpu.memory_space<vmem>>, vector<1024x128xf32>,
    %div3A_66 = arith.constant 1.000000e+00 : f32
    %div3A_67 = vector.broadcast %div3A_66 : f32 to vector<1024x1xf32>
    %div3A_68 = arith.divf %div3A_67, %broadcast_in_dim3A : vector<1024x1xf32>
    %swap3A_69 = arith.constant 0 : index
    %swap3A_70 = arith.constant 0 : index
    %swap3A_71 = vector.load %arg14[%swap3A_69, %swap3A_70] : memref<1024x1xf32, #tpu.memory_space<vmem>>, vector<1024x1xf32>
    tpu.vector_store %arg14[%swap3A_69, %swap3A_70], %div3A_68 {strides = array<i32>} : memref<1024x1xf32, #tpu.memory_space<vmem>>, vector<1024x1xf32>,
    return
  }
  func.func @transform_0(%arg0: i32) -> (i32, i32) {
    %c0_i32 = arith.constant 0 : i32
    %c0_i32_0 = arith.constant 0 : i32
    return %arg0, %c0_i32 : i32, i32
  }
  func.func @transform_1(%arg0: i32) -> (i32, i32) {
    %add3A = arith.constant 10 : i32
    %add3A_0 = arith.addi %arg0, %add3A : i32
    %c0_i32 = arith.constant 0 : i32
    %c0_i32_1 = arith.constant 0 : i32
    return %add3A_0, %c0_i32 : i32, i32
  }
  func.func @transform_2(%arg0: i32) -> i32 {
    %c0_i32 = arith.constant 0 : i32
    return %arg0 : i32
  }
  func.func @transform_3(%arg0: i32) -> i32 {
    %add3A = arith.constant 10 : i32
    %add3A_0 = arith.addi %arg0, %add3A : i32
    %c0_i32 = arith.constant 0 : i32
    return %add3A_0 : i32
  }
  func.func @transform_4(%arg0: i32) -> (i32, i32) {
    %c0_i32 = arith.constant 0 : i32
    %c0_i32_0 = arith.constant 0 : i32
    return %arg0, %c0_i32 : i32, i32
  }
  func.func @transform_5(%arg0: i32) -> (i32, i32) {
    %c0_i32 = arith.constant 0 : i32
    %c0_i32_0 = arith.constant 0 : i32
    %c0_i32_1 = arith.constant 0 : i32
    return %c0_i32, %c0_i32_0 : i32, i32
  }
  func.func @transform_6(%arg0: i32) -> (i32, i32) {
    %c0_i32 = arith.constant 0 : i32
    %c0_i32_0 = arith.constant 0 : i32
    %c0_i32_1 = arith.constant 0 : i32
    return %c0_i32, %c0_i32_0 : i32, i32
  }
  func.func @transform_7(%arg0: i32) -> i32 {
    %c0_i32 = arith.constant 0 : i32
    %c0_i32_0 = arith.constant 0 : i32
    return %c0_i32 : i32
  }
  func.func @transform_8(%arg0: i32) -> i32 {
    %c0_i32 = arith.constant 0 : i32
    %c0_i32_0 = arith.constant 0 : i32
    return %c0_i32 : i32
  }
  func.func @transform_9(%arg0: i32) -> i32 {
    %c0_i32 = arith.constant 0 : i32
    %c0_i32_0 = arith.constant 0 : i32
    return %c0_i32 : i32
  }
  func.func @transform_10(%arg0: i32) -> i32 {
    %c0_i32 = arith.constant 0 : i32
    %c0_i32_0 = arith.constant 0 : i32
    return %c0_i32 : i32
  }
  func.func @transform_11(%arg0: i32) -> (i32, i32) {
    %c0_i32 = arith.constant 0 : i32
    %c0_i32_0 = arith.constant 0 : i32
    return %arg0, %c0_i32 : i32, i32
  }
  func.func @transform_12(%arg0: i32) -> (i32, i32) {
    %c0_i32 = arith.constant 0 : i32
    %c0_i32_0 = arith.constant 0 : i32
    return %arg0, %c0_i32 : i32, i32
  }
  func.func @transform_13(%arg0: i32) -> (i32, i32) {
    %c0_i32 = arith.constant 0 : i32
    %c0_i32_0 = arith.constant 0 : i32
    return %arg0, %c0_i32 : i32, i32
  }
}

module attributes {stable_mosaic.version = 14 : i64} {
  func.func @body(%arg0: i32, %arg1: memref<1024x128xf32, #tpu.memory_space<vmem>>, %arg2: memref<1024x128xf32, #tpu.memory_space<vmem>>, %arg3: memref<1024x128xf32, #tpu.memory_space<vmem>>, %arg4: memref<1024x128xf32, #tpu.memory_space<vmem>>, %arg5: memref<1024x1xf32, #tpu.memory_space<vmem>>, %arg6: memref<1024xi32, #tpu.memory_space<vmem>>, %arg7: memref<256x256xf32, #tpu.memory_space<vmem>>, %arg8: memref<256xf32, #tpu.memory_space<vmem>>, %arg9: memref<256x256xf32, #tpu.memory_space<vmem>>, %arg10: memref<256xf32, #tpu.memory_space<vmem>>, %arg11: memref<128x256xf32, #tpu.memory_space<vmem>>, %arg12: memref<128xf32, #tpu.memory_space<vmem>>, %arg13: memref<2x128xf32, #tpu.memory_space<vmem>>, %arg14: memref<2xf32, #tpu.memory_space<vmem>>, %arg15: memref<64x2xf32, #tpu.memory_space<vmem>>, %arg16: memref<64x256xf32, #tpu.memory_space<vmem>>, %arg17: memref<64x256xf32, #tpu.memory_space<vmem>>, %arg18: memref<64x128xf32, #tpu.memory_space<vmem>>) attributes {dimension_semantics = [#tpu.dimension_semantics<arbitrary>], iteration_bounds = array<i64: 10>, scalar_prefetch = 0 : i64, scratch_operands = 3 : i64, tpu.core_type = #tpu.core_type<tc>, window_params = [{transform_indices = @transform_0, window_bounds = array<i64: 1024, 128>}, {transform_indices = @transform_1, window_bounds = array<i64: 1024, 128>}, {transform_indices = @transform_2, window_bounds = array<i64: 1024, 128>}, {transform_indices = @transform_3, window_bounds = array<i64: 1024, 128>}, {transform_indices = @transform_4, window_bounds = array<i64: 1024, 1>}, {transform_indices = @transform_5, window_bounds = array<i64: 1024>}, {pipeline_mode = #tpu.pipeline_mode<synchronous>, transform_indices = @transform_6, window_bounds = array<i64: 256, 256>}, {pipeline_mode = #tpu.pipeline_mode<synchronous>, transform_indices = @transform_7, window_bounds = array<i64: 256>}, {pipeline_mode = #tpu.pipeline_mode<synchronous>, transform_indices = @transform_8, window_bounds = array<i64: 256, 256>}, {pipeline_mode = #tpu.pipeline_mode<synchronous>, transform_indices = @transform_9, window_bounds = array<i64: 256>}, {pipeline_mode = #tpu.pipeline_mode<synchronous>, transform_indices = @transform_10, window_bounds = array<i64: 128, 256>}, {pipeline_mode = #tpu.pipeline_mode<synchronous>, transform_indices = @transform_11, window_bounds = array<i64: 128>}, {pipeline_mode = #tpu.pipeline_mode<synchronous>, transform_indices = @transform_12, window_bounds = array<i64: 2, 128>}, {pipeline_mode = #tpu.pipeline_mode<synchronous>, transform_indices = @transform_13, window_bounds = array<i64: 2>}, {pipeline_mode = #tpu.pipeline_mode<synchronous>, transform_indices = @transform_14, window_bounds = array<i64: 64, 2>}]} {
    %eq3A = arith.constant 0 : i32
    %eq3A_0 = arith.cmpi eq, %arg0, %eq3A : i32
    %convert_element_type3A = arith.extui %eq3A_0 : i1 to i32
    %cond3A = arith.constant 0 : i32
    %cond3A_1 = arith.cmpi ne, %convert_element_type3A, %cond3A : i32
    scf.if %cond3A_1 {
      %broadcast_in_dim3A_55 = arith.constant 0.000000e+00 : f32
      %broadcast_in_dim3A_56 = vector.broadcast %broadcast_in_dim3A_55 : f32 to vector<64x256xf32>
      %swap3A_57 = arith.constant 0 : index
      %swap3A_58 = arith.constant 0 : index
      %swap3A_59 = vector.load %arg16[%swap3A_57, %swap3A_58] : memref<64x256xf32, #tpu.memory_space<vmem>>, vector<64x256xf32>
      tpu.vector_store %arg16[%swap3A_57, %swap3A_58], %broadcast_in_dim3A_56 {strides = array<i32>} : memref<64x256xf32, #tpu.memory_space<vmem>>, vector<64x256xf32>,
      %broadcast_in_dim3A_60 = arith.constant 0.000000e+00 : f32
      %broadcast_in_dim3A_61 = vector.broadcast %broadcast_in_dim3A_60 : f32 to vector<64x256xf32>
      %swap3A_62 = arith.constant 0 : index
      %swap3A_63 = arith.constant 0 : index
      %swap3A_64 = vector.load %arg17[%swap3A_62, %swap3A_63] : memref<64x256xf32, #tpu.memory_space<vmem>>, vector<64x256xf32>
      tpu.vector_store %arg17[%swap3A_62, %swap3A_63], %broadcast_in_dim3A_61 {strides = array<i32>} : memref<64x256xf32, #tpu.memory_space<vmem>>, vector<64x256xf32>,
      %broadcast_in_dim3A_65 = arith.constant 0.000000e+00 : f32
      %broadcast_in_dim3A_66 = vector.broadcast %broadcast_in_dim3A_65 : f32 to vector<64x128xf32>
      %swap3A_67 = arith.constant 0 : index
      %swap3A_68 = arith.constant 0 : index
      %swap3A_69 = vector.load %arg18[%swap3A_67, %swap3A_68] : memref<64x128xf32, #tpu.memory_space<vmem>>, vector<64x128xf32>
      tpu.vector_store %arg18[%swap3A_67, %swap3A_68], %broadcast_in_dim3A_66 {strides = array<i32>} : memref<64x128xf32, #tpu.memory_space<vmem>>, vector<64x128xf32>,
    } else {
    }
    %get3A = arith.constant 0 : index
    %get3A_2 = vector.load %arg6[%get3A] : memref<1024xi32, #tpu.memory_space<vmem>>, vector<1024xi32>
    %iota3A = tpu.iota {dimensions = array<i32: 0>} : vector<64x1024xi32>
    %broadcast_in_dim3A = vector.shape_cast %get3A_2 : vector<1024xi32> to vector<1x1024xi32>
    %eq3A_3 = vector.broadcast %broadcast_in_dim3A : vector<1x1024xi32> to vector<64x1024xi32>
    %eq3A_4 = arith.cmpi eq, %iota3A, %eq3A_3 : vector<64x1024xi32>
    %convert_element_type3A_5 = arith.extui %eq3A_4 : vector<64x1024xi1> to vector<64x1024xi32>
    %convert_element_type3A_6 = arith.sitofp %convert_element_type3A_5 : vector<64x1024xi32> to vector<64x1024xf32>
    %get3A_7 = arith.constant 0 : index
    %get3A_8 = arith.constant 0 : index
    %get3A_9 = vector.load %arg1[%get3A_7, %get3A_8] : memref<1024x128xf32, #tpu.memory_space<vmem>>, vector<1024x128xf32>
    %get3A_10 = arith.constant 0 : index
    %get3A_11 = arith.constant 0 : index
    %get3A_12 = vector.load %arg2[%get3A_10, %get3A_11] : memref<1024x128xf32, #tpu.memory_space<vmem>>, vector<1024x128xf32>
    %concatenate3A = tpu.concatenate %get3A_9, %get3A_12 in 1 : vector<1024x128xf32>, vector<1024x128xf32> -> vector<1024x256xf32>
    %get3A_13 = arith.constant 0 : index
    %get3A_14 = arith.constant 0 : index
    %get3A_15 = vector.load %arg5[%get3A_13, %get3A_14] : memref<1024x1xf32, #tpu.memory_space<vmem>>, vector<1024x1xf32>
    %mul3A = vector.broadcast %get3A_15 : vector<1024x1xf32> to vector<1024x256xf32>
    %mul3A_16 = arith.mulf %concatenate3A, %mul3A : vector<1024x256xf32>
    %get3A_17 = arith.constant 0 : index
    %get3A_18 = arith.constant 0 : index
    %get3A_19 = vector.load %arg3[%get3A_17, %get3A_18] : memref<1024x128xf32, #tpu.memory_space<vmem>>, vector<1024x128xf32>
    %get3A_20 = arith.constant 0 : index
    %get3A_21 = arith.constant 0 : index
    %get3A_22 = vector.load %arg4[%get3A_20, %get3A_21] : memref<1024x128xf32, #tpu.memory_space<vmem>>, vector<1024x128xf32>
    %concatenate3A_23 = tpu.concatenate %get3A_19, %get3A_22 in 1 : vector<1024x128xf32>, vector<1024x128xf32> -> vector<1024x256xf32>
    %get3A_24 = arith.constant 0 : index
    %get3A_25 = arith.constant 0 : index
    %get3A_26 = vector.load %arg16[%get3A_24, %get3A_25] : memref<64x256xf32, #tpu.memory_space<vmem>>, vector<64x256xf32>
    %dot_general3A = arith.constant dense<0.000000e+00> : vector<64x256xf32>
    %dot_general3A_27 = tpu.matmul %convert_element_type3A_6, %mul3A_16, %dot_general3A {dimension_numbers = #tpu.dot_dimension_numbers<[1], [0], [0], [1], [0, 0, 1, 1], [], []>, transpose_lhs_hint = false} : vector<64x1024xf32>, vector<1024x256xf32>, vector<64x256xf32> -> vector<64x256xf32>
    %add3A = arith.addf %get3A_26, %dot_general3A_27 : vector<64x256xf32>
    %swap3A = arith.constant 0 : index
    %swap3A_28 = arith.constant 0 : index
    %swap3A_29 = vector.load %arg16[%swap3A, %swap3A_28] : memref<64x256xf32, #tpu.memory_space<vmem>>, vector<64x256xf32>
    tpu.vector_store %arg16[%swap3A, %swap3A_28], %add3A {strides = array<i32>} : memref<64x256xf32, #tpu.memory_space<vmem>>, vector<64x256xf32>,
    %get3A_30 = arith.constant 0 : index
    %get3A_31 = arith.constant 0 : index
    %get3A_32 = vector.load %arg17[%get3A_30, %get3A_31] : memref<64x256xf32, #tpu.memory_space<vmem>>, vector<64x256xf32>
    %dot_general3A_33 = arith.constant dense<0.000000e+00> : vector<64x256xf32>
    %dot_general3A_34 = tpu.matmul %convert_element_type3A_6, %concatenate3A_23, %dot_general3A_33 {dimension_numbers = #tpu.dot_dimension_numbers<[1], [0], [0], [1], [0, 0, 1, 1], [], []>, transpose_lhs_hint = false} : vector<64x1024xf32>, vector<1024x256xf32>, vector<64x256xf32> -> vector<64x256xf32>
    %add3A_35 = arith.addf %get3A_32, %dot_general3A_34 : vector<64x256xf32>
    %swap3A_36 = arith.constant 0 : index
    %swap3A_37 = arith.constant 0 : index
    %swap3A_38 = vector.load %arg17[%swap3A_36, %swap3A_37] : memref<64x256xf32, #tpu.memory_space<vmem>>, vector<64x256xf32>
    tpu.vector_store %arg17[%swap3A_36, %swap3A_37], %add3A_35 {strides = array<i32>} : memref<64x256xf32, #tpu.memory_space<vmem>>, vector<64x256xf32>,
    %get3A_39 = arith.constant 0 : index
    %get3A_40 = arith.constant 0 : index
    %get3A_41 = vector.load %arg18[%get3A_39, %get3A_40] : memref<64x128xf32, #tpu.memory_space<vmem>>, vector<64x128xf32>
    %reduce_sum3A = arith.constant dense<0.000000e+00> : vector<64xf32>
    %reduce_sum3A_42 = vector.multi_reduction <add>, %convert_element_type3A_6, %reduce_sum3A [1] : vector<64x1024xf32> to vector<64xf32>
    %broadcast_in_dim3A_43 = vector.shape_cast %reduce_sum3A_42 : vector<64xf32> to vector<64x1xf32>
    %broadcast_in_dim3A_44 = vector.shape_cast %broadcast_in_dim3A_43 : vector<64x1xf32> to vector<64x1xf32>
    %broadcast_in_dim3A_45 = vector.broadcast %broadcast_in_dim3A_44 : vector<64x1xf32> to vector<64x128xf32>
    %add3A_46 = arith.addf %get3A_41, %broadcast_in_dim3A_45 : vector<64x128xf32>
    %swap3A_47 = arith.constant 0 : index
    %swap3A_48 = arith.constant 0 : index
    %swap3A_49 = vector.load %arg18[%swap3A_47, %swap3A_48] : memref<64x128xf32, #tpu.memory_space<vmem>>, vector<64x128xf32>
    tpu.vector_store %arg18[%swap3A_47, %swap3A_48], %add3A_46 {strides = array<i32>} : memref<64x128xf32, #tpu.memory_space<vmem>>, vector<64x128xf32>,
    %eq3A_50 = arith.constant 9 : i32
    %eq3A_51 = arith.cmpi eq, %arg0, %eq3A_50 : i32
    %convert_element_type3A_52 = arith.extui %eq3A_51 : i1 to i32
    %cond3A_53 = arith.constant 0 : i32
    %cond3A_54 = arith.cmpi ne, %convert_element_type3A_52, %cond3A_53 : i32
    scf.if %cond3A_54 {
      %get3A_55 = arith.constant 0 : index
      %get3A_56 = arith.constant 0 : index
      %get3A_57 = vector.load %arg18[%get3A_55, %get3A_56] : memref<64x128xf32, #tpu.memory_space<vmem>>, vector<64x1xf32>
      %get3A_58 = arith.constant 0 : index
      %get3A_59 = arith.constant 0 : index
      %get3A_60 = vector.load %arg16[%get3A_58, %get3A_59] : memref<64x256xf32, #tpu.memory_space<vmem>>, vector<64x256xf32>
      %get3A_61 = arith.constant 0 : index
      %get3A_62 = arith.constant 0 : index
      %get3A_63 = vector.load %arg7[%get3A_61, %get3A_62] : memref<256x256xf32, #tpu.memory_space<vmem>>, vector<256x256xf32>
      %dot_general3A_64 = arith.constant dense<0.000000e+00> : vector<64x256xf32>
      %dot_general3A_65 = tpu.matmul %get3A_60, %get3A_63, %dot_general3A_64 {dimension_numbers = #tpu.dot_dimension_numbers<[1], [1], [0], [0], [0, 0, 1, 0], [], []>, transpose_lhs_hint = false} : vector<64x256xf32>, vector<256x256xf32>, vector<64x256xf32> -> vector<64x256xf32>
      %get3A_66 = arith.constant 0 : index
      %get3A_67 = arith.constant 0 : index
      %get3A_68 = vector.load %arg17[%get3A_66, %get3A_67] : memref<64x256xf32, #tpu.memory_space<vmem>>, vector<64x256xf32>
      %get3A_69 = arith.constant 0 : index
      %get3A_70 = arith.constant 0 : index
      %get3A_71 = vector.load %arg9[%get3A_69, %get3A_70] : memref<256x256xf32, #tpu.memory_space<vmem>>, vector<256x256xf32>
      %dot_general3A_72 = arith.constant dense<0.000000e+00> : vector<64x256xf32>
      %dot_general3A_73 = tpu.matmul %get3A_68, %get3A_71, %dot_general3A_72 {dimension_numbers = #tpu.dot_dimension_numbers<[1], [1], [0], [0], [0, 0, 1, 0], [], []>, transpose_lhs_hint = false} : vector<64x256xf32>, vector<256x256xf32>, vector<64x256xf32> -> vector<64x256xf32>
      %add3A_74 = arith.addf %dot_general3A_65, %dot_general3A_73 : vector<64x256xf32>
      %get3A_75 = arith.constant 0 : index
      %get3A_76 = vector.load %arg8[%get3A_75] : memref<256xf32, #tpu.memory_space<vmem>>, vector<256xf32>
      %get3A_77 = arith.constant 0 : index
      %get3A_78 = vector.load %arg10[%get3A_77] : memref<256xf32, #tpu.memory_space<vmem>>, vector<256xf32>
      %add3A_79 = arith.addf %get3A_76, %get3A_78 : vector<256xf32>
      %broadcast_in_dim3A_80 = vector.shape_cast %add3A_79 : vector<256xf32> to vector<1x256xf32>
      %mul3A_81 = vector.broadcast %get3A_57 : vector<64x1xf32> to vector<64x256xf32>
      %mul3A_82 = vector.broadcast %broadcast_in_dim3A_80 : vector<1x256xf32> to vector<64x256xf32>
      %mul3A_83 = arith.mulf %mul3A_81, %mul3A_82 : vector<64x256xf32>
      %add3A_84 = arith.addf %add3A_74, %mul3A_83 : vector<64x256xf32>
      %max3A = arith.constant 1.000000e+00 : f32
      %max3A_85 = vector.broadcast %max3A : f32 to vector<64x1xf32>
      %max3A_86 = arith.maximumf %get3A_57, %max3A_85 : vector<64x1xf32>
      %div3A = vector.broadcast %max3A_86 : vector<64x1xf32> to vector<64x256xf32>
      %div3A_87 = arith.divf %add3A_84, %div3A : vector<64x256xf32>
      %get3A_88 = arith.constant 0 : index
      %get3A_89 = arith.constant 0 : index
      %get3A_90 = vector.load %arg11[%get3A_88, %get3A_89] : memref<128x256xf32, #tpu.memory_space<vmem>>, vector<128x256xf32>
      %dot_general3A_91 = arith.constant dense<0.000000e+00> : vector<64x128xf32>
      %dot_general3A_92 = tpu.matmul %div3A_87, %get3A_90, %dot_general3A_91 {dimension_numbers = #tpu.dot_dimension_numbers<[1], [1], [0], [0], [0, 0, 1, 0], [], []>, transpose_lhs_hint = false} : vector<64x256xf32>, vector<128x256xf32>, vector<64x128xf32> -> vector<64x128xf32>
      %get3A_93 = arith.constant 0 : index
      %get3A_94 = vector.load %arg12[%get3A_93] : memref<128xf32, #tpu.memory_space<vmem>>, vector<128xf32>
      %broadcast_in_dim3A_95 = vector.shape_cast %get3A_94 : vector<128xf32> to vector<1x128xf32>
      %add3A_96 = vector.broadcast %broadcast_in_dim3A_95 : vector<1x128xf32> to vector<64x128xf32>
      %add3A_97 = arith.addf %dot_general3A_92, %add3A_96 : vector<64x128xf32>
      %max3A_98 = arith.constant 0.000000e+00 : f32
      %max3A_99 = vector.broadcast %max3A_98 : f32 to vector<64x128xf32>
      %max3A_100 = arith.maximumf %add3A_97, %max3A_99 : vector<64x128xf32>
      %get3A_101 = arith.constant 0 : index
      %get3A_102 = arith.constant 0 : index
      %get3A_103 = vector.load %arg13[%get3A_101, %get3A_102] : memref<2x128xf32, #tpu.memory_space<vmem>>, vector<2x128xf32>
      %dot_general3A_104 = arith.constant dense<0.000000e+00> : vector<64x2xf32>
      %dot_general3A_105 = tpu.matmul %max3A_100, %get3A_103, %dot_general3A_104 {dimension_numbers = #tpu.dot_dimension_numbers<[1], [1], [0], [0], [0, 0, 1, 0], [], []>, transpose_lhs_hint = false} : vector<64x128xf32>, vector<2x128xf32>, vector<64x2xf32> -> vector<64x2xf32>
      %get3A_106 = arith.constant 0 : index
      %get3A_107 = vector.load %arg14[%get3A_106] : memref<2xf32, #tpu.memory_space<vmem>>, vector<2xf32>
      %broadcast_in_dim3A_108 = vector.shape_cast %get3A_107 : vector<2xf32> to vector<1x2xf32>
      %add3A_109 = vector.broadcast %broadcast_in_dim3A_108 : vector<1x2xf32> to vector<64x2xf32>
      %add3A_110 = arith.addf %dot_general3A_105, %add3A_109 : vector<64x2xf32>
      %reduce_max3A = arith.constant dense<0xFF800000> : vector<64xf32>
      %reduce_max3A_111 = vector.multi_reduction <maximumf>, %add3A_110, %reduce_max3A [1] : vector<64x2xf32> to vector<64xf32>
      %broadcast_in_dim3A_112 = vector.shape_cast %reduce_max3A_111 : vector<64xf32> to vector<64x1xf32>
      %sub3A = vector.broadcast %broadcast_in_dim3A_112 : vector<64x1xf32> to vector<64x2xf32>
      %sub3A_113 = arith.subf %add3A_110, %sub3A : vector<64x2xf32>
      %exp3A = math.exp %sub3A_113 : vector<64x2xf32>
      %reduce_sum3A_114 = arith.constant dense<0.000000e+00> : vector<64xf32>
      %reduce_sum3A_115 = vector.multi_reduction <add>, %exp3A, %reduce_sum3A_114 [1] : vector<64x2xf32> to vector<64xf32>
      %broadcast_in_dim3A_116 = vector.shape_cast %reduce_sum3A_115 : vector<64xf32> to vector<64x1xf32>
      %log3A = math.log %broadcast_in_dim3A_116 : vector<64x1xf32>
      %add3A_117 = arith.addf %broadcast_in_dim3A_112, %log3A : vector<64x1xf32>
      %sub3A_118 = vector.broadcast %add3A_117 : vector<64x1xf32> to vector<64x2xf32>
      %sub3A_119 = arith.subf %add3A_110, %sub3A_118 : vector<64x2xf32>
      %swap3A_120 = arith.constant 0 : index
      %swap3A_121 = arith.constant 0 : index
      %swap3A_122 = vector.load %arg15[%swap3A_120, %swap3A_121] : memref<64x2xf32, #tpu.memory_space<vmem>>, vector<64x2xf32>
      tpu.vector_store %arg15[%swap3A_120, %swap3A_121], %sub3A_119 {strides = array<i32>} : memref<64x2xf32, #tpu.memory_space<vmem>>, vector<64x2xf32>,
    } else {
    }
    return
  }
  func.func @transform_0(%arg0: i32) -> (i32, i32) {
    %c0_i32 = arith.constant 0 : i32
    %c0_i32_0 = arith.constant 0 : i32
    return %arg0, %c0_i32 : i32, i32
  }
  func.func @transform_1(%arg0: i32) -> (i32, i32) {
    %add3A = arith.constant 10 : i32
    %add3A_0 = arith.addi %arg0, %add3A : i32
    %c0_i32 = arith.constant 0 : i32
    %c0_i32_1 = arith.constant 0 : i32
    return %add3A_0, %c0_i32 : i32, i32
  }
  func.func @transform_2(%arg0: i32) -> (i32, i32) {
    %c0_i32 = arith.constant 0 : i32
    %c0_i32_0 = arith.constant 0 : i32
    return %arg0, %c0_i32 : i32, i32
  }
  func.func @transform_3(%arg0: i32) -> (i32, i32) {
    %c0_i32 = arith.constant 0 : i32
    %c0_i32_0 = arith.constant 0 : i32
    return %arg0, %c0_i32 : i32, i32
  }
  func.func @transform_4(%arg0: i32) -> (i32, i32) {
    %c0_i32 = arith.constant 0 : i32
    %c0_i32_0 = arith.constant 0 : i32
    return %arg0, %c0_i32 : i32, i32
  }
  func.func @transform_5(%arg0: i32) -> i32 {
    %c0_i32 = arith.constant 0 : i32
    return %arg0 : i32
  }
  func.func @transform_6(%arg0: i32) -> (i32, i32) {
    %c0_i32 = arith.constant 0 : i32
    %c0_i32_0 = arith.constant 0 : i32
    %c0_i32_1 = arith.constant 0 : i32
    return %c0_i32, %c0_i32_0 : i32, i32
  }
  func.func @transform_7(%arg0: i32) -> i32 {
    %c0_i32 = arith.constant 0 : i32
    %c0_i32_0 = arith.constant 0 : i32
    return %c0_i32 : i32
  }
  func.func @transform_8(%arg0: i32) -> (i32, i32) {
    %c0_i32 = arith.constant 0 : i32
    %c0_i32_0 = arith.constant 0 : i32
    %c0_i32_1 = arith.constant 0 : i32
    return %c0_i32, %c0_i32_0 : i32, i32
  }
  func.func @transform_9(%arg0: i32) -> i32 {
    %c0_i32 = arith.constant 0 : i32
    %c0_i32_0 = arith.constant 0 : i32
    return %c0_i32 : i32
  }
  func.func @transform_10(%arg0: i32) -> (i32, i32) {
    %c0_i32 = arith.constant 0 : i32
    %c0_i32_0 = arith.constant 0 : i32
    %c0_i32_1 = arith.constant 0 : i32
    return %c0_i32, %c0_i32_0 : i32, i32
  }
  func.func @transform_11(%arg0: i32) -> i32 {
    %c0_i32 = arith.constant 0 : i32
    %c0_i32_0 = arith.constant 0 : i32
    return %c0_i32 : i32
  }
  func.func @transform_12(%arg0: i32) -> (i32, i32) {
    %c0_i32 = arith.constant 0 : i32
    %c0_i32_0 = arith.constant 0 : i32
    %c0_i32_1 = arith.constant 0 : i32
    return %c0_i32, %c0_i32_0 : i32, i32
  }
  func.func @transform_13(%arg0: i32) -> i32 {
    %c0_i32 = arith.constant 0 : i32
    %c0_i32_0 = arith.constant 0 : i32
    return %c0_i32 : i32
  }
  func.func @transform_14(%arg0: i32) -> (i32, i32) {
    %c0_i32 = arith.constant 0 : i32
    %c0_i32_0 = arith.constant 0 : i32
    %c0_i32_1 = arith.constant 0 : i32
    return %c0_i32, %c0_i32_0 : i32, i32
  }
}

</mosaic_0001>

<sc_bundles>
// kernel: kernel.6.cloned.1.call-start
scs
__scs_entry_jumppad:
0x0: {  	(pc) =	sbr.rel $0x88, $3  }
0x1: {  	(tag) =	ssettag $0x0;
	lr =	simm.s32 $0x1  }
0x2: {  	[smem:$0x3F90] =	sst lr;
	_ =	strace $0xD0000000  }
0x3: {  	_ = 	snop  }
0x4: {  	_ = 	snop  }
0x5: {  	_ = 	snop  }
0x6: {  	_ = 	snop  }
0x7: {  	_ = 	snop  }
__scs_overlays_trampoline_lowered:
0x8: {  	[smem:$0x3F9F] =	sst s0  }
0x9: {  	[smem:$0x3FA0] =	sst s1  }
0xa: {  	[smem:$0x3FA1] =	sst s2  }
0xb: {  	[smem:$0x3FA2] =	sst s3  }
0xc: {  	[smem:$0x3FA3] =	sst s4  }
0xd: {  	[smem:$0x3FA4] =	sst s5  }
0xe: {  	[smem:$0x3FA5] =	sst s6  }
0xf: {  	[smem:$0x3FA6] =	sst s7  }
0x10: {  	[smem:$0x3FA7] =	sst s8  }
0x11: {  	[smem:$0x3FA8] =	sst s9;
	s0 =	simm.s32 @!p0 $0x0  }
0x12: {  	s1 =	sld [smem:$0x3F8E];
	s0 =	simm.s32 @p0 $0x1  }
0x13: {  	[smem:$0x3FA9] =	sst s0;
	s0 =	simm.s32 @!p1 $0x0  }
0x14: {  	s2 =	sld [smem:$0x3F8D];
	s0 =	simm.s32 @p1 $0x1  }
0x15: {  	[smem:$0x3FAA] =	sst s0;
	s0 =	simm.s32 @!p2 $0x0  }
0x16: {  	s3 =	sld [smem:$0x3FDB];
	s0 =	simm.s32 @p2 $0x1  }
0x17: {  	s4 =	simm.s32 $0x1BF5;
	[smem:$0x3FAC] =	sst s0  }
0x18: {  	s0 =	sld [smem:$0x3F8F];
	_ =	swait.ge [sflag:s4], $0x0  }
0x19: {  	s7 =	sld [smem:$0x3F90]  }
0x1a: {  	s8 =	sadd.s32 $0xFFFFE003, lr  }
0x1b: {  	s9 =	sadd.s32 $0xFFFFFEF7, lr;
	s5 =	simm.s32 $0xFFFFFFFF;
	p2 =	slt.u32 s8, $0xFFFFF086  }
0x1c: {  	p1 =	slt.u32 s9, $0xF7A;
	s5 =	simm.s32 @!p2 $0x0  }
0x1d: {  	s5 =	simm.s32 @p1 $0x1;
	p0 =	seq.s32 s7, s2  }
0x1e: {  	s7 =	smul.u32 @!p0 $0xF7A, s2;
	p2 =	seq.s32 @!p0 s5, $0x0  }
0x1f: {  	s9 =	smul.u32 $0xF7A, s1;
	s8 =	simm.s32 @!p0 $0x1BF5;
	p2 =	por !p2, p0  }
0x20: {  	[sflag:s8] =	ssyncset.s32 @!p0 $0xFFFFF086;
	s6 =	sadd.s32 @!p0 s3, s7;
	s7 =	simm.s32 @!p0 $0x108  }
0x21: {  	s3 =	sadd.s32 s3, s9;
	s6 =	sadd.s32 @!p0 $0x88, s6;
	s7 =	simm.s32 @p2 $0x1082  }
0x22: {  	[simem:s7], [sflag:s8] =	dma.local @!p0 [hbm:s6], $0xF7A  }
0x23: {  	s9 =	sor.u32 $0xD0000000, s2;
	s6 =	simm.s32 $0x108;
	_ =	swait.ge @!p0 [sflag:s8], $0x0  }
0x24: {  	s3 =	sadd.s32 $0x88, s3;
	s6 =	simm.s32 @!p1 $0x1082;
	[sflag:s4] =	ssyncset.s32 $0xFFFFF086  }
0x25: {  	[simem:s6], [sflag:s4] =	dma.local [hbm:s3], $0xF7A  }
0x26: {  	[smem:$0x3F90] =	sst s1;
	(tag) =	ssettag s2;
	_ =	strace s9  }
0x27: {  	s1 =	sld [smem:$0x3FA0]  }
0x28: {  	s2 =	sld [smem:$0x3FA1]  }
0x29: {  	s4 =	sld [smem:$0x3FA3]  }
0x2a: {  	p0 =	seq.s32 s5, $0x0;
	s5 =	sld [smem:$0x3FA4]  }
0x2b: {  	s6 =	sld [smem:$0x3FA5]  }
0x2c: {  	s7 =	sld [smem:$0x3FA6]  }
0x2d: {  	s3 =	simm.s32 $0x108;
	s8 =	sld [smem:$0x3FA7]  }
0x2e: {  	s3 =	simm.s32 @!p0 $0x1082;
	s9 =	sld [smem:$0x3FA8]  }
0x2f: {  	lr =	sadd.s32 s0, s3;
	s0 =	sld [smem:$0x3F9F]  }
0x30: {  	s3 =	sld [smem:$0x3FA2]  }
0x31: {  	[smem:$0x3FAB] =	sst s10  }
0x32: {  	s10 =	sld [smem:$0x3FA9];
	_ =	sdelay $0x3  }
0x33: {  	p0 =	seq.s32 s10, $0x1;
	s10 =	sld [smem:$0x3FAB];
	_ =	sdelay $0x3  }
0x34: {  	[smem:$0x3FAB] =	sst s10  }
0x35: {  	s10 =	sld [smem:$0x3FAA];
	_ =	sdelay $0x3  }
0x36: {  	p1 =	seq.s32 s10, $0x1;
	s10 =	sld [smem:$0x3FAB];
	_ =	sdelay $0x3  }
0x37: {  	[smem:$0x3FAB] =	sst s10  }
0x38: {  	s10 =	sld [smem:$0x3FAC]  }
0x39: {  	_ = 	snop;
	(pc) =	sbr.ind lr, $3  }
0x3a: {  	_ = 	snop  }
0x3b: {  	_ = 	snop  }
0x3c: {  	p2 =	seq.s32 s10, $0x1;
	s10 =	sld [smem:$0x3FAB]  }
0x3d: {  	_ =	shalt  }
0x3e: {  	_ =	shalt  }
0x3f: {  	_ =	shalt  }
0x40: {  	_ =	shalt  }
0x41: {  	_ =	shalt  }
0x42: {  	_ =	shalt  }
0x43: {  	_ =	shalt  }
0x44: {  	_ =	shalt  }
0x45: {  	_ =	shalt  }
0x46: {  	_ =	shalt  }
0x47: {  	_ =	shalt  }
0x48: {  	_ =	shalt  }
0x49: {  	_ =	shalt  }
0x4a: {  	_ =	shalt  }
0x4b: {  	_ =	shalt  }
0x4c: {  	_ =	shalt  }
0x4d: {  	_ =	shalt  }
0x4e: {  	_ =	shalt  }
0x4f: {  	_ =	shalt  }
0x50: {  	_ =	shalt  }
0x51: {  	_ =	shalt  }
0x52: {  	_ =	shalt  }
0x53: {  	_ =	shalt  }
0x54: {  	_ =	shalt  }
0x55: {  	_ =	shalt  }
0x56: {  	_ =	shalt  }
0x57: {  	_ =	shalt  }
0x58: {  	_ =	shalt  }
0x59: {  	_ =	shalt  }
0x5a: {  	_ =	shalt  }
0x5b: {  	_ =	shalt  }
0x5c: {  	_ =	shalt  }
0x5d: {  	_ =	shalt  }
0x5e: {  	_ =	shalt  }
0x5f: {  	_ =	shalt  }
0x60: {  	_ =	shalt  }
0x61: {  	_ =	shalt  }
0x62: {  	_ =	shalt  }
0x63: {  	_ =	shalt  }
0x64: {  	_ =	shalt  }
0x65: {  	_ =	shalt  }
0x66: {  	_ =	shalt  }
0x67: {  	_ =	shalt  }
0x68: {  	_ =	shalt  }
0x69: {  	_ =	shalt  }
0x6a: {  	_ =	shalt  }
0x6b: {  	_ =	shalt  }
0x6c: {  	_ =	shalt  }
0x6d: {  	_ =	shalt  }
0x6e: {  	_ =	shalt  }
0x6f: {  	_ =	shalt  }
0x70: {  	_ =	shalt  }
0x71: {  	_ =	shalt  }
0x72: {  	_ =	shalt  }
0x73: {  	_ =	shalt  }
0x74: {  	_ =	shalt  }
0x75: {  	_ =	shalt  }
0x76: {  	_ =	shalt  }
0x77: {  	_ =	shalt  }
0x78: {  	_ =	shalt  }
0x79: {  	_ =	shalt  }
0x7a: {  	_ =	shalt  }
0x7b: {  	_ =	shalt  }
0x7c: {  	_ =	shalt  }
0x7d: {  	_ =	shalt  }
0x7e: {  	_ =	shalt  }
0x7f: {  	_ =	shalt  }
0x80: {  	_ =	shalt  }
0x81: {  	_ =	shalt  }
0x82: {  	_ =	shalt  }
0x83: {  	_ =	shalt  }
0x84: {  	_ =	shalt  }
0x85: {  	_ =	shalt  }
0x86: {  	_ =	shalt  }
0x87: {  	_ =	shalt  }
.Lfunc_end0:
.L_simem_size_0:
called_computation_lowered:
.L_overlay_start_0:
0x88: {  	s2 =	sld [smem:$0x3FD9]  }
0x89: {  	s3 =	sld [smem:$0x3FFE];
	_ =	sdelay $0x1  }
0x8a: {  	s1 =	srdreg.scid  }
0x8b: {  	s0 =	sand.u32 $0x1, s1  }
0x8c: {  	s16 =	sshll.u32 s0, $0xA;
	s2 =	sadd.s32 s3, s2  }
0x8d: {  	s2 =	sadd.s32 s2, s16  }
0x8e: {  	[smem:$0x3FB7] =	sst s2  }
0x8f: {  	_ = 	snop  }
0x90: {  	(tm) =	ssettm $0x1  }
0x91: {  	s17 =	sld [smem:$0x3FFB];
	_ =	sdelay $0x3  }
0x92: {  	_ =	strace s17  }
0x93: {  	s2 =	sld [smem:$0x3FFC];
	_ =	sdelay $0x3  }
0x94: {  	_ =	strace s2  }
0x95: {  	s2 =	sld [smem:$0x3FFD];
	_ =	sdelay $0x3  }
0x96: {  	_ =	strace s2  }
0x97: {  	_ =	strace $0x8FFFFFFF  }
0x98: {  	s18 =	sld [smem:$0x3FDB];
	_ =	sdelay $0x1  }
0x99: {  	s19 =	simm.s32 $_scs_section_size  }
0x9a: {  	s4 =	simm.s32 $_size__tile_overlayer_lowered;
	s5 =	simm.s32 $_tile_overlayer_lowered  }
0x9b: {  	s22 =	simm.s32 $0x1BFF;
	s21 =	sshll.u32 s5, $0x1;
	s2 =	sadd.s32 s19, s18  }
0x9c: {  	s6 =	simm.s32 $0x0;
	s20 =	sshll.u32 s4, $0x1;
	s4 =	sadd.s32 s21, s2  }
0x9d: {  	[timem:s6], [sflag:s22] =	dma.local [hbm:s4], s20  }
0x9e: {  	_ =	swait.ge [sflag:s22], s20  }
0x9f: {  	s3 =	ssub.s32 $0x0, s20;
	[sflag:s22] =	ssyncset.done $0x0  }
0xa0: {  	[sflag:s22] =	ssyncadd.s32 s3;
	_ =	sdelay $0x1  }
0xa1: {  	s23 =	simm.s32 $0x1B8B  }
0xa2: {  	_ =	swait.ge [sflag:s23], $0x1  }
0xa3: {  	[sflag:s23] =	ssyncset.done $0x0  }
0xa4: {  	s25 =	simm.s32 $0x1B8E;
	s24 =	sld [smem:$0x3FFE];
	[sflag:s23] =	ssyncadd.s32 $0xFFFFFFFF  }
0xa5: {  	s26 =	simm.s32 $execute0_lowered;
	[smem:$0x3FD2] =	sst s25  }
0xa6: {  	s4 =	sshll.u32 s26, $0x1;
	_ =	strace $0x80000046;
	[dreg:$0x1] =	wrdreg $0xFFFFFFFF  }
0xa7: {  	s28 =	simm.s32 $_size_execute0_lowered;
	s2 =	sadd.s32 s2, s4;
	[dreg:$0x0] =	wrdreg $0x0  }
0xa8: {  	s4 =	sshll.u32 s28, $0x1;
	[dreg:$0x2] =	wrdreg s2  }
0xa9: {  	[dreg:$0x3] =	wrdreg s4  }
0xaa: {  	[dreg:$0x4] =	wrdreg $0xC0  }
0xab: {  	_ =	task [dreg:s6], $0x5FFFF  }
0xac: {  	[dreg:$0x1] =	wrdreg $0xFFFFFFFF  }
0xad: {  	[dreg:$0x0] =	wrdreg $0x60  }
0xae: {  	[dreg:$0x2] =	wrdreg s24  }
0xaf: {  	[dreg:$0x3] =	wrdreg $0x0  }
0xb0: {  	[dreg:$0x4] =	wrdreg $0x140000  }
0xb1: {  	[dreg:$0x5] =	wrdreg $0x9  }
0xb2: {  	_ =	task.clear_ibuf [dreg:s6], $0x6FFFF;
	_ =	strace $0x90000046  }
0xb3: {  	s29 =	simm.s32 $0x9;
	_ =	strace $0x80000048  }
0xb4: {  	_ =	swait.ge [sflag:s29], $0x1  }
0xb5: {  	[sflag:s29] =	ssyncadd.s32 $0xFFFFFFFF  }
0xb6: {  	_ =	strace $0x90000048  }
0xb7: {  	_ =	sfence  }
0xb8: {  	s30 =	sld [smem:$0x0];
	_ =	sdelay $0x2  }
0xb9: {  	s31 =	sshll.u32 s1, $0xD;
	s1 =	sshrl.u32 s1, $0x2  }
0xba: {  	s3 =	sand.u32 $0x4000, s31;
	s1 =	sadd.s32 s1, s30  }
0xbb: {  	s0 =	sor.u32 s3, s0;
	s1 =	sshll.u32 s1, $0x11  }
0xbc: {  	s0 =	sor.u32 s1, s0  }
0xbd: {  	s0 =	sadd.s32 $0x8F2B, s0  }
0xbe: {  	[sflag:s0] =	ssyncadd.remote.s32 $0x1  }
0xbf: {  	_ =	sfence.sel $0xFFFF  }
0xc0: {  	[dreg:$0x0] =	wrdreg $0xFFFFFFFF;
	(pc) =	sbr.abs _section_cstart, $3  }
0xc1: {  	[dreg:$0x1] =	wrdreg $0xFFFFFFFF  }
0xc2: {  	_ =	task.clear_ibuf [dreg:s6], $0x2FFFF;
	_ =	strace $0x9FFFFFFF  }
0xc3: {  	(tm) =	ssettm $0x7FFFFFFF  }
tec
execute0_lowered:
.L_overlay_start_1:
0x0: {  	(tag) =	ssettag $0x1  }
0x1: {  	s0 =	rddreg [dreg:$0x0]  }
0x2: {  	s2 =	rddreg [dreg:$0x1]  }
0x3: {  	s3 =	rddreg [dreg:$0x2]  }
0x4: {  	s4 =	stileid.u32;
	s1 =	srdreg.scid;
	s9 =	simm.s32 $0x0  }
0x5: {  	s23 =	simm.s32 $0x14300;
	s25 =	simm.s32 $0x14380;
	s5 =	smul.u32 $0x2800, s4  }
0x6: {  	s28 =	simm.s32 $0x1D280;
	s29 =	simm.s32 $0x2;
	s6 =	smul.u32 $0x280, s4  }
0x7: {  	s30 =	simm.s32 $0x14B00;
	s1 =	sand.u32 $0x1, s1;
	s10 =	smul.u32 $0x50000, s4  }
0x8: {  	[smem:$0x7FF] =	sst s9;
	p0 =	seq.s32 s1, $0x0;
	s8 =	smul.u32 $0x2800, s1  }
0x9: {  	_ =	strace $0x80000047;
	s1 =	ssub.s32 $0x2, s1;
	[dreg:$0x6] =	wrdreg s23  }
0xa: {  	[dreg:$0x7] =	wrdreg s25;
	s23 =	simm.s32 $0x14880;
	s25 =	simm.s32 $0x14980  }
0xb: {  	s7 =	sadd.s32 $0x28000, s5;
	s11 =	sshrl.u32 s1, $0x1;
	s13 =	sshrl.u32 s10, $0x2  }
0xc: {  	s15 =	sadd.s32 $0x80, s6;
	s10 =	sadd.s32 s6, s3;
	[dreg:$0x11] =	wrdreg s23  }
0xd: {  	s22 =	sadd.s32 $0x100, s6;
	[dreg:$0x13] =	wrdreg s25;
	s7 =	smov.u32 @p0 s5  }
0xe: {  	s8 =	sadd.s32 s6, s8;
	s5 =	sadd.s32 $0x4600, s0;
	s1 =	ssub.s32 s1, s11  }
0xf: {  	s18 =	sadd.s32 s13, s2;
	s11 =	simm.s32 $0x14500;
	[dreg:$0x19] =	wrdreg s10  }
0x10: {  	s17 =	sshll.u32 s15, $0x7;
	s13 =	simm.s32 $0x14580;
	[dreg:$0xa] =	wrdreg s11  }
0x11: {  	s24 =	sshll.u32 s22, $0x7;
	s7 =	sshrl.u32 s7, $0x3;
	[dreg:$0xb] =	wrdreg s13  }
0x12: {  	s12 =	sshll.u32 s8, $0x4;
	s1 =	smax.u32 s1, $0x1;
	[dreg:$0x16] =	wrdreg s18  }
0x13: {  	s8 =	sshrl.u32 s8, $0x3;
	s19 =	sadd.s32 s17, s2;
	[dreg:$0x1a] =	wrdreg s1  }
0x14: {  	s26 =	sadd.s32 s24, s2;
	s24 =	simm.s32 $0x14900;
	[dreg:$0x1b] =	wrdreg s19  }
0x15: {  	s7 =	sadd.s32 s7, s0;
	s9 =	sadd.s32 s12, s0;
	[dreg:$0x1d] =	wrdreg s26  }
0x16: {  	s8 =	sadd.s32 s8, s0;
	s0 =	sadd.s32 $0x2BE00, s0;
	[dreg:$0x12] =	wrdreg s24  }
0x17: {  	s31 =	simm.s32 $0x0;
	s1 =	sadd.s32 s22, s3;
	[dreg:$0x15] =	wrdreg s0  }
0x18: {  	s23 =	simm.s32 $0x14A80;
	s19 =	simm.s32 $0x14700;
	[dreg:$0x1e] =	wrdreg s1  }
0x19: {  	s25 =	simm.s32 $0x19280;
	s22 =	simm.s32 $0x14800;
	[dreg:$0xe] =	wrdreg s19  }
0x1a: {  	s17 =	sadd.s32 $0x200, s6;
	s26 =	simm.s32 $0x14A00;
	[dreg:$0x10] =	wrdreg s22  }
0x1b: {  	s11 =	simm.s32 $0x14E00;
	s14 =	sadd.s32 $0x41000, s9;
	[dreg:$0x14] =	wrdreg s26  }
0x1c: {  	s13 =	simm.s32 $0x14F00;
	s16 =	sadd.s32 $0x40600, s8;
	[dreg:$0x17] =	wrdreg s14  }
0x1d: {  	s24 =	simm.s32 $0x80;
	s0 =	sadd.s32 s15, s3;
	[dreg:$0x18] =	wrdreg s16  }
0x1e: {  	s20 =	sadd.s32 $0x36600, s7;
	s21 =	sadd.s32 $0x2C600, s7;
	[dreg:$0x1c] =	wrdreg s0  }
0x1f: {  	s7 =	simm.s32 $0x14400;
	s8 =	simm.s32 $0x14480;
	[dreg:$0x4] =	wrdreg s20  }
0x20: {  	s9 =	sadd.s32 $0x180, s6;
	s15 =	simm.s32 $0x14600;
	[dreg:$0x5] =	wrdreg s21  }
0x21: {  	s6 =	sshll.u32 s17, $0x7;
	s26 =	simm.s32 $0x1;
	[dreg:$0x8] =	wrdreg s7  }
0x22: {  	s22 =	simm.s32 $0x15180;
	s19 =	simm.s32 $0x3;
	[dreg:$0x9] =	wrdreg s8  }
0x23: {  	s12 =	sshll.u32 s9, $0x7;
	s1 =	sadd.s32 s9, s3;
	[dreg:$0xc] =	wrdreg s15  }
0x24: {  	s16 =	simm.s32 $0x14680;
	s20 =	simm.s32 $0x14780;
	s21 =	sadd.s32 s6, s2  }
0x25: {  	s7 =	simm.s32 $0x14280;
	s0 =	simm.s32 $0x14B80;
	[smem:$0x7FB] =	sst s1  }
0x26: {  	s6 =	simm.s32 $0x14C80;
	s8 =	simm.s32 $0x14D00;
	[dreg:$0xd] =	wrdreg s16  }
0x27: {  	s9 =	simm.s32 $0x14D80;
	s15 =	simm.s32 $0x15000;
	[smem:$0x7FC] =	sst s21  }
0x28: {  	s14 =	sadd.s32 s12, s2;
	[dreg:$0xf] =	wrdreg s20;
	s1 =	sadd.s32 s17, s3  }
0x29: {  	s20 =	simm.s32 $0x15280;
	s21 =	simm.s32 $0x4;
	s12 =	simm.s32 $0x14E80  }
0x2a: {  	s16 =	simm.s32 $0x15080;
	s17 =	simm.s32 $0x15100;
	[dreg:$0x1f] =	wrdreg s14  }
0x2b: {  	v0 =	vimm.f32 $1.000000000e+00;
	[smem:$0x7FD] =	sst s1;
	s1 =	simm.s32 $0x14C00;
	s14 =	simm.s32 $0x14F80  }
.LBB2_1:
0x2c: {  	[smem:$0x7FA] =	sst s31  }
0x2d: {  	s31 =	simm.s32 $0x0;
	s4 =	rddreg [dreg:$0x15]  }
0x2e: {  	[tilespmem:s20], [sflag:$0x4] =	stream.linear.gather [hbm4b:s4+s31], $0x4000, $0x38;
	[tilespmem:$0x1D300] =	vst v63  }
0x2f: {  	_ =	swait.ge [sflag:s21], $0x4000  }
0x30: {  	[sflag:s21] =	ssyncset.done $0x0  }
0x31: {  	[sflag:s21] =	ssyncadd.s32 $0xFFFFC000  }
0x32: {  	[tilespmem:$0x1D280] =	vst v0  }
0x33: {  	[tilespmem:$0x1D290] =	vst v0  }
0x34: {  	[tilespmem:$0x1D2A0] =	vst v0  }
0x35: {  	[tilespmem:$0x1D2B0] =	vst v0  }
0x36: {  	[tilespmem:$0x1D2C0] =	vst v0  }
0x37: {  	[tilespmem:$0x1D2D0] =	vst v0  }
0x38: {  	[tilespmem:$0x1D2E0] =	vst v0  }
0x39: {  	[tilespmem:$0x1D2F0] =	vst v0  }
0x3a: {  	[spmem:s18] =	stream.linear.scatter [tilespmem:s20], [sflag:$0x4], $0x4000, $0x38;
	[tilespmem:$0x1D300] =	vst v63  }
0x3b: {  	_ =	swait.ge [sflag:s21], $0x4000  }
0x3c: {  	[sflag:s21] =	ssyncset.done $0x0  }
0x3d: {  	[sflag:s21] =	ssyncadd.s32 $0xFFFFC000  }
0x3e: {  	[spmem:s10] =	stream.linear.scatter [tilespmem:s20], [sflag:$0x4], $0x80, $0x38;
	[tilespmem:$0x1D300] =	vst v63  }
0x3f: {  	_ =	swait.ge [sflag:s21], $0x80  }
0x40: {  	[sflag:s21] =	ssyncset.done $0x0  }
0x41: {  	s10 =	rddreg [dreg:$0x1b];
	[sflag:s21] =	ssyncadd.s32 $0xFFFFFF80  }
0x42: {  	[spmem:s10] =	stream.linear.scatter [tilespmem:s20], [sflag:$0x4], $0x4000, $0x38;
	[tilespmem:$0x1D300] =	vst v63  }
0x43: {  	_ =	swait.ge [sflag:s21], $0x4000  }
0x44: {  	[sflag:s21] =	ssyncset.done $0x0  }
0x45: {  	s18 =	rddreg [dreg:$0x1c];
	[sflag:s21] =	ssyncadd.s32 $0xFFFFC000  }
0x46: {  	[spmem:s18] =	stream.linear.scatter [tilespmem:s20], [sflag:$0x4], $0x80, $0x38;
	[tilespmem:$0x1D300] =	vst v63  }
0x47: {  	_ =	swait.ge [sflag:s21], $0x80  }
0x48: {  	[sflag:s21] =	ssyncset.done $0x0  }
0x49: {  	s10 =	rddreg [dreg:$0x1d];
	[sflag:s21] =	ssyncadd.s32 $0xFFFFFF80  }
0x4a: {  	[spmem:s10] =	stream.linear.scatter [tilespmem:s20], [sflag:$0x4], $0x4000, $0x38;
	[tilespmem:$0x1D300] =	vst v63  }
0x4b: {  	_ =	swait.ge [sflag:s21], $0x4000  }
0x4c: {  	[sflag:s21] =	ssyncset.done $0x0  }
0x4d: {  	s18 =	rddreg [dreg:$0x1e];
	[sflag:s21] =	ssyncadd.s32 $0xFFFFC000  }
0x4e: {  	[spmem:s18] =	stream.linear.scatter [tilespmem:s20], [sflag:$0x4], $0x80, $0x38;
	[tilespmem:$0x1D300] =	vst v63  }
0x4f: {  	_ =	swait.ge [sflag:s21], $0x80  }
0x50: {  	[sflag:s21] =	ssyncset.done $0x0  }
0x51: {  	s10 =	rddreg [dreg:$0x1f];
	[sflag:s21] =	ssyncadd.s32 $0xFFFFFF80  }
0x52: {  	[spmem:s10] =	stream.linear.scatter [tilespmem:s20], [sflag:$0x4], $0x4000, $0x38;
	[tilespmem:$0x1D300] =	vst v63  }
0x53: {  	_ =	swait.ge [sflag:s21], $0x4000  }
0x54: {  	s18 =	sld [smem:$0x7FB]  }
0x55: {  	[sflag:s21] =	ssyncset.done $0x0  }
0x56: {  	[sflag:s21] =	ssyncadd.s32 $0xFFFFC000  }
0x57: {  	[spmem:s18] =	stream.linear.scatter [tilespmem:s20], [sflag:$0x4], $0x80, $0x38;
	[tilespmem:$0x1D300] =	vst v63  }
0x58: {  	_ =	swait.ge [sflag:s21], $0x80  }
0x59: {  	s10 =	sld [smem:$0x7FC]  }
0x5a: {  	[sflag:s21] =	ssyncset.done $0x0  }
0x5b: {  	[sflag:s21] =	ssyncadd.s32 $0xFFFFFF80  }
0x5c: {  	[spmem:s10] =	stream.linear.scatter [tilespmem:s20], [sflag:$0x4], $0x4000, $0x38;
	[tilespmem:$0x1D300] =	vst v63  }
0x5d: {  	_ =	swait.ge [sflag:s21], $0x4000  }
0x5e: {  	s18 =	sld [smem:$0x7FD]  }
0x5f: {  	[sflag:s21] =	ssyncset.done $0x0  }
0x60: {  	[sflag:s21] =	ssyncadd.s32 $0xFFFFC000  }
0x61: {  	[spmem:s18] =	stream.linear.scatter [tilespmem:s20], [sflag:$0x4], $0x80, $0x38;
	[tilespmem:$0x1D300] =	vst v63  }
0x62: {  	_ =	swait.ge [sflag:s21], $0x80  }
0x63: {  	[sflag:s21] =	ssyncset.done $0x0  }
0x64: {  	[sflag:s21] =	ssyncadd.s32 $0xFFFFFF80  }
0x65: {  	[bflag:$0x0] =	sbarrier.arrive $0xFFFF  }
0x66: {  	s4 =	rddreg [dreg:$0x5]  }
0x67: {  	s10 =	sadd.s32 $0x0, s4  }
0x68: {  	[tilespmem:s7], [sflag:$0x4] =	stream.linear.gather [hbm4b:s10+s31], $0x800, $0x38;
	[tilespmem:$0x1D300] =	vst v63  }
0x69: {  	_ =	swait.ge [sflag:s21], $0x800  }
0x6a: {  	s18 =	rddreg [dreg:$0x4];
	[sflag:s21] =	ssyncset.done $0x0  }
0x6b: {  	[sflag:s21] =	ssyncadd.s32 $0xFFFFF800;
	s10 =	sadd.s32 $0x0, s18  }
0x6c: {  	[tilespmem:s23], [sflag:$0x4] =	stream.linear.gather [hbm4b:s10+s31], $0x800, $0x38;
	[tilespmem:$0x1D300] =	vst v63  }
0x6d: {  	_ =	swait.ge [sflag:s21], $0x800  }
0x6e: {  	[sflag:s21] =	ssyncset.done $0x0  }
0x6f: {  	[sflag:s21] =	ssyncadd.s32 $0xFFFFF800  }
0x70: {  	[tilespmem:s20], [sflag:$0x1] =	stream.indirect.gather [hbm4b:s5+s24], $0x80, s7, s24, $0xb8;
	[tilespmem:$0x1D300] =	vst v63  }
0x71: {  	s4 =	rddreg [dreg:$0x6]  }
0x72: {  	[tilespmem:s25], [sflag:$0x2] =	stream.indirect.gather [hbm4b:s5+s24], $0x80, s4, s24, $0xb8;
	[tilespmem:$0x1D300] =	vst v63  }
0x73: {  	_ =	swait.ge [sflag:s26], $0x4000  }
0x74: {  	[sflag:s26] =	ssyncset.done $0x0  }
0x75: {  	[sflag:s26] =	ssyncadd.s32 $0xFFFFC000  }
0x76: {  	[spmem:s2] =	stream.indirect.scatter.add.f32 [tilespmem:s20], [sflag:$0x4], $0x80, s23, s24, $0xb8;
	[tilespmem:$0x1D300] =	vst v63  }
0x77: {  	_ =	swait.ge [sflag:s21], $0x4000  }
0x78: {  	[sflag:s21] =	ssyncset.done $0x0  }
0x79: {  	[sflag:s21] =	ssyncadd.s32 $0xFFFFC000  }
0x7a: {  	[spmem:s3] =	stream.indirect.scatter.add.f32 [tilespmem:s28], [sflag:$0x3], $0x1, s23, s24, $0xb8;
	[tilespmem:$0x1D300] =	vst v63  }
0x7b: {  	s18 =	rddreg [dreg:$0x7]  }
0x7c: {  	[tilespmem:s20], [sflag:$0x1] =	stream.indirect.gather [hbm4b:s5+s24], $0x80, s18, s24, $0xb8;
	[tilespmem:$0x1D300] =	vst v63  }
0x7d: {  	_ =	swait.ge [sflag:s29], $0x4000  }
0x7e: {  	[sflag:s29] =	ssyncset.done $0x0  }
0x7f: {  	[sflag:s29] =	ssyncadd.s32 $0xFFFFC000  }
0x80: {  	[spmem:s2] =	stream.indirect.scatter.add.f32 [tilespmem:s25], [sflag:$0x4], $0x80, s30, s24, $0xb8;
	[tilespmem:$0x1D300] =	vst v63  }
0x81: {  	_ =	swait.ge [sflag:s21], $0x4000  }
0x82: {  	[sflag:s21] =	ssyncset.done $0x0  }
0x83: {  	[sflag:s21] =	ssyncadd.s32 $0xFFFFC000  }
0x84: {  	[spmem:s3] =	stream.indirect.scatter.add.f32 [tilespmem:s28], [sflag:$0x3], $0x1, s30, s24, $0xb8;
	[tilespmem:$0x1D300] =	vst v63  }
0x85: {  	s23 =	rddreg [dreg:$0x8]  }
0x86: {  	[tilespmem:s25], [sflag:$0x2] =	stream.indirect.gather [hbm4b:s5+s24], $0x80, s23, s24, $0xb8;
	[tilespmem:$0x1D300] =	vst v63  }
0x87: {  	_ =	swait.ge [sflag:s26], $0x4000  }
0x88: {  	[sflag:s26] =	ssyncset.done $0x0  }
0x89: {  	[sflag:s26] =	ssyncadd.s32 $0xFFFFC000  }
0x8a: {  	[spmem:s2] =	stream.indirect.scatter.add.f32 [tilespmem:s20], [sflag:$0x4], $0x80, s0, s24, $0xb8;
	[tilespmem:$0x1D300] =	vst v63  }
0x8b: {  	_ =	swait.ge [sflag:s21], $0x4000  }
0x8c: {  	[sflag:s21] =	ssyncset.done $0x0  }
0x8d: {  	[sflag:s21] =	ssyncadd.s32 $0xFFFFC000  }
0x8e: {  	[spmem:s3] =	stream.indirect.scatter.add.f32 [tilespmem:s28], [sflag:$0x3], $0x1, s0, s24, $0xb8;
	[tilespmem:$0x1D300] =	vst v63  }
0x8f: {  	s31 =	rddreg [dreg:$0x9]  }
0x90: {  	[tilespmem:s20], [sflag:$0x1] =	stream.indirect.gather [hbm4b:s5+s24], $0x80, s31, s24, $0xb8;
	[tilespmem:$0x1D300] =	vst v63  }
0x91: {  	_ =	swait.ge [sflag:s29], $0x4000  }
0x92: {  	[sflag:s29] =	ssyncset.done $0x0  }
0x93: {  	[sflag:s29] =	ssyncadd.s32 $0xFFFFC000  }
0x94: {  	[spmem:s2] =	stream.indirect.scatter.add.f32 [tilespmem:s25], [sflag:$0x4], $0x80, s1, s24, $0xb8;
	[tilespmem:$0x1D300] =	vst v63  }
0x95: {  	_ =	swait.ge [sflag:s21], $0x4000  }
0x96: {  	[sflag:s21] =	ssyncset.done $0x0  }
0x97: {  	[sflag:s21] =	ssyncadd.s32 $0xFFFFC000  }
0x98: {  	[spmem:s3] =	stream.indirect.scatter.add.f32 [tilespmem:s28], [sflag:$0x3], $0x1, s1, s24, $0xb8;
	[tilespmem:$0x1D300] =	vst v63  }
0x99: {  	s0 =	rddreg [dreg:$0xa]  }
0x9a: {  	[tilespmem:s25], [sflag:$0x2] =	stream.indirect.gather [hbm4b:s5+s24], $0x80, s0, s24, $0xb8;
	[tilespmem:$0x1D300] =	vst v63  }
0x9b: {  	_ =	swait.ge [sflag:s26], $0x4000  }
0x9c: {  	[sflag:s26] =	ssyncset.done $0x0  }
0x9d: {  	[sflag:s26] =	ssyncadd.s32 $0xFFFFC000  }
0x9e: {  	[spmem:s2] =	stream.indirect.scatter.add.f32 [tilespmem:s20], [sflag:$0x4], $0x80, s6, s24, $0xb8;
	[tilespmem:$0x1D300] =	vst v63  }
0x9f: {  	_ =	swait.ge [sflag:s21], $0x4000  }
0xa0: {  	[sflag:s21] =	ssyncset.done $0x0  }
0xa1: {  	[sflag:s21] =	ssyncadd.s32 $0xFFFFC000  }
0xa2: {  	[spmem:s3] =	stream.indirect.scatter.add.f32 [tilespmem:s28], [sflag:$0x3], $0x1, s6, s24, $0xb8;
	[tilespmem:$0x1D300] =	vst v63  }
0xa3: {  	s4 =	rddreg [dreg:$0xb]  }
0xa4: {  	[tilespmem:s20], [sflag:$0x1] =	stream.indirect.gather [hbm4b:s5+s24], $0x80, s4, s24, $0xb8;
	[tilespmem:$0x1D300] =	vst v63  }
0xa5: {  	_ =	swait.ge [sflag:s29], $0x4000  }
0xa6: {  	[sflag:s29] =	ssyncset.done $0x0  }
0xa7: {  	[sflag:s29] =	ssyncadd.s32 $0xFFFFC000  }
0xa8: {  	[spmem:s2] =	stream.indirect.scatter.add.f32 [tilespmem:s25], [sflag:$0x4], $0x80, s8, s24, $0xb8;
	[tilespmem:$0x1D300] =	vst v63  }
0xa9: {  	_ =	swait.ge [sflag:s21], $0x4000  }
0xaa: {  	[sflag:s21] =	ssyncset.done $0x0  }
0xab: {  	[sflag:s21] =	ssyncadd.s32 $0xFFFFC000  }
0xac: {  	[spmem:s3] =	stream.indirect.scatter.add.f32 [tilespmem:s28], [sflag:$0x3], $0x1, s8, s24, $0xb8;
	[tilespmem:$0x1D300] =	vst v63  }
0xad: {  	s7 =	rddreg [dreg:$0xc]  }
0xae: {  	[tilespmem:s25], [sflag:$0x2] =	stream.indirect.gather [hbm4b:s5+s24], $0x80, s7, s24, $0xb8;
	[tilespmem:$0x1D300] =	vst v63  }
0xaf: {  	_ =	swait.ge [sflag:s26], $0x4000  }
0xb0: {  	[sflag:s26] =	ssyncset.done $0x0  }
0xb1: {  	[sflag:s26] =	ssyncadd.s32 $0xFFFFC000  }
0xb2: {  	[spmem:s2] =	stream.indirect.scatter.add.f32 [tilespmem:s20], [sflag:$0x4], $0x80, s9, s24, $0xb8;
	[tilespmem:$0x1D300] =	vst v63  }
0xb3: {  	_ =	swait.ge [sflag:s21], $0x4000  }
0xb4: {  	[sflag:s21] =	ssyncset.done $0x0  }
0xb5: {  	[sflag:s21] =	ssyncadd.s32 $0xFFFFC000  }
0xb6: {  	[spmem:s3] =	stream.indirect.scatter.add.f32 [tilespmem:s28], [sflag:$0x3], $0x1, s9, s24, $0xb8;
	[tilespmem:$0x1D300] =	vst v63  }
0xb7: {  	s8 =	rddreg [dreg:$0xd]  }
0xb8: {  	[tilespmem:s20], [sflag:$0x1] =	stream.indirect.gather [hbm4b:s5+s24], $0x80, s8, s24, $0xb8;
	[tilespmem:$0x1D300] =	vst v63  }
0xb9: {  	_ =	swait.ge [sflag:s29], $0x4000  }
0xba: {  	[sflag:s29] =	ssyncset.done $0x0  }
0xbb: {  	[sflag:s29] =	ssyncadd.s32 $0xFFFFC000  }
0xbc: {  	[spmem:s2] =	stream.indirect.scatter.add.f32 [tilespmem:s25], [sflag:$0x4], $0x80, s11, s24, $0xb8;
	[tilespmem:$0x1D300] =	vst v63  }
0xbd: {  	_ =	swait.ge [sflag:s21], $0x4000  }
0xbe: {  	[sflag:s21] =	ssyncset.done $0x0  }
0xbf: {  	[sflag:s21] =	ssyncadd.s32 $0xFFFFC000  }
0xc0: {  	[spmem:s3] =	stream.indirect.scatter.add.f32 [tilespmem:s28], [sflag:$0x3], $0x1, s11, s24, $0xb8;
	[tilespmem:$0x1D300] =	vst v63  }
0xc1: {  	s9 =	rddreg [dreg:$0xe]  }
0xc2: {  	[tilespmem:s25], [sflag:$0x2] =	stream.indirect.gather [hbm4b:s5+s24], $0x80, s9, s24, $0xb8;
	[tilespmem:$0x1D300] =	vst v63  }
0xc3: {  	_ =	swait.ge [sflag:s26], $0x4000  }
0xc4: {  	[sflag:s26] =	ssyncset.done $0x0  }
0xc5: {  	[sflag:s26] =	ssyncadd.s32 $0xFFFFC000  }
0xc6: {  	[spmem:s2] =	stream.indirect.scatter.add.f32 [tilespmem:s20], [sflag:$0x4], $0x80, s12, s24, $0xb8;
	[tilespmem:$0x1D300] =	vst v63  }
0xc7: {  	_ =	swait.ge [sflag:s21], $0x4000  }
0xc8: {  	[sflag:s21] =	ssyncset.done $0x0  }
0xc9: {  	[sflag:s21] =	ssyncadd.s32 $0xFFFFC000  }
0xca: {  	[spmem:s3] =	stream.indirect.scatter.add.f32 [tilespmem:s28], [sflag:$0x3], $0x1, s12, s24, $0xb8;
	[tilespmem:$0x1D300] =	vst v63  }
0xcb: {  	s11 =	rddreg [dreg:$0xf]  }
0xcc: {  	[tilespmem:s20], [sflag:$0x1] =	stream.indirect.gather [hbm4b:s5+s24], $0x80, s11, s24, $0xb8;
	[tilespmem:$0x1D300] =	vst v63  }
0xcd: {  	_ =	swait.ge [sflag:s29], $0x4000  }
0xce: {  	[sflag:s29] =	ssyncset.done $0x0  }
0xcf: {  	[sflag:s29] =	ssyncadd.s32 $0xFFFFC000  }
0xd0: {  	[spmem:s2] =	stream.indirect.scatter.add.f32 [tilespmem:s25], [sflag:$0x4], $0x80, s13, s24, $0xb8;
	[tilespmem:$0x1D300] =	vst v63  }
0xd1: {  	_ =	swait.ge [sflag:s21], $0x4000  }
0xd2: {  	[sflag:s21] =	ssyncset.done $0x0  }
0xd3: {  	[sflag:s21] =	ssyncadd.s32 $0xFFFFC000  }
0xd4: {  	[spmem:s3] =	stream.indirect.scatter.add.f32 [tilespmem:s28], [sflag:$0x3], $0x1, s13, s24, $0xb8;
	[tilespmem:$0x1D300] =	vst v63  }
0xd5: {  	s12 =	rddreg [dreg:$0x10]  }
0xd6: {  	[tilespmem:s25], [sflag:$0x2] =	stream.indirect.gather [hbm4b:s5+s24], $0x80, s12, s24, $0xb8;
	[tilespmem:$0x1D300] =	vst v63  }
0xd7: {  	_ =	swait.ge [sflag:s26], $0x4000  }
0xd8: {  	[sflag:s26] =	ssyncset.done $0x0  }
0xd9: {  	[sflag:s26] =	ssyncadd.s32 $0xFFFFC000  }
0xda: {  	[spmem:s2] =	stream.indirect.scatter.add.f32 [tilespmem:s20], [sflag:$0x4], $0x80, s14, s24, $0xb8;
	[tilespmem:$0x1D300] =	vst v63  }
0xdb: {  	_ =	swait.ge [sflag:s21], $0x4000  }
0xdc: {  	[sflag:s21] =	ssyncset.done $0x0  }
0xdd: {  	[sflag:s21] =	ssyncadd.s32 $0xFFFFC000  }
0xde: {  	[spmem:s3] =	stream.indirect.scatter.add.f32 [tilespmem:s28], [sflag:$0x3], $0x1, s14, s24, $0xb8;
	[tilespmem:$0x1D300] =	vst v63  }
0xdf: {  	s13 =	rddreg [dreg:$0x11]  }
0xe0: {  	[tilespmem:s20], [sflag:$0x1] =	stream.indirect.gather [hbm4b:s5+s24], $0x80, s13, s24, $0xb8;
	[tilespmem:$0x1D300] =	vst v63  }
0xe1: {  	_ =	swait.ge [sflag:s29], $0x4000  }
0xe2: {  	[sflag:s29] =	ssyncset.done $0x0  }
0xe3: {  	[sflag:s29] =	ssyncadd.s32 $0xFFFFC000  }
0xe4: {  	[spmem:s2] =	stream.indirect.scatter.add.f32 [tilespmem:s25], [sflag:$0x4], $0x80, s15, s24, $0xb8;
	[tilespmem:$0x1D300] =	vst v63  }
0xe5: {  	_ =	swait.ge [sflag:s21], $0x4000  }
0xe6: {  	[sflag:s21] =	ssyncset.done $0x0  }
0xe7: {  	[sflag:s21] =	ssyncadd.s32 $0xFFFFC000  }
0xe8: {  	[spmem:s3] =	stream.indirect.scatter.add.f32 [tilespmem:s28], [sflag:$0x3], $0x1, s15, s24, $0xb8;
	[tilespmem:$0x1D300] =	vst v63  }
0xe9: {  	s14 =	rddreg [dreg:$0x12]  }
0xea: {  	[tilespmem:s25], [sflag:$0x2] =	stream.indirect.gather [hbm4b:s5+s24], $0x80, s14, s24, $0xb8;
	[tilespmem:$0x1D300] =	vst v63  }
0xeb: {  	_ =	swait.ge [sflag:s26], $0x4000  }
0xec: {  	[sflag:s26] =	ssyncset.done $0x0  }
0xed: {  	[sflag:s26] =	ssyncadd.s32 $0xFFFFC000  }
0xee: {  	[spmem:s2] =	stream.indirect.scatter.add.f32 [tilespmem:s20], [sflag:$0x4], $0x80, s16, s24, $0xb8;
	[tilespmem:$0x1D300] =	vst v63  }
0xef: {  	_ =	swait.ge [sflag:s21], $0x4000  }
0xf0: {  	[sflag:s21] =	ssyncset.done $0x0  }
0xf1: {  	[sflag:s21] =	ssyncadd.s32 $0xFFFFC000  }
0xf2: {  	[spmem:s3] =	stream.indirect.scatter.add.f32 [tilespmem:s28], [sflag:$0x3], $0x1, s16, s24, $0xb8;
	[tilespmem:$0x1D300] =	vst v63  }
0xf3: {  	s18 =	rddreg [dreg:$0x13]  }
0xf4: {  	[tilespmem:s20], [sflag:$0x1] =	stream.indirect.gather [hbm4b:s5+s24], $0x80, s18, s24, $0xb8;
	[tilespmem:$0x1D300] =	vst v63  }
0xf5: {  	_ =	swait.ge [sflag:s29], $0x4000  }
0xf6: {  	[sflag:s29] =	ssyncset.done $0x0  }
0xf7: {  	[sflag:s29] =	ssyncadd.s32 $0xFFFFC000  }
0xf8: {  	[spmem:s2] =	stream.indirect.scatter.add.f32 [tilespmem:s25], [sflag:$0x4], $0x80, s17, s24, $0xb8;
	[tilespmem:$0x1D300] =	vst v63  }
0xf9: {  	_ =	swait.ge [sflag:s21], $0x4000  }
0xfa: {  	[sflag:s21] =	ssyncset.done $0x0  }
0xfb: {  	[sflag:s21] =	ssyncadd.s32 $0xFFFFC000  }
0xfc: {  	[spmem:s3] =	stream.indirect.scatter.add.f32 [tilespmem:s28], [sflag:$0x3], $0x1, s17, s24, $0xb8;
	[tilespmem:$0x1D300] =	vst v63  }
0xfd: {  	s23 =	rddreg [dreg:$0x14]  }
0xfe: {  	[tilespmem:s25], [sflag:$0x2] =	stream.indirect.gather [hbm4b:s5+s24], $0x80, s23, s24, $0xb8;
	[tilespmem:$0x1D300] =	vst v63  }
0xff: {  	_ =	swait.ge [sflag:s26], $0x4000  }
0x100: {  	[sflag:s26] =	ssyncset.done $0x0  }
0x101: {  	[sflag:s26] =	ssyncadd.s32 $0xFFFFC000  }
0x102: {  	[spmem:s2] =	stream.indirect.scatter.add.f32 [tilespmem:s20], [sflag:$0x4], $0x80, s22, s24, $0xb8;
	[tilespmem:$0x1D300] =	vst v63  }
0x103: {  	_ =	swait.ge [sflag:s21], $0x4000  }
0x104: {  	[sflag:s21] =	ssyncset.done $0x0  }
0x105: {  	[sflag:s21] =	ssyncadd.s32 $0xFFFFC000  }
0x106: {  	[spmem:s3] =	stream.indirect.scatter.add.f32 [tilespmem:s28], [sflag:$0x3], $0x1, s22, s24, $0xb8;
	[tilespmem:$0x1D300] =	vst v63  }
0x107: {  	_ =	swait.ge [sflag:s29], $0x4000  }
0x108: {  	[sflag:s29] =	ssyncset.done $0x0  }
0x109: {  	s31 =	simm.s32 $0x15200;
	[sflag:s29] =	ssyncadd.s32 $0xFFFFC000  }
0x10a: {  	[spmem:s2] =	stream.indirect.scatter.add.f32 [tilespmem:s25], [sflag:$0x4], $0x80, s31, s24, $0xb8;
	[tilespmem:$0x1D300] =	vst v63  }
0x10b: {  	_ =	swait.ge [sflag:s21], $0x4000  }
0x10c: {  	[sflag:s21] =	ssyncset.done $0x0  }
0x10d: {  	[sflag:s21] =	ssyncadd.s32 $0xFFFFC000  }
0x10e: {  	[spmem:s3] =	stream.indirect.scatter.add.f32 [tilespmem:s28], [sflag:$0x3], $0x1, s31, s24, $0xb8;
	[tilespmem:$0x1D300] =	vst v63  }
0x10f: {  	_ =	swait.ge [sflag:s19], $0x80  }
0x110: {  	[sflag:s19] =	ssyncset.done $0x0  }
0x111: {  	[sflag:s19] =	ssyncadd.s32 $0xFFFFFF80  }
0x112: {  	_ =	swait.ge [sflag:s19], $0x80  }
0x113: {  	[sflag:s19] =	ssyncset.done $0x0  }
0x114: {  	[sflag:s19] =	ssyncadd.s32 $0xFFFFFF80  }
0x115: {  	_ =	swait.ge [sflag:s19], $0x80  }
0x116: {  	[sflag:s19] =	ssyncset.done $0x0  }
0x117: {  	[sflag:s19] =	ssyncadd.s32 $0xFFFFFF80  }
0x118: {  	_ =	swait.ge [sflag:s19], $0x80  }
0x119: {  	[sflag:s19] =	ssyncset.done $0x0  }
0x11a: {  	[sflag:s19] =	ssyncadd.s32 $0xFFFFFF80  }
0x11b: {  	_ =	swait.ge [sflag:s19], $0x80  }
0x11c: {  	[sflag:s19] =	ssyncset.done $0x0  }
0x11d: {  	[sflag:s19] =	ssyncadd.s32 $0xFFFFFF80  }
0x11e: {  	_ =	swait.ge [sflag:s19], $0x80  }
0x11f: {  	[sflag:s19] =	ssyncset.done $0x0  }
0x120: {  	[sflag:s19] =	ssyncadd.s32 $0xFFFFFF80  }
0x121: {  	_ =	swait.ge [sflag:s19], $0x80  }
0x122: {  	[sflag:s19] =	ssyncset.done $0x0  }
0x123: {  	[sflag:s19] =	ssyncadd.s32 $0xFFFFFF80  }
0x124: {  	_ =	swait.ge [sflag:s19], $0x80  }
0x125: {  	[sflag:s19] =	ssyncset.done $0x0  }
0x126: {  	[sflag:s19] =	ssyncadd.s32 $0xFFFFFF80  }
0x127: {  	_ =	swait.ge [sflag:s19], $0x80  }
0x128: {  	[sflag:s19] =	ssyncset.done $0x0  }
0x129: {  	[sflag:s19] =	ssyncadd.s32 $0xFFFFFF80  }
0x12a: {  	_ =	swait.ge [sflag:s19], $0x80  }
0x12b: {  	[sflag:s19] =	ssyncset.done $0x0  }
0x12c: {  	[sflag:s19] =	ssyncadd.s32 $0xFFFFFF80  }
0x12d: {  	_ =	swait.ge [sflag:s19], $0x80  }
0x12e: {  	[sflag:s19] =	ssyncset.done $0x0  }
0x12f: {  	[sflag:s19] =	ssyncadd.s32 $0xFFFFFF80  }
0x130: {  	_ =	swait.ge [sflag:s19], $0x80  }
0x131: {  	[sflag:s19] =	ssyncset.done $0x0  }
0x132: {  	[sflag:s19] =	ssyncadd.s32 $0xFFFFFF80  }
0x133: {  	_ =	swait.ge [sflag:s19], $0x80  }
0x134: {  	[sflag:s19] =	ssyncset.done $0x0  }
0x135: {  	s10 =	simm.s32 $0x100;
	s30 =	simm.s32 $0x14280;
	[sflag:s19] =	ssyncadd.s32 $0xFFFFFF80  }
0x136: {  	s1 =	simm.s32 $0x14C00;
	s0 =	simm.s32 $0x14B80;
	_ =	swait.ge [sflag:s19], $0x80  }
0x137: {  	s6 =	simm.s32 $0x14C80;
	s8 =	simm.s32 $0x14D00;
	[sflag:s19] =	ssyncset.done $0x0  }
0x138: {  	s9 =	simm.s32 $0x14D80;
	s11 =	simm.s32 $0x14E00;
	[sflag:s19] =	ssyncadd.s32 $0xFFFFFF80  }
0x139: {  	s12 =	simm.s32 $0x14E80;
	s13 =	simm.s32 $0x14F00;
	_ =	swait.ge [sflag:s19], $0x80  }
0x13a: {  	s15 =	simm.s32 $0x15000;
	s14 =	simm.s32 $0x14F80;
	[sflag:s19] =	ssyncset.done $0x0  }
0x13b: {  	s16 =	simm.s32 $0x15080;
	s18 =	simm.s32 $0x15180;
	[sflag:s19] =	ssyncadd.s32 $0xFFFFFF80  }
0x13c: {  	s17 =	simm.s32 $0x15100;
	s22 =	simm.s32 $0x15200;
	_ =	swait.ge [sflag:s19], $0x80  }
.LBB2_2:
0x13d: {  	s7 =	rddreg [dreg:$0x5];
	s4 =	smov.u32 s10;
	[sflag:s19] =	ssyncset.done $0x0  }
0x13e: {  	s23 =	simm.s32 $0x0;
	s7 =	sadd.s32 s4, s7;
	[sflag:s19] =	ssyncadd.s32 $0xFFFFFF80  }
0x13f: {  	[tilespmem:s30], [sflag:$0x4] =	stream.linear.gather [hbm4b:s7+s23], $0x800, $0x38;
	[tilespmem:$0x1D300] =	vst v63  }
0x140: {  	_ =	swait.ge [sflag:s21], $0x800  }
0x141: {  	s7 =	rddreg [dreg:$0x4];
	[sflag:s21] =	ssyncset.done $0x0  }
0x142: {  	s31 =	simm.s32 $0x14A80;
	[sflag:s21] =	ssyncadd.s32 $0xFFFFF800;
	s4 =	sadd.s32 s4, s7  }
0x143: {  	[tilespmem:s31], [sflag:$0x4] =	stream.linear.gather [hbm4b:s4+s23], $0x800, $0x38;
	[tilespmem:$0x1D300] =	vst v63  }
0x144: {  	_ =	swait.ge [sflag:s21], $0x800  }
0x145: {  	[sflag:s21] =	ssyncset.done $0x0  }
0x146: {  	[sflag:s21] =	ssyncadd.s32 $0xFFFFF800  }
0x147: {  	[tilespmem:s20], [sflag:$0x1] =	stream.indirect.gather [hbm4b:s5+s24], $0x80, s30, s24, $0xb8;
	[tilespmem:$0x1D300] =	vst v63  }
0x148: {  	s7 =	rddreg [dreg:$0x6]  }
0x149: {  	[tilespmem:s25], [sflag:$0x2] =	stream.indirect.gather [hbm4b:s5+s24], $0x80, s7, s24, $0xb8;
	[tilespmem:$0x1D300] =	vst v63  }
0x14a: {  	_ =	swait.ge [sflag:s26], $0x4000  }
0x14b: {  	[sflag:s26] =	ssyncset.done $0x0  }
0x14c: {  	s23 =	simm.s32 $0x14A80;
	[sflag:s26] =	ssyncadd.s32 $0xFFFFC000  }
0x14d: {  	[spmem:s2] =	stream.indirect.scatter.add.f32 [tilespmem:s20], [sflag:$0x4], $0x80, s23, s24, $0xb8;
	[tilespmem:$0x1D300] =	vst v63  }
0x14e: {  	_ =	swait.ge [sflag:s21], $0x4000  }
0x14f: {  	[sflag:s21] =	ssyncset.done $0x0  }
0x150: {  	[sflag:s21] =	ssyncadd.s32 $0xFFFFC000  }
0x151: {  	[spmem:s3] =	stream.indirect.scatter.add.f32 [tilespmem:s28], [sflag:$0x3], $0x1, s23, s24, $0xb8;
	[tilespmem:$0x1D300] =	vst v63  }
0x152: {  	s31 =	rddreg [dreg:$0x7]  }
0x153: {  	[tilespmem:s20], [sflag:$0x1] =	stream.indirect.gather [hbm4b:s5+s24], $0x80, s31, s24, $0xb8;
	[tilespmem:$0x1D300] =	vst v63  }
0x154: {  	_ =	swait.ge [sflag:s29], $0x4000  }
0x155: {  	[sflag:s29] =	ssyncset.done $0x0  }
0x156: {  	s4 =	simm.s32 $0x14B00;
	[sflag:s29] =	ssyncadd.s32 $0xFFFFC000  }
0x157: {  	[spmem:s2] =	stream.indirect.scatter.add.f32 [tilespmem:s25], [sflag:$0x4], $0x80, s4, s24, $0xb8;
	[tilespmem:$0x1D300] =	vst v63  }
0x158: {  	_ =	swait.ge [sflag:s21], $0x4000  }
0x159: {  	[sflag:s21] =	ssyncset.done $0x0  }
0x15a: {  	[sflag:s21] =	ssyncadd.s32 $0xFFFFC000  }
0x15b: {  	[spmem:s3] =	stream.indirect.scatter.add.f32 [tilespmem:s28], [sflag:$0x3], $0x1, s4, s24, $0xb8;
	[tilespmem:$0x1D300] =	vst v63  }
0x15c: {  	s31 =	rddreg [dreg:$0x8]  }
0x15d: {  	[tilespmem:s25], [sflag:$0x2] =	stream.indirect.gather [hbm4b:s5+s24], $0x80, s31, s24, $0xb8;
	[tilespmem:$0x1D300] =	vst v63  }
0x15e: {  	_ =	swait.ge [sflag:s26], $0x4000  }
0x15f: {  	[sflag:s26] =	ssyncset.done $0x0  }
0x160: {  	[sflag:s26] =	ssyncadd.s32 $0xFFFFC000  }
0x161: {  	[spmem:s2] =	stream.indirect.scatter.add.f32 [tilespmem:s20], [sflag:$0x4], $0x80, s0, s24, $0xb8;
	[tilespmem:$0x1D300] =	vst v63  }
0x162: {  	_ =	swait.ge [sflag:s21], $0x4000  }
0x163: {  	[sflag:s21] =	ssyncset.done $0x0  }
0x164: {  	[sflag:s21] =	ssyncadd.s32 $0xFFFFC000  }
0x165: {  	[spmem:s3] =	stream.indirect.scatter.add.f32 [tilespmem:s28], [sflag:$0x3], $0x1, s0, s24, $0xb8;
	[tilespmem:$0x1D300] =	vst v63  }
0x166: {  	s7 =	rddreg [dreg:$0x9]  }
0x167: {  	[tilespmem:s20], [sflag:$0x1] =	stream.indirect.gather [hbm4b:s5+s24], $0x80, s7, s24, $0xb8;
	[tilespmem:$0x1D300] =	vst v63  }
0x168: {  	_ =	swait.ge [sflag:s29], $0x4000  }
0x169: {  	[sflag:s29] =	ssyncset.done $0x0  }
0x16a: {  	[sflag:s29] =	ssyncadd.s32 $0xFFFFC000  }
0x16b: {  	[spmem:s2] =	stream.indirect.scatter.add.f32 [tilespmem:s25], [sflag:$0x4], $0x80, s1, s24, $0xb8;
	[tilespmem:$0x1D300] =	vst v63  }
0x16c: {  	_ =	swait.ge [sflag:s21], $0x4000  }
0x16d: {  	[sflag:s21] =	ssyncset.done $0x0  }
0x16e: {  	[sflag:s21] =	ssyncadd.s32 $0xFFFFC000  }
0x16f: {  	[spmem:s3] =	stream.indirect.scatter.add.f32 [tilespmem:s28], [sflag:$0x3], $0x1, s1, s24, $0xb8;
	[tilespmem:$0x1D300] =	vst v63  }
0x170: {  	s31 =	rddreg [dreg:$0xa]  }
0x171: {  	[tilespmem:s25], [sflag:$0x2] =	stream.indirect.gather [hbm4b:s5+s24], $0x80, s31, s24, $0xb8;
	[tilespmem:$0x1D300] =	vst v63  }
0x172: {  	_ =	swait.ge [sflag:s26], $0x4000  }
0x173: {  	[sflag:s26] =	ssyncset.done $0x0  }
0x174: {  	[sflag:s26] =	ssyncadd.s32 $0xFFFFC000  }
0x175: {  	[spmem:s2] =	stream.indirect.scatter.add.f32 [tilespmem:s20], [sflag:$0x4], $0x80, s6, s24, $0xb8;
	[tilespmem:$0x1D300] =	vst v63  }
0x176: {  	_ =	swait.ge [sflag:s21], $0x4000  }
0x177: {  	[sflag:s21] =	ssyncset.done $0x0  }
0x178: {  	[sflag:s21] =	ssyncadd.s32 $0xFFFFC000  }
0x179: {  	[spmem:s3] =	stream.indirect.scatter.add.f32 [tilespmem:s28], [sflag:$0x3], $0x1, s6, s24, $0xb8;
	[tilespmem:$0x1D300] =	vst v63  }
0x17a: {  	s7 =	rddreg [dreg:$0xb]  }
0x17b: {  	[tilespmem:s20], [sflag:$0x1] =	stream.indirect.gather [hbm4b:s5+s24], $0x80, s7, s24, $0xb8;
	[tilespmem:$0x1D300] =	vst v63  }
0x17c: {  	_ =	swait.ge [sflag:s29], $0x4000  }
0x17d: {  	[sflag:s29] =	ssyncset.done $0x0  }
0x17e: {  	[sflag:s29] =	ssyncadd.s32 $0xFFFFC000  }
0x17f: {  	[spmem:s2] =	stream.indirect.scatter.add.f32 [tilespmem:s25], [sflag:$0x4], $0x80, s8, s24, $0xb8;
	[tilespmem:$0x1D300] =	vst v63  }
0x180: {  	_ =	swait.ge [sflag:s21], $0x4000  }
0x181: {  	[sflag:s21] =	ssyncset.done $0x0  }
0x182: {  	[sflag:s21] =	ssyncadd.s32 $0xFFFFC000  }
0x183: {  	[spmem:s3] =	stream.indirect.scatter.add.f32 [tilespmem:s28], [sflag:$0x3], $0x1, s8, s24, $0xb8;
	[tilespmem:$0x1D300] =	vst v63  }
0x184: {  	s31 =	rddreg [dreg:$0xc]  }
0x185: {  	[tilespmem:s25], [sflag:$0x2] =	stream.indirect.gather [hbm4b:s5+s24], $0x80, s31, s24, $0xb8;
	[tilespmem:$0x1D300] =	vst v63  }
0x186: {  	_ =	swait.ge [sflag:s26], $0x4000  }
0x187: {  	[sflag:s26] =	ssyncset.done $0x0  }
0x188: {  	[sflag:s26] =	ssyncadd.s32 $0xFFFFC000  }
0x189: {  	[spmem:s2] =	stream.indirect.scatter.add.f32 [tilespmem:s20], [sflag:$0x4], $0x80, s9, s24, $0xb8;
	[tilespmem:$0x1D300] =	vst v63  }
0x18a: {  	_ =	swait.ge [sflag:s21], $0x4000  }
0x18b: {  	[sflag:s21] =	ssyncset.done $0x0  }
0x18c: {  	[sflag:s21] =	ssyncadd.s32 $0xFFFFC000  }
0x18d: {  	[spmem:s3] =	stream.indirect.scatter.add.f32 [tilespmem:s28], [sflag:$0x3], $0x1, s9, s24, $0xb8;
	[tilespmem:$0x1D300] =	vst v63  }
0x18e: {  	s7 =	rddreg [dreg:$0xd]  }
0x18f: {  	[tilespmem:s20], [sflag:$0x1] =	stream.indirect.gather [hbm4b:s5+s24], $0x80, s7, s24, $0xb8;
	[tilespmem:$0x1D300] =	vst v63  }
0x190: {  	_ =	swait.ge [sflag:s29], $0x4000  }
0x191: {  	[sflag:s29] =	ssyncset.done $0x0  }
0x192: {  	[sflag:s29] =	ssyncadd.s32 $0xFFFFC000  }
0x193: {  	[spmem:s2] =	stream.indirect.scatter.add.f32 [tilespmem:s25], [sflag:$0x4], $0x80, s11, s24, $0xb8;
	[tilespmem:$0x1D300] =	vst v63  }
0x194: {  	_ =	swait.ge [sflag:s21], $0x4000  }
0x195: {  	[sflag:s21] =	ssyncset.done $0x0  }
0x196: {  	[sflag:s21] =	ssyncadd.s32 $0xFFFFC000  }
0x197: {  	[spmem:s3] =	stream.indirect.scatter.add.f32 [tilespmem:s28], [sflag:$0x3], $0x1, s11, s24, $0xb8;
	[tilespmem:$0x1D300] =	vst v63  }
0x198: {  	s31 =	rddreg [dreg:$0xe]  }
0x199: {  	[tilespmem:s25], [sflag:$0x2] =	stream.indirect.gather [hbm4b:s5+s24], $0x80, s31, s24, $0xb8;
	[tilespmem:$0x1D300] =	vst v63  }
0x19a: {  	_ =	swait.ge [sflag:s26], $0x4000  }
0x19b: {  	[sflag:s26] =	ssyncset.done $0x0  }
0x19c: {  	[sflag:s26] =	ssyncadd.s32 $0xFFFFC000  }
0x19d: {  	[spmem:s2] =	stream.indirect.scatter.add.f32 [tilespmem:s20], [sflag:$0x4], $0x80, s12, s24, $0xb8;
	[tilespmem:$0x1D300] =	vst v63  }
0x19e: {  	_ =	swait.ge [sflag:s21], $0x4000  }
0x19f: {  	[sflag:s21] =	ssyncset.done $0x0  }
0x1a0: {  	[sflag:s21] =	ssyncadd.s32 $0xFFFFC000  }
0x1a1: {  	[spmem:s3] =	stream.indirect.scatter.add.f32 [tilespmem:s28], [sflag:$0x3], $0x1, s12, s24, $0xb8;
	[tilespmem:$0x1D300] =	vst v63  }
0x1a2: {  	s7 =	rddreg [dreg:$0xf]  }
0x1a3: {  	[tilespmem:s20], [sflag:$0x1] =	stream.indirect.gather [hbm4b:s5+s24], $0x80, s7, s24, $0xb8;
	[tilespmem:$0x1D300] =	vst v63  }
0x1a4: {  	_ =	swait.ge [sflag:s29], $0x4000  }
0x1a5: {  	[sflag:s29] =	ssyncset.done $0x0  }
0x1a6: {  	[sflag:s29] =	ssyncadd.s32 $0xFFFFC000  }
0x1a7: {  	[spmem:s2] =	stream.indirect.scatter.add.f32 [tilespmem:s25], [sflag:$0x4], $0x80, s13, s24, $0xb8;
	[tilespmem:$0x1D300] =	vst v63  }
0x1a8: {  	_ =	swait.ge [sflag:s21], $0x4000  }
0x1a9: {  	[sflag:s21] =	ssyncset.done $0x0  }
0x1aa: {  	[sflag:s21] =	ssyncadd.s32 $0xFFFFC000  }
0x1ab: {  	[spmem:s3] =	stream.indirect.scatter.add.f32 [tilespmem:s28], [sflag:$0x3], $0x1, s13, s24, $0xb8;
	[tilespmem:$0x1D300] =	vst v63  }
0x1ac: {  	s31 =	rddreg [dreg:$0x10]  }
0x1ad: {  	[tilespmem:s25], [sflag:$0x2] =	stream.indirect.gather [hbm4b:s5+s24], $0x80, s31, s24, $0xb8;
	[tilespmem:$0x1D300] =	vst v63  }
0x1ae: {  	_ =	swait.ge [sflag:s26], $0x4000  }
0x1af: {  	[sflag:s26] =	ssyncset.done $0x0  }
0x1b0: {  	[sflag:s26] =	ssyncadd.s32 $0xFFFFC000  }
0x1b1: {  	[spmem:s2] =	stream.indirect.scatter.add.f32 [tilespmem:s20], [sflag:$0x4], $0x80, s14, s24, $0xb8;
	[tilespmem:$0x1D300] =	vst v63  }
0x1b2: {  	_ =	swait.ge [sflag:s21], $0x4000  }
0x1b3: {  	[sflag:s21] =	ssyncset.done $0x0  }
0x1b4: {  	[sflag:s21] =	ssyncadd.s32 $0xFFFFC000  }
0x1b5: {  	[spmem:s3] =	stream.indirect.scatter.add.f32 [tilespmem:s28], [sflag:$0x3], $0x1, s14, s24, $0xb8;
	[tilespmem:$0x1D300] =	vst v63  }
0x1b6: {  	s7 =	rddreg [dreg:$0x11]  }
0x1b7: {  	[tilespmem:s20], [sflag:$0x1] =	stream.indirect.gather [hbm4b:s5+s24], $0x80, s7, s24, $0xb8;
	[tilespmem:$0x1D300] =	vst v63  }
0x1b8: {  	_ =	swait.ge [sflag:s29], $0x4000  }
0x1b9: {  	[sflag:s29] =	ssyncset.done $0x0  }
0x1ba: {  	[sflag:s29] =	ssyncadd.s32 $0xFFFFC000  }
0x1bb: {  	[spmem:s2] =	stream.indirect.scatter.add.f32 [tilespmem:s25], [sflag:$0x4], $0x80, s15, s24, $0xb8;
	[tilespmem:$0x1D300] =	vst v63  }
0x1bc: {  	_ =	swait.ge [sflag:s21], $0x4000  }
0x1bd: {  	[sflag:s21] =	ssyncset.done $0x0  }
0x1be: {  	[sflag:s21] =	ssyncadd.s32 $0xFFFFC000  }
0x1bf: {  	[spmem:s3] =	stream.indirect.scatter.add.f32 [tilespmem:s28], [sflag:$0x3], $0x1, s15, s24, $0xb8;
	[tilespmem:$0x1D300] =	vst v63  }
0x1c0: {  	s31 =	rddreg [dreg:$0x12]  }
0x1c1: {  	[tilespmem:s25], [sflag:$0x2] =	stream.indirect.gather [hbm4b:s5+s24], $0x80, s31, s24, $0xb8;
	[tilespmem:$0x1D300] =	vst v63  }
0x1c2: {  	_ =	swait.ge [sflag:s26], $0x4000  }
0x1c3: {  	[sflag:s26] =	ssyncset.done $0x0  }
0x1c4: {  	[sflag:s26] =	ssyncadd.s32 $0xFFFFC000  }
0x1c5: {  	[spmem:s2] =	stream.indirect.scatter.add.f32 [tilespmem:s20], [sflag:$0x4], $0x80, s16, s24, $0xb8;
	[tilespmem:$0x1D300] =	vst v63  }
0x1c6: {  	_ =	swait.ge [sflag:s21], $0x4000  }
0x1c7: {  	[sflag:s21] =	ssyncset.done $0x0  }
0x1c8: {  	[sflag:s21] =	ssyncadd.s32 $0xFFFFC000  }
0x1c9: {  	[spmem:s3] =	stream.indirect.scatter.add.f32 [tilespmem:s28], [sflag:$0x3], $0x1, s16, s24, $0xb8;
	[tilespmem:$0x1D300] =	vst v63  }
0x1ca: {  	s7 =	rddreg [dreg:$0x13]  }
0x1cb: {  	[tilespmem:s20], [sflag:$0x1] =	stream.indirect.gather [hbm4b:s5+s24], $0x80, s7, s24, $0xb8;
	[tilespmem:$0x1D300] =	vst v63  }
0x1cc: {  	_ =	swait.ge [sflag:s29], $0x4000  }
0x1cd: {  	[sflag:s29] =	ssyncset.done $0x0  }
0x1ce: {  	[sflag:s29] =	ssyncadd.s32 $0xFFFFC000  }
0x1cf: {  	[spmem:s2] =	stream.indirect.scatter.add.f32 [tilespmem:s25], [sflag:$0x4], $0x80, s17, s24, $0xb8;
	[tilespmem:$0x1D300] =	vst v63  }
0x1d0: {  	_ =	swait.ge [sflag:s21], $0x4000  }
0x1d1: {  	[sflag:s21] =	ssyncset.done $0x0  }
0x1d2: {  	[sflag:s21] =	ssyncadd.s32 $0xFFFFC000  }
0x1d3: {  	[spmem:s3] =	stream.indirect.scatter.add.f32 [tilespmem:s28], [sflag:$0x3], $0x1, s17, s24, $0xb8;
	[tilespmem:$0x1D300] =	vst v63  }
0x1d4: {  	s31 =	rddreg [dreg:$0x14]  }
0x1d5: {  	[tilespmem:s25], [sflag:$0x2] =	stream.indirect.gather [hbm4b:s5+s24], $0x80, s31, s24, $0xb8;
	[tilespmem:$0x1D300] =	vst v63  }
0x1d6: {  	_ =	swait.ge [sflag:s26], $0x4000  }
0x1d7: {  	[sflag:s26] =	ssyncset.done $0x0  }
0x1d8: {  	[sflag:s26] =	ssyncadd.s32 $0xFFFFC000  }
0x1d9: {  	[spmem:s2] =	stream.indirect.scatter.add.f32 [tilespmem:s20], [sflag:$0x4], $0x80, s18, s24, $0xb8;
	[tilespmem:$0x1D300] =	vst v63  }
0x1da: {  	_ =	swait.ge [sflag:s21], $0x4000  }
0x1db: {  	[sflag:s21] =	ssyncset.done $0x0  }
0x1dc: {  	[sflag:s21] =	ssyncadd.s32 $0xFFFFC000  }
0x1dd: {  	[spmem:s3] =	stream.indirect.scatter.add.f32 [tilespmem:s28], [sflag:$0x3], $0x1, s18, s24, $0xb8;
	[tilespmem:$0x1D300] =	vst v63  }
0x1de: {  	_ =	swait.ge [sflag:s29], $0x4000  }
0x1df: {  	[sflag:s29] =	ssyncset.done $0x0  }
0x1e0: {  	[sflag:s29] =	ssyncadd.s32 $0xFFFFC000  }
0x1e1: {  	[spmem:s2] =	stream.indirect.scatter.add.f32 [tilespmem:s25], [sflag:$0x4], $0x80, s22, s24, $0xb8;
	[tilespmem:$0x1D300] =	vst v63  }
0x1e2: {  	_ =	swait.ge [sflag:s21], $0x4000  }
0x1e3: {  	[sflag:s21] =	ssyncset.done $0x0  }
0x1e4: {  	[sflag:s21] =	ssyncadd.s32 $0xFFFFC000  }
0x1e5: {  	[spmem:s3] =	stream.indirect.scatter.add.f32 [tilespmem:s28], [sflag:$0x3], $0x1, s22, s24, $0xb8;
	[tilespmem:$0x1D300] =	vst v63  }
0x1e6: {  	_ =	swait.ge [sflag:s19], $0x80  }
0x1e7: {  	[sflag:s19] =	ssyncset.done $0x0  }
0x1e8: {  	[sflag:s19] =	ssyncadd.s32 $0xFFFFFF80  }
0x1e9: {  	_ =	swait.ge [sflag:s19], $0x80  }
0x1ea: {  	[sflag:s19] =	ssyncset.done $0x0  }
0x1eb: {  	[sflag:s19] =	ssyncadd.s32 $0xFFFFFF80  }
0x1ec: {  	_ =	swait.ge [sflag:s19], $0x80  }
0x1ed: {  	[sflag:s19] =	ssyncset.done $0x0  }
0x1ee: {  	[sflag:s19] =	ssyncadd.s32 $0xFFFFFF80  }
0x1ef: {  	_ =	swait.ge [sflag:s19], $0x80  }
0x1f0: {  	[sflag:s19] =	ssyncset.done $0x0  }
0x1f1: {  	[sflag:s19] =	ssyncadd.s32 $0xFFFFFF80  }
0x1f2: {  	_ =	swait.ge [sflag:s19], $0x80  }
0x1f3: {  	[sflag:s19] =	ssyncset.done $0x0  }
0x1f4: {  	[sflag:s19] =	ssyncadd.s32 $0xFFFFFF80  }
0x1f5: {  	_ =	swait.ge [sflag:s19], $0x80  }
0x1f6: {  	[sflag:s19] =	ssyncset.done $0x0  }
0x1f7: {  	[sflag:s19] =	ssyncadd.s32 $0xFFFFFF80  }
0x1f8: {  	_ =	swait.ge [sflag:s19], $0x80  }
0x1f9: {  	[sflag:s19] =	ssyncset.done $0x0  }
0x1fa: {  	[sflag:s19] =	ssyncadd.s32 $0xFFFFFF80  }
0x1fb: {  	_ =	swait.ge [sflag:s19], $0x80  }
0x1fc: {  	[sflag:s19] =	ssyncset.done $0x0  }
0x1fd: {  	[sflag:s19] =	ssyncadd.s32 $0xFFFFFF80  }
0x1fe: {  	_ =	swait.ge [sflag:s19], $0x80  }
0x1ff: {  	[sflag:s19] =	ssyncset.done $0x0  }
0x200: {  	[sflag:s19] =	ssyncadd.s32 $0xFFFFFF80  }
0x201: {  	_ =	swait.ge [sflag:s19], $0x80  }
0x202: {  	[sflag:s19] =	ssyncset.done $0x0  }
0x203: {  	[sflag:s19] =	ssyncadd.s32 $0xFFFFFF80  }
0x204: {  	_ =	swait.ge [sflag:s19], $0x80  }
0x205: {  	[sflag:s19] =	ssyncset.done $0x0  }
0x206: {  	[sflag:s19] =	ssyncadd.s32 $0xFFFFFF80  }
0x207: {  	_ =	swait.ge [sflag:s19], $0x80  }
0x208: {  	[sflag:s19] =	ssyncset.done $0x0  }
0x209: {  	[sflag:s19] =	ssyncadd.s32 $0xFFFFFF80  }
0x20a: {  	_ =	swait.ge [sflag:s19], $0x80  }
0x20b: {  	[sflag:s19] =	ssyncset.done $0x0  }
0x20c: {  	[sflag:s19] =	ssyncadd.s32 $0xFFFFFF80  }
0x20d: {  	_ =	swait.ge [sflag:s19], $0x80  }
0x20e: {  	p0 =	sne.s32 s10, $0x400;
	[sflag:s19] =	ssyncset.done $0x0  }
.Ltmp0:
0x20f: {  	[sflag:s19] =	ssyncadd.s32 $0xFFFFFF80;
	(pc) =	sbr.rel @p0 .LBB2_2-.Ltmp0, $4  }
0x210: {  	_ =	swait.ge [sflag:s19], $0x80  }
0x211: {  	[sflag:s19] =	ssyncset.done $0x0  }
0x212: {  	[sflag:s19] =	ssyncadd.s32 $0xFFFFFF80  }
0x213: {  	s10 =	sadd.s32 $0x100, s10;
	_ =	swait.ge [sflag:s19], $0x80  }
0x214: {  	[sflag:s19] =	ssyncset.done $0x0  }
0x215: {  	[sflag:s19] =	ssyncadd.s32 $0xFFFFFF80  }
0x216: {  	s4 =	stileid.u32;
	[bflag:$0x0] =	sbarrier.arrive $0xFFFF  }
0x217: {  	s4 =	sshll.u32 s4, $0x6;
	s0 =	rddreg [dreg:$0x16]  }
0x218: {  	s4 =	sor.u32 $0x1C04, s4;
	s22 =	rddreg [dreg:$0x17];
	s7 =	sshrl.u32 s0, $0x3  }
0x219: {  	[hbm:s22], [sflag:s4] =	dma.local [spmem:s7], $0x2800  }
0x21a: {  	_ =	swait.ge [sflag:s21], $0x2800  }
0x21b: {  	[sflag:s21] =	ssyncset.done $0x0;
	s10 =	rddreg [dreg:$0x19]  }
0x21c: {  	s17 =	rddreg [dreg:$0x18];
	[sflag:s21] =	ssyncadd.s32 $0xFFFFD800;
	s16 =	sshrl.u32 s10, $0x3  }
0x21d: {  	[hbm:s17], [sflag:s4] =	dma.local [spmem:s16], $0x50  }
0x21e: {  	_ =	swait.ge [sflag:s21], $0x50  }
0x21f: {  	s31 =	sld [smem:$0x7FA];
	_ =	sdelay $0x1  }
0x220: {  	s30 =	simm.s32 $0x14B00  }
0x221: {  	s1 =	simm.s32 $0x14C00;
	s22 =	rddreg [dreg:$0x1a];
	s31 =	sadd.s32 $0x1, s31  }
0x222: {  	s6 =	simm.s32 $0x14C80;
	s8 =	simm.s32 $0x14D00;
	p0 =	sne.s32 s31, s22  }
.Ltmp1:
0x223: {  	s9 =	simm.s32 $0x14D80;
	s11 =	simm.s32 $0x14E00;
	(pc) =	sbr.rel @p0 .LBB2_1-.Ltmp1, $4  }
0x224: {  	s12 =	simm.s32 $0x14E80;
	s13 =	simm.s32 $0x14F00;
	s14 =	simm.s32 $0x14F80  }
0x225: {  	s15 =	simm.s32 $0x15000;
	s18 =	smov.u32 s0;
	s0 =	simm.s32 $0x14B80  }
0x226: {  	s7 =	simm.s32 $0x14280;
	s16 =	simm.s32 $0x15080;
	[sflag:s21] =	ssyncset.done $0x0  }
0x227: {  	s17 =	simm.s32 $0x15100;
	[sflag:s21] =	ssyncadd.s32 $0xFFFFFFB0;
	s22 =	simm.s32 $0x15180  }
0x228: {  	_ =	sfence.sel $0x180000  }
0x229: {  	[bflag:$0x0] =	sbarrier.arrive $0xFFFF  }
0x22a: {  	_ =	strace $0x90000047  }
0x22b: {  	s0 =	stileid.u32;
	[bflag:$0x2] =	sbarrier.arrive $0xFFFF  }
0x22c: {  	p0 =	sne.s32 s0, $0x0;
	s0 =	rddreg [dreg:$0x3]  }
0x22d: {  	s0 =	sadd.s32 @!p0 $0x100000, s0  }
0x22e: {  	[sflag:s0] =	ssyncadd.tile.s32 @!p0 $0x1;
	_ =	shalt  }
.Lfunc_end2:
_tile_overlayer_lowered:
.L_overlay_start_2:
0x22f: {  	(tag) =	ssettag $0x2  }
0x230: {  	s0 =	rddreg [dreg:$0x0];
	s2 =	stileid.u32  }
0x231: {  	s1 =	rddreg [dreg:$0x1];
	p0 =	sne.s32 s2, $0x0  }
0x232: {  	s3 =	rddreg [dreg:$0x2];
	[bflag:$0x3] =	sbarrier.arrive $0xFFFF;
	s2 =	simm.s32 @!p0 $0x1C04  }
0x233: {  	[timem:s3], [sflag:s2] =	dma.local @!p0 [hbm:s0], s1  }
0x234: {  	s0 =	simm.s32 @!p0 $0x4  }
0x235: {  	_ =	swait.ge @!p0 [sflag:s0], s1  }
0x236: {  	s1 =	ssub.s32 @!p0 $0x0, s1;
	[sflag:s0] =	ssyncset.done @!p0 $0x0  }
0x237: {  	[sflag:s0] =	ssyncadd.s32 @!p0 s1  }
0x238: {  	[bflag:$0x3] =	sbarrier.arrive $0xFFFF  }
0x239: {  	_ =	shalt  }

// kernel: kernel.9.cloned.1.call-start
scs
__scs_entry_jumppad:
0x0: {  	(pc) =	sbr.rel $0x88, $3  }
0x1: {  	(tag) =	ssettag $0x0;
	lr =	simm.s32 $0x1  }
0x2: {  	[smem:$0x3F90] =	sst lr;
	_ =	strace $0xD0000000  }
0x3: {  	_ = 	snop  }
0x4: {  	_ = 	snop  }
0x5: {  	_ = 	snop  }
0x6: {  	_ = 	snop  }
0x7: {  	_ = 	snop  }
__scs_overlays_trampoline_lowered:
0x8: {  	[smem:$0x3F9F] =	sst s0  }
0x9: {  	[smem:$0x3FA0] =	sst s1  }
0xa: {  	[smem:$0x3FA1] =	sst s2  }
0xb: {  	[smem:$0x3FA2] =	sst s3  }
0xc: {  	[smem:$0x3FA3] =	sst s4  }
0xd: {  	[smem:$0x3FA4] =	sst s5  }
0xe: {  	[smem:$0x3FA5] =	sst s6  }
0xf: {  	[smem:$0x3FA6] =	sst s7  }
0x10: {  	[smem:$0x3FA7] =	sst s8  }
0x11: {  	[smem:$0x3FA8] =	sst s9;
	s0 =	simm.s32 @!p0 $0x0  }
0x12: {  	s1 =	sld [smem:$0x3F8E];
	s0 =	simm.s32 @p0 $0x1  }
0x13: {  	[smem:$0x3FA9] =	sst s0;
	s0 =	simm.s32 @!p1 $0x0  }
0x14: {  	s2 =	sld [smem:$0x3F8D];
	s0 =	simm.s32 @p1 $0x1  }
0x15: {  	[smem:$0x3FAA] =	sst s0;
	s0 =	simm.s32 @!p2 $0x0  }
0x16: {  	s3 =	sld [smem:$0x3FDB];
	s0 =	simm.s32 @p2 $0x1  }
0x17: {  	s4 =	simm.s32 $0x1BF5;
	[smem:$0x3FAC] =	sst s0  }
0x18: {  	s0 =	sld [smem:$0x3F8F];
	_ =	swait.ge [sflag:s4], $0x0  }
0x19: {  	s7 =	sld [smem:$0x3F90]  }
0x1a: {  	s8 =	sadd.s32 $0xFFFFE003, lr  }
0x1b: {  	s9 =	sadd.s32 $0xFFFFFEF7, lr;
	s5 =	simm.s32 $0xFFFFFFFF;
	p2 =	slt.u32 s8, $0xFFFFF086  }
0x1c: {  	p1 =	slt.u32 s9, $0xF7A;
	s5 =	simm.s32 @!p2 $0x0  }
0x1d: {  	s5 =	simm.s32 @p1 $0x1;
	p0 =	seq.s32 s7, s2  }
0x1e: {  	s7 =	smul.u32 @!p0 $0xF7A, s2;
	p2 =	seq.s32 @!p0 s5, $0x0  }
0x1f: {  	s9 =	smul.u32 $0xF7A, s1;
	s8 =	simm.s32 @!p0 $0x1BF5;
	p2 =	por !p2, p0  }
0x20: {  	[sflag:s8] =	ssyncset.s32 @!p0 $0xFFFFF086;
	s6 =	sadd.s32 @!p0 s3, s7;
	s7 =	simm.s32 @!p0 $0x108  }
0x21: {  	s3 =	sadd.s32 s3, s9;
	s6 =	sadd.s32 @!p0 $0x88, s6;
	s7 =	simm.s32 @p2 $0x1082  }
0x22: {  	[simem:s7], [sflag:s8] =	dma.local @!p0 [hbm:s6], $0xF7A  }
0x23: {  	s9 =	sor.u32 $0xD0000000, s2;
	s6 =	simm.s32 $0x108;
	_ =	swait.ge @!p0 [sflag:s8], $0x0  }
0x24: {  	s3 =	sadd.s32 $0x88, s3;
	s6 =	simm.s32 @!p1 $0x1082;
	[sflag:s4] =	ssyncset.s32 $0xFFFFF086  }
0x25: {  	[simem:s6], [sflag:s4] =	dma.local [hbm:s3], $0xF7A  }
0x26: {  	[smem:$0x3F90] =	sst s1;
	(tag) =	ssettag s2;
	_ =	strace s9  }
0x27: {  	s1 =	sld [smem:$0x3FA0]  }
0x28: {  	s2 =	sld [smem:$0x3FA1]  }
0x29: {  	s4 =	sld [smem:$0x3FA3]  }
0x2a: {  	p0 =	seq.s32 s5, $0x0;
	s5 =	sld [smem:$0x3FA4]  }
0x2b: {  	s6 =	sld [smem:$0x3FA5]  }
0x2c: {  	s7 =	sld [smem:$0x3FA6]  }
0x2d: {  	s3 =	simm.s32 $0x108;
	s8 =	sld [smem:$0x3FA7]  }
0x2e: {  	s3 =	simm.s32 @!p0 $0x1082;
	s9 =	sld [smem:$0x3FA8]  }
0x2f: {  	lr =	sadd.s32 s0, s3;
	s0 =	sld [smem:$0x3F9F]  }
0x30: {  	s3 =	sld [smem:$0x3FA2]  }
0x31: {  	[smem:$0x3FAB] =	sst s10  }
0x32: {  	s10 =	sld [smem:$0x3FA9];
	_ =	sdelay $0x3  }
0x33: {  	p0 =	seq.s32 s10, $0x1;
	s10 =	sld [smem:$0x3FAB];
	_ =	sdelay $0x3  }
0x34: {  	[smem:$0x3FAB] =	sst s10  }
0x35: {  	s10 =	sld [smem:$0x3FAA];
	_ =	sdelay $0x3  }
0x36: {  	p1 =	seq.s32 s10, $0x1;
	s10 =	sld [smem:$0x3FAB];
	_ =	sdelay $0x3  }
0x37: {  	[smem:$0x3FAB] =	sst s10  }
0x38: {  	s10 =	sld [smem:$0x3FAC]  }
0x39: {  	_ = 	snop;
	(pc) =	sbr.ind lr, $3  }
0x3a: {  	_ = 	snop  }
0x3b: {  	_ = 	snop  }
0x3c: {  	p2 =	seq.s32 s10, $0x1;
	s10 =	sld [smem:$0x3FAB]  }
0x3d: {  	_ =	shalt  }
0x3e: {  	_ =	shalt  }
0x3f: {  	_ =	shalt  }
0x40: {  	_ =	shalt  }
0x41: {  	_ =	shalt  }
0x42: {  	_ =	shalt  }
0x43: {  	_ =	shalt  }
0x44: {  	_ =	shalt  }
0x45: {  	_ =	shalt  }
0x46: {  	_ =	shalt  }
0x47: {  	_ =	shalt  }
0x48: {  	_ =	shalt  }
0x49: {  	_ =	shalt  }
0x4a: {  	_ =	shalt  }
0x4b: {  	_ =	shalt  }
0x4c: {  	_ =	shalt  }
0x4d: {  	_ =	shalt  }
0x4e: {  	_ =	shalt  }
0x4f: {  	_ =	shalt  }
0x50: {  	_ =	shalt  }
0x51: {  	_ =	shalt  }
0x52: {  	_ =	shalt  }
0x53: {  	_ =	shalt  }
0x54: {  	_ =	shalt  }
0x55: {  	_ =	shalt  }
0x56: {  	_ =	shalt  }
0x57: {  	_ =	shalt  }
0x58: {  	_ =	shalt  }
0x59: {  	_ =	shalt  }
0x5a: {  	_ =	shalt  }
0x5b: {  	_ =	shalt  }
0x5c: {  	_ =	shalt  }
0x5d: {  	_ =	shalt  }
0x5e: {  	_ =	shalt  }
0x5f: {  	_ =	shalt  }
0x60: {  	_ =	shalt  }
0x61: {  	_ =	shalt  }
0x62: {  	_ =	shalt  }
0x63: {  	_ =	shalt  }
0x64: {  	_ =	shalt  }
0x65: {  	_ =	shalt  }
0x66: {  	_ =	shalt  }
0x67: {  	_ =	shalt  }
0x68: {  	_ =	shalt  }
0x69: {  	_ =	shalt  }
0x6a: {  	_ =	shalt  }
0x6b: {  	_ =	shalt  }
0x6c: {  	_ =	shalt  }
0x6d: {  	_ =	shalt  }
0x6e: {  	_ =	shalt  }
0x6f: {  	_ =	shalt  }
0x70: {  	_ =	shalt  }
0x71: {  	_ =	shalt  }
0x72: {  	_ =	shalt  }
0x73: {  	_ =	shalt  }
0x74: {  	_ =	shalt  }
0x75: {  	_ =	shalt  }
0x76: {  	_ =	shalt  }
0x77: {  	_ =	shalt  }
0x78: {  	_ =	shalt  }
0x79: {  	_ =	shalt  }
0x7a: {  	_ =	shalt  }
0x7b: {  	_ =	shalt  }
0x7c: {  	_ =	shalt  }
0x7d: {  	_ =	shalt  }
0x7e: {  	_ =	shalt  }
0x7f: {  	_ =	shalt  }
0x80: {  	_ =	shalt  }
0x81: {  	_ =	shalt  }
0x82: {  	_ =	shalt  }
0x83: {  	_ =	shalt  }
0x84: {  	_ =	shalt  }
0x85: {  	_ =	shalt  }
0x86: {  	_ =	shalt  }
0x87: {  	_ =	shalt  }
.Lfunc_end0:
.L_simem_size_0:
called_computation.1_lowered:
.L_overlay_start_0:
0x88: {  	s2 =	sld [smem:$0x3FD9]  }
0x89: {  	s3 =	sld [smem:$0x3FFE];
	_ =	sdelay $0x1  }
0x8a: {  	s1 =	srdreg.scid  }
0x8b: {  	s0 =	sand.u32 $0x1, s1  }
0x8c: {  	s16 =	sshll.u32 s0, $0xA;
	s2 =	sadd.s32 s3, s2  }
0x8d: {  	s2 =	sadd.s32 s2, s16  }
0x8e: {  	[smem:$0x3FB7] =	sst s2  }
0x8f: {  	_ = 	snop  }
0x90: {  	(tm) =	ssettm $0x1  }
0x91: {  	s17 =	sld [smem:$0x3FFB];
	_ =	sdelay $0x3  }
0x92: {  	_ =	strace s17  }
0x93: {  	s2 =	sld [smem:$0x3FFC];
	_ =	sdelay $0x3  }
0x94: {  	_ =	strace s2  }
0x95: {  	s2 =	sld [smem:$0x3FFD];
	_ =	sdelay $0x3  }
0x96: {  	_ =	strace s2  }
0x97: {  	_ =	strace $0x8FFFFFFF  }
0x98: {  	s18 =	sld [smem:$0x3FDB];
	_ =	sdelay $0x1  }
0x99: {  	s19 =	simm.s32 $_scs_section_size  }
0x9a: {  	s4 =	simm.s32 $_size__tile_overlayer_lowered;
	s5 =	simm.s32 $_tile_overlayer_lowered  }
0x9b: {  	s22 =	simm.s32 $0x1BFF;
	s21 =	sshll.u32 s5, $0x1;
	s2 =	sadd.s32 s19, s18  }
0x9c: {  	s6 =	simm.s32 $0x0;
	s20 =	sshll.u32 s4, $0x1;
	s4 =	sadd.s32 s21, s2  }
0x9d: {  	[timem:s6], [sflag:s22] =	dma.local [hbm:s4], s20  }
0x9e: {  	_ =	swait.ge [sflag:s22], s20  }
0x9f: {  	s3 =	ssub.s32 $0x0, s20;
	[sflag:s22] =	ssyncset.done $0x0  }
0xa0: {  	[sflag:s22] =	ssyncadd.s32 s3;
	_ =	sdelay $0x1  }
0xa1: {  	s23 =	simm.s32 $0x1B8B  }
0xa2: {  	_ =	swait.ge [sflag:s23], $0x1  }
0xa3: {  	[sflag:s23] =	ssyncset.done $0x0  }
0xa4: {  	s25 =	simm.s32 $0x1B8E;
	s24 =	sld [smem:$0x3FFE];
	[sflag:s23] =	ssyncadd.s32 $0xFFFFFFFF  }
0xa5: {  	s26 =	simm.s32 $execute0_lowered;
	[smem:$0x3FD2] =	sst s25  }
0xa6: {  	s4 =	sshll.u32 s26, $0x1;
	_ =	strace $0x80000049;
	[dreg:$0x1] =	wrdreg $0xFFFFFFFF  }
0xa7: {  	s28 =	simm.s32 $_size_execute0_lowered;
	s2 =	sadd.s32 s2, s4;
	[dreg:$0x0] =	wrdreg $0x0  }
0xa8: {  	s4 =	sshll.u32 s28, $0x1;
	[dreg:$0x2] =	wrdreg s2  }
0xa9: {  	[dreg:$0x3] =	wrdreg s4  }
0xaa: {  	[dreg:$0x4] =	wrdreg $0xC0  }
0xab: {  	_ =	task [dreg:s6], $0x5FFFF  }
0xac: {  	[dreg:$0x1] =	wrdreg $0xFFFFFFFF  }
0xad: {  	[dreg:$0x0] =	wrdreg $0x60  }
0xae: {  	[dreg:$0x2] =	wrdreg s24  }
0xaf: {  	[dreg:$0x3] =	wrdreg $0x0  }
0xb0: {  	[dreg:$0x4] =	wrdreg $0x9  }
0xb1: {  	_ =	task.clear_ibuf [dreg:s6], $0x5FFFF;
	_ =	strace $0x90000049  }
0xb2: {  	s29 =	simm.s32 $0x9;
	_ =	strace $0x8000004B  }
0xb3: {  	_ =	swait.ge [sflag:s29], $0x1  }
0xb4: {  	[sflag:s29] =	ssyncadd.s32 $0xFFFFFFFF  }
0xb5: {  	_ =	strace $0x9000004B  }
0xb6: {  	_ =	sfence  }
0xb7: {  	s30 =	sld [smem:$0x0];
	_ =	sdelay $0x2  }
0xb8: {  	s31 =	sshll.u32 s1, $0xD;
	s1 =	sshrl.u32 s1, $0x2  }
0xb9: {  	s3 =	sand.u32 $0x4000, s31;
	s1 =	sadd.s32 s1, s30  }
0xba: {  	s0 =	sor.u32 s3, s0;
	s1 =	sshll.u32 s1, $0x11  }
0xbb: {  	s0 =	sor.u32 s1, s0  }
0xbc: {  	s0 =	sadd.s32 $0x8F2B, s0  }
0xbd: {  	[sflag:s0] =	ssyncadd.remote.s32 $0x1  }
0xbe: {  	_ =	sfence.sel $0xFFFF  }
0xbf: {  	[dreg:$0x0] =	wrdreg $0xFFFFFFFF;
	(pc) =	sbr.abs _section_cstart, $3  }
0xc0: {  	[dreg:$0x1] =	wrdreg $0xFFFFFFFF  }
0xc1: {  	_ =	task.clear_ibuf [dreg:s6], $0x2FFFF;
	_ =	strace $0x9FFFFFFF  }
0xc2: {  	(tm) =	ssettm $0x7FFFFFFF  }
0xc3: {  	_ =	shalt  }
tec
execute0_lowered:
.L_overlay_start_1:
0x0: {  	(tag) =	ssettag $0x1  }
0x1: {  	s0 =	rddreg [dreg:$0x0]  }
0x2: {  	s2 =	rddreg [dreg:$0x1]  }
0x3: {  	s9 =	stileid.u32;
	s1 =	srdreg.scid  }
0x4: {  	s3 =	simm.s32 $0x0;
	s16 =	simm.s32 $0x15000;
	s17 =	simm.s32 $0x3  }
0x5: {  	s18 =	simm.s32 $0x14000;
	s19 =	simm.s32 $0x14800;
	s13 =	simm.s32 $0x14100  }
0x6: {  	s28 =	simm.s32 $0x14900;
	s29 =	simm.s32 $0x14200;
	s30 =	simm.s32 $0x14980  }
0x7: {  	s11 =	simm.s32 $0x14B80;
	s31 =	simm.s32 $0x0;
	s6 =	smul.u32 $0xA00, s9  }
0x8: {  	s1 =	sand.u32 $0x1, s1;
	[smem:$0x7FF] =	sst s3;
	s8 =	smul.u32 $0x2800, s9  }
0x9: {  	s4 =	sadd.s32 $0x4600, s0;
	s5 =	sadd.s32 $0x40600, s0;
	s9 =	smul.u32 $0x50000, s9  }
0xa: {  	s7 =	smul.u32 $0x28000, s1;
	_ =	strace $0x8000004A;
	s20 =	ssub.s32 $0x2, s1  }
0xb: {  	p0 =	seq.s32 s1, $0x1;
	s1 =	simm.s32 $0x14A00;
	s6 =	sadd.s32 s6, s0  }
0xc: {  	s10 =	sshrl.u32 s20, $0x1;
	s9 =	sshrl.u32 s9, $0x2;
	s7 =	sadd.s32 s8, s7  }
0xd: {  	s8 =	ssub.s32 s20, s10;
	s12 =	sadd.s32 s9, s2;
	s14 =	sadd.s32 $0x36600, s6  }
0xe: {  	s15 =	sadd.s32 $0x2C600, s6;
	s20 =	simm.s32 $0x80;
	s6 =	simm.s32 $0x14300  }
0xf: {  	s7 =	sadd.s32 s7, s0;
	s0 =	sadd.s32 $0x2BE00, s0;
	[dreg:$0x4] =	wrdreg s12  }
0x10: {  	s9 =	simm.s32 $0x14380;
	s22 =	smax.u32 s8, $0x1;
	[dreg:$0x3] =	wrdreg s0  }
0x11: {  	s10 =	simm.s32 $0x14B00;
	s23 =	sadd.s32 $0x4000, s12;
	[dreg:$0x6] =	wrdreg s22  }
0x12: {  	s24 =	sadd.s32 $0x8000, s12;
	s25 =	sadd.s32 $0xC000, s12;
	[dreg:$0x7] =	wrdreg s23  }
.Ltmp0:
0x13: {  	s26 =	sadd.s32 $0x10000, s12;
	[dreg:$0x8] =	wrdreg s24;
	(pc) =	sbr.rel .LBB2_1-.Ltmp0, $4  }
0x14: {  	s8 =	simm.s32 $0x14A80;
	s21 =	sadd.s32 $0x68600, s7;
	[dreg:$0x9] =	wrdreg s25  }
0x15: {  	[dreg:$0xa] =	wrdreg s26;
	s22 =	simm.s32 $0x19000;
	s23 =	simm.s32 $0x1  }
0x16: {  	s25 =	simm.s32 $0x2;
	s24 =	simm.s32 $0x14880;
	s26 =	simm.s32 $0x14180  }
0x17: {  	s0 =	simm.s32 $0x14280;
	[dreg:$0x5] =	wrdreg s21;
	s21 =	simm.s32 $0x14080  }
.LBB2_7:
0x18: {  	s7 =	sadd.s32 s11, s15;
	[sflag:s17] =	ssyncadd.s32 $0xFFFFC000  }
0x19: {  	[tilespmem:s18], [sflag:$0x3] =	stream.linear.gather [hbm4b:s7+s3], $0x800, $0x38;
	[tilespmem:$0x1D000] =	vst v63  }
0x1a: {  	_ =	swait.ge [sflag:s17], $0x800  }
0x1b: {  	[sflag:s17] =	ssyncset.done $0x0  }
0x1c: {  	s13 =	sadd.s32 s11, s14;
	[sflag:s17] =	ssyncadd.s32 $0xFFFFF800  }
0x1d: {  	[tilespmem:s19], [sflag:$0x3] =	stream.linear.gather [hbm4b:s13+s3], $0x800, $0x38;
	[tilespmem:$0x1D000] =	vst v63  }
0x1e: {  	_ =	swait.ge [sflag:s17], $0x800  }
0x1f: {  	[sflag:s17] =	ssyncset.done $0x0  }
0x20: {  	[sflag:s17] =	ssyncadd.s32 $0xFFFFF800  }
0x21: {  	[tilespmem:s16], [sflag:$0x1] =	stream.indirect.gather [hbm4b:s5+s20], $0x80, s18, s20, $0xb8;
	[tilespmem:$0x1D000] =	vst v63  }
0x22: {  	_ = 	snop  }
0x23: {  	[tilespmem:s22], [sflag:$0x2] =	stream.indirect.gather [hbm4b:s5+s20], $0x80, s21, s20, $0xb8;
	[tilespmem:$0x1D000] =	vst v63  }
0x24: {  	_ =	swait.ge [sflag:s23], $0x4000  }
0x25: {  	[sflag:s23] =	ssyncset.done $0x0  }
0x26: {  	[sflag:s23] =	ssyncadd.s32 $0xFFFFC000  }
0x27: {  	[spmem:s2] =	stream.indirect.scatter.add.f32 [tilespmem:s16], [sflag:$0x3], $0x80, s19, s20, $0xb8;
	[tilespmem:$0x1D000] =	vst v63  }
0x28: {  	_ =	swait.ge [sflag:s17], $0x4000  }
0x29: {  	[sflag:s17] =	ssyncset.done $0x0  }
0x2a: {  	[sflag:s17] =	ssyncadd.s32 $0xFFFFC000  }
0x2b: {  	[tilespmem:s16], [sflag:$0x1] =	stream.indirect.gather [hbm4b:s5+s20], $0x80, s24, s20, $0xb8;
	[tilespmem:$0x1D000] =	vst v63  }
0x2c: {  	_ =	swait.ge [sflag:s25], $0x4000  }
0x2d: {  	[sflag:s25] =	ssyncset.done $0x0  }
0x2e: {  	[sflag:s25] =	ssyncadd.s32 $0xFFFFC000  }
0x2f: {  	[spmem:s2] =	stream.indirect.scatter.add.f32 [tilespmem:s22], [sflag:$0x3], $0x80, s26, s20, $0xb8;
	[tilespmem:$0x1D000] =	vst v63  }
0x30: {  	_ =	swait.ge [sflag:s17], $0x4000  }
0x31: {  	[sflag:s17] =	ssyncset.done $0x0  }
0x32: {  	[sflag:s17] =	ssyncadd.s32 $0xFFFFC000  }
0x33: {  	[tilespmem:s22], [sflag:$0x2] =	stream.indirect.gather [hbm4b:s5+s20], $0x80, s28, s20, $0xb8;
	[tilespmem:$0x1D000] =	vst v63  }
0x34: {  	_ =	swait.ge [sflag:s23], $0x4000  }
0x35: {  	[sflag:s23] =	ssyncset.done $0x0  }
0x36: {  	[sflag:s23] =	ssyncadd.s32 $0xFFFFC000  }
0x37: {  	[spmem:s2] =	stream.indirect.scatter.add.f32 [tilespmem:s16], [sflag:$0x3], $0x80, s29, s20, $0xb8;
	[tilespmem:$0x1D000] =	vst v63  }
0x38: {  	_ =	swait.ge [sflag:s17], $0x4000  }
0x39: {  	[sflag:s17] =	ssyncset.done $0x0  }
0x3a: {  	[sflag:s17] =	ssyncadd.s32 $0xFFFFC000  }
0x3b: {  	[tilespmem:s16], [sflag:$0x1] =	stream.indirect.gather [hbm4b:s5+s20], $0x80, s30, s20, $0xb8;
	[tilespmem:$0x1D000] =	vst v63  }
0x3c: {  	_ =	swait.ge [sflag:s25], $0x4000  }
0x3d: {  	[sflag:s25] =	ssyncset.done $0x0  }
0x3e: {  	[sflag:s25] =	ssyncadd.s32 $0xFFFFC000  }
0x3f: {  	[spmem:s2] =	stream.indirect.scatter.add.f32 [tilespmem:s22], [sflag:$0x3], $0x80, s31, s20, $0xb8;
	[tilespmem:$0x1D000] =	vst v63  }
0x40: {  	_ =	swait.ge [sflag:s17], $0x4000  }
0x41: {  	[sflag:s17] =	ssyncset.done $0x0  }
0x42: {  	[sflag:s17] =	ssyncadd.s32 $0xFFFFC000  }
0x43: {  	[tilespmem:s22], [sflag:$0x2] =	stream.indirect.gather [hbm4b:s5+s20], $0x80, s0, s20, $0xb8;
	[tilespmem:$0x1D000] =	vst v63  }
0x44: {  	_ =	swait.ge [sflag:s23], $0x4000  }
0x45: {  	[sflag:s23] =	ssyncset.done $0x0  }
0x46: {  	[sflag:s23] =	ssyncadd.s32 $0xFFFFC000  }
0x47: {  	[spmem:s2] =	stream.indirect.scatter.add.f32 [tilespmem:s16], [sflag:$0x3], $0x80, s1, s20, $0xb8;
	[tilespmem:$0x1D000] =	vst v63  }
0x48: {  	_ =	swait.ge [sflag:s17], $0x4000  }
0x49: {  	[sflag:s17] =	ssyncset.done $0x0  }
0x4a: {  	[sflag:s17] =	ssyncadd.s32 $0xFFFFC000  }
0x4b: {  	[tilespmem:s16], [sflag:$0x1] =	stream.indirect.gather [hbm4b:s5+s20], $0x80, s6, s20, $0xb8;
	[tilespmem:$0x1D000] =	vst v63  }
0x4c: {  	_ =	swait.ge [sflag:s25], $0x4000  }
0x4d: {  	[sflag:s25] =	ssyncset.done $0x0  }
0x4e: {  	[sflag:s25] =	ssyncadd.s32 $0xFFFFC000  }
0x4f: {  	[spmem:s2] =	stream.indirect.scatter.add.f32 [tilespmem:s22], [sflag:$0x3], $0x80, s8, s20, $0xb8;
	[tilespmem:$0x1D000] =	vst v63  }
0x50: {  	_ =	swait.ge [sflag:s17], $0x4000  }
0x51: {  	[sflag:s17] =	ssyncset.done $0x0  }
0x52: {  	[sflag:s17] =	ssyncadd.s32 $0xFFFFC000  }
0x53: {  	[tilespmem:s22], [sflag:$0x2] =	stream.indirect.gather [hbm4b:s5+s20], $0x80, s9, s20, $0xb8;
	[tilespmem:$0x1D000] =	vst v63  }
0x54: {  	_ =	swait.ge [sflag:s23], $0x4000  }
0x55: {  	[sflag:s23] =	ssyncset.done $0x0  }
0x56: {  	[sflag:s23] =	ssyncadd.s32 $0xFFFFC000  }
0x57: {  	[spmem:s2] =	stream.indirect.scatter.add.f32 [tilespmem:s16], [sflag:$0x3], $0x80, s10, s20, $0xb8;
	[tilespmem:$0x1D000] =	vst v63  }
0x58: {  	_ =	swait.ge [sflag:s17], $0x4000  }
0x59: {  	[sflag:s17] =	ssyncset.done $0x0  }
0x5a: {  	s10 =	simm.s32 $0x14400;
	[sflag:s17] =	ssyncadd.s32 $0xFFFFC000  }
0x5b: {  	[tilespmem:s16], [sflag:$0x1] =	stream.indirect.gather [hbm4b:s5+s20], $0x80, s10, s20, $0xb8;
	[tilespmem:$0x1D000] =	vst v63  }
0x5c: {  	_ =	swait.ge [sflag:s25], $0x4000  }
0x5d: {  	[sflag:s25] =	ssyncset.done $0x0  }
0x5e: {  	s11 =	simm.s32 $0x14B80;
	[sflag:s25] =	ssyncadd.s32 $0xFFFFC000  }
0x5f: {  	[spmem:s2] =	stream.indirect.scatter.add.f32 [tilespmem:s22], [sflag:$0x3], $0x80, s11, s20, $0xb8;
	[tilespmem:$0x1D000] =	vst v63  }
0x60: {  	_ =	swait.ge [sflag:s17], $0x4000  }
0x61: {  	[sflag:s17] =	ssyncset.done $0x0  }
0x62: {  	s12 =	simm.s32 $0x14480;
	[sflag:s17] =	ssyncadd.s32 $0xFFFFC000  }
0x63: {  	[tilespmem:s22], [sflag:$0x2] =	stream.indirect.gather [hbm4b:s5+s20], $0x80, s12, s20, $0xb8;
	[tilespmem:$0x1D000] =	vst v63  }
0x64: {  	_ =	swait.ge [sflag:s23], $0x4000  }
0x65: {  	[sflag:s23] =	ssyncset.done $0x0  }
0x66: {  	s13 =	simm.s32 $0x14C00;
	[sflag:s23] =	ssyncadd.s32 $0xFFFFC000  }
0x67: {  	[spmem:s2] =	stream.indirect.scatter.add.f32 [tilespmem:s16], [sflag:$0x3], $0x80, s13, s20, $0xb8;
	[tilespmem:$0x1D000] =	vst v63  }
0x68: {  	_ =	swait.ge [sflag:s17], $0x4000  }
0x69: {  	[sflag:s17] =	ssyncset.done $0x0  }
0x6a: {  	s24 =	simm.s32 $0x14500;
	[sflag:s17] =	ssyncadd.s32 $0xFFFFC000  }
0x6b: {  	[tilespmem:s16], [sflag:$0x1] =	stream.indirect.gather [hbm4b:s5+s20], $0x80, s24, s20, $0xb8;
	[tilespmem:$0x1D000] =	vst v63  }
0x6c: {  	_ =	swait.ge [sflag:s25], $0x4000  }
0x6d: {  	[sflag:s25] =	ssyncset.done $0x0  }
0x6e: {  	s26 =	simm.s32 $0x14C80;
	[sflag:s25] =	ssyncadd.s32 $0xFFFFC000  }
0x6f: {  	[spmem:s2] =	stream.indirect.scatter.add.f32 [tilespmem:s22], [sflag:$0x3], $0x80, s26, s20, $0xb8;
	[tilespmem:$0x1D000] =	vst v63  }
0x70: {  	_ =	swait.ge [sflag:s17], $0x4000  }
0x71: {  	[sflag:s17] =	ssyncset.done $0x0  }
0x72: {  	s1 =	simm.s32 $0x14580;
	[sflag:s17] =	ssyncadd.s32 $0xFFFFC000  }
0x73: {  	[tilespmem:s22], [sflag:$0x2] =	stream.indirect.gather [hbm4b:s5+s20], $0x80, s1, s20, $0xb8;
	[tilespmem:$0x1D000] =	vst v63  }
0x74: {  	_ =	swait.ge [sflag:s23], $0x4000  }
0x75: {  	[sflag:s23] =	ssyncset.done $0x0  }
0x76: {  	s6 =	simm.s32 $0x14D00;
	[sflag:s23] =	ssyncadd.s32 $0xFFFFC000  }
0x77: {  	[spmem:s2] =	stream.indirect.scatter.add.f32 [tilespmem:s16], [sflag:$0x3], $0x80, s6, s20, $0xb8;
	[tilespmem:$0x1D000] =	vst v63  }
0x78: {  	_ =	swait.ge [sflag:s17], $0x4000  }
0x79: {  	[sflag:s17] =	ssyncset.done $0x0  }
0x7a: {  	s7 =	simm.s32 $0x14600;
	[sflag:s17] =	ssyncadd.s32 $0xFFFFC000  }
0x7b: {  	[tilespmem:s16], [sflag:$0x1] =	stream.indirect.gather [hbm4b:s5+s20], $0x80, s7, s20, $0xb8;
	[tilespmem:$0x1D000] =	vst v63  }
0x7c: {  	_ =	swait.ge [sflag:s25], $0x4000  }
0x7d: {  	[sflag:s25] =	ssyncset.done $0x0  }
0x7e: {  	s8 =	simm.s32 $0x14D80;
	[sflag:s25] =	ssyncadd.s32 $0xFFFFC000  }
0x7f: {  	[spmem:s2] =	stream.indirect.scatter.add.f32 [tilespmem:s22], [sflag:$0x3], $0x80, s8, s20, $0xb8;
	[tilespmem:$0x1D000] =	vst v63  }
0x80: {  	_ =	swait.ge [sflag:s17], $0x4000  }
0x81: {  	[sflag:s17] =	ssyncset.done $0x0  }
0x82: {  	s9 =	simm.s32 $0x14680;
	[sflag:s17] =	ssyncadd.s32 $0xFFFFC000  }
0x83: {  	[tilespmem:s22], [sflag:$0x2] =	stream.indirect.gather [hbm4b:s5+s20], $0x80, s9, s20, $0xb8;
	[tilespmem:$0x1D000] =	vst v63  }
0x84: {  	_ =	swait.ge [sflag:s23], $0x4000  }
0x85: {  	[sflag:s23] =	ssyncset.done $0x0  }
0x86: {  	s10 =	simm.s32 $0x14E00;
	[sflag:s23] =	ssyncadd.s32 $0xFFFFC000  }
0x87: {  	[spmem:s2] =	stream.indirect.scatter.add.f32 [tilespmem:s16], [sflag:$0x3], $0x80, s10, s20, $0xb8;
	[tilespmem:$0x1D000] =	vst v63  }
0x88: {  	_ =	swait.ge [sflag:s17], $0x4000  }
0x89: {  	[sflag:s17] =	ssyncset.done $0x0  }
0x8a: {  	s11 =	simm.s32 $0x14700;
	[sflag:s17] =	ssyncadd.s32 $0xFFFFC000  }
0x8b: {  	[tilespmem:s16], [sflag:$0x1] =	stream.indirect.gather [hbm4b:s5+s20], $0x80, s11, s20, $0xb8;
	[tilespmem:$0x1D000] =	vst v63  }
0x8c: {  	_ =	swait.ge [sflag:s25], $0x4000  }
0x8d: {  	[sflag:s25] =	ssyncset.done $0x0  }
0x8e: {  	s12 =	simm.s32 $0x14E80;
	[sflag:s25] =	ssyncadd.s32 $0xFFFFC000  }
0x8f: {  	[spmem:s2] =	stream.indirect.scatter.add.f32 [tilespmem:s22], [sflag:$0x3], $0x80, s12, s20, $0xb8;
	[tilespmem:$0x1D000] =	vst v63  }
0x90: {  	_ =	swait.ge [sflag:s17], $0x4000  }
0x91: {  	[sflag:s17] =	ssyncset.done $0x0  }
0x92: {  	s13 =	simm.s32 $0x14780;
	[sflag:s17] =	ssyncadd.s32 $0xFFFFC000  }
0x93: {  	[tilespmem:s22], [sflag:$0x2] =	stream.indirect.gather [hbm4b:s5+s20], $0x80, s13, s20, $0xb8;
	[tilespmem:$0x1D000] =	vst v63  }
0x94: {  	_ =	swait.ge [sflag:s23], $0x4000  }
0x95: {  	[sflag:s23] =	ssyncset.done $0x0  }
0x96: {  	s24 =	simm.s32 $0x14F00;
	[sflag:s23] =	ssyncadd.s32 $0xFFFFC000  }
0x97: {  	[spmem:s2] =	stream.indirect.scatter.add.f32 [tilespmem:s16], [sflag:$0x3], $0x80, s24, s20, $0xb8;
	[tilespmem:$0x1D000] =	vst v63  }
0x98: {  	_ =	swait.ge [sflag:s17], $0x4000  }
0x99: {  	[sflag:s17] =	ssyncset.done $0x0  }
0x9a: {  	s28 =	simm.s32 $0x14900;
	[sflag:s17] =	ssyncadd.s32 $0xFFFFC000  }
0x9b: {  	s29 =	simm.s32 $0x14200;
	s30 =	simm.s32 $0x14980;
	_ =	swait.ge [sflag:s25], $0x4000  }
0x9c: {  	s0 =	simm.s32 $0x14280;
	s26 =	simm.s32 $0x14F80;
	[sflag:s25] =	ssyncset.done $0x0  }
0x9d: {  	s1 =	simm.s32 $0x14A00;
	s6 =	simm.s32 $0x14300;
	[sflag:s25] =	ssyncadd.s32 $0xFFFFC000  }
0x9e: {  	[spmem:s2] =	stream.indirect.scatter.add.f32 [tilespmem:s22], [sflag:$0x3], $0x80, s26, s20, $0xb8;
	[tilespmem:$0x1D000] =	vst v63  }
0x9f: {  	s8 =	simm.s32 $0x14A80;
	s9 =	simm.s32 $0x14380;
	_ =	swait.ge [sflag:s17], $0x4000  }
0xa0: {  	s10 =	simm.s32 $0x14B00;
	s24 =	simm.s32 $0x14880;
	[sflag:s17] =	ssyncset.done $0x0  }
0xa1: {  	s26 =	simm.s32 $0x14180;
	s31 =	rddreg [dreg:$0xb];
	[sflag:s17] =	ssyncadd.s32 $0xFFFFC000  }
.LBB2_8:
0xa2: {  	s7 =	stileid.u32;
	[bflag:$0x0] =	sbarrier.arrive $0xFFFF  }
0xa3: {  	s7 =	sshll.u32 s7, $0x6;
	s12 =	rddreg [dreg:$0x4]  }
0xa4: {  	s13 =	rddreg [dreg:$0x5];
	s7 =	sor.u32 $0x1C03, s7;
	s11 =	sshrl.u32 s12, $0x3  }
0xa5: {  	[hbm:s13], [sflag:s7] =	dma.local [spmem:s11], $0x2800  }
0xa6: {  	_ =	swait.ge [sflag:s17], $0x2800  }
0xa7: {  	s31 =	sadd.s32 $0x1, s31;
	s13 =	rddreg [dreg:$0x6]  }
0xa8: {  	p1 =	sne.s32 s31, s13  }
.Ltmp1:
0xa9: {  	_ = 	snop;
	(pc) =	sbr.rel @!p1 .LBB2_9-.Ltmp1, $3  }
0xaa: {  	_ =	sdelay $0x1  }
0xab: {  	[sflag:s17] =	ssyncset.done $0x0  }
0xac: {  	s11 =	simm.s32 $0x14B80;
	[sflag:s17] =	ssyncadd.s32 $0xFFFFD800;
	s13 =	simm.s32 $0x14100  }
.LBB2_1:
0xad: {  	[dreg:$0xb] =	wrdreg s31  }
0xae: {  	s7 =	rddreg [dreg:$0x3]  }
0xaf: {  	[tilespmem:s16], [sflag:$0x3] =	stream.linear.gather [hbm4b:s7+s3], $0x4000, $0x38;
	[tilespmem:$0x1D000] =	vst v63  }
0xb0: {  	_ =	swait.ge [sflag:s17], $0x4000  }
0xb1: {  	[sflag:s17] =	ssyncset.done $0x0  }
0xb2: {  	[sflag:s17] =	ssyncadd.s32 $0xFFFFC000  }
0xb3: {  	[spmem:s12] =	stream.linear.scatter [tilespmem:s16], [sflag:$0x3], $0x4000, $0x38;
	[tilespmem:$0x1D000] =	vst v63  }
0xb4: {  	_ =	swait.ge [sflag:s17], $0x4000  }
0xb5: {  	[sflag:s17] =	ssyncset.done $0x0  }
0xb6: {  	s12 =	rddreg [dreg:$0x7];
	[sflag:s17] =	ssyncadd.s32 $0xFFFFC000  }
0xb7: {  	[spmem:s12] =	stream.linear.scatter [tilespmem:s16], [sflag:$0x3], $0x4000, $0x38;
	[tilespmem:$0x1D000] =	vst v63  }
0xb8: {  	_ =	swait.ge [sflag:s17], $0x4000  }
0xb9: {  	[sflag:s17] =	ssyncset.done $0x0  }
0xba: {  	s31 =	rddreg [dreg:$0x8];
	[sflag:s17] =	ssyncadd.s32 $0xFFFFC000  }
0xbb: {  	[spmem:s31] =	stream.linear.scatter [tilespmem:s16], [sflag:$0x3], $0x4000, $0x38;
	[tilespmem:$0x1D000] =	vst v63  }
0xbc: {  	_ =	swait.ge [sflag:s17], $0x4000  }
0xbd: {  	[sflag:s17] =	ssyncset.done $0x0  }
0xbe: {  	s12 =	rddreg [dreg:$0x9];
	[sflag:s17] =	ssyncadd.s32 $0xFFFFC000  }
0xbf: {  	[spmem:s12] =	stream.linear.scatter [tilespmem:s16], [sflag:$0x3], $0x4000, $0x38;
	[tilespmem:$0x1D000] =	vst v63  }
0xc0: {  	_ =	swait.ge [sflag:s17], $0x4000  }
0xc1: {  	[sflag:s17] =	ssyncset.done $0x0  }
0xc2: {  	s31 =	rddreg [dreg:$0xa];
	[sflag:s17] =	ssyncadd.s32 $0xFFFFC000  }
0xc3: {  	[spmem:s31] =	stream.linear.scatter [tilespmem:s16], [sflag:$0x3], $0x4000, $0x38;
	[tilespmem:$0x1D000] =	vst v63  }
.Ltmp2:
0xc4: {  	_ =	swait.ge [sflag:s17], $0x4000;
	(pc) =	sbr.rel @!p0 .LBB2_2-.Ltmp2, $3  }
0xc5: {  	[sflag:s17] =	ssyncset.done $0x0  }
0xc6: {  	[sflag:s17] =	ssyncadd.s32 $0xFFFFC000  }
0xc7: {  	[bflag:$0x0] =	sbarrier.arrive $0xFFFF;
	_ =	sdelay $0x1  }
0xc8: {  	s7 =	sadd.s32 $0x0, s15  }
0xc9: {  	[tilespmem:s18], [sflag:$0x3] =	stream.linear.gather [hbm4b:s7+s3], $0x800, $0x38;
	[tilespmem:$0x1D000] =	vst v63  }
0xca: {  	_ =	swait.ge [sflag:s17], $0x800  }
0xcb: {  	[sflag:s17] =	ssyncset.done $0x0  }
0xcc: {  	s12 =	sadd.s32 $0x0, s14;
	[sflag:s17] =	ssyncadd.s32 $0xFFFFF800  }
0xcd: {  	[tilespmem:s19], [sflag:$0x3] =	stream.linear.gather [hbm4b:s12+s3], $0x800, $0x38;
	[tilespmem:$0x1D000] =	vst v63  }
0xce: {  	_ =	swait.ge [sflag:s17], $0x800  }
0xcf: {  	[sflag:s17] =	ssyncset.done $0x0  }
0xd0: {  	[sflag:s17] =	ssyncadd.s32 $0xFFFFF800  }
0xd1: {  	[tilespmem:s16], [sflag:$0x1] =	stream.indirect.gather [hbm4b:s5+s20], $0x80, s18, s20, $0xb8;
	[tilespmem:$0x1D000] =	vst v63  }
0xd2: {  	_ = 	snop  }
0xd3: {  	[tilespmem:s22], [sflag:$0x2] =	stream.indirect.gather [hbm4b:s5+s20], $0x80, s21, s20, $0xb8;
	[tilespmem:$0x1D000] =	vst v63  }
0xd4: {  	_ =	swait.ge [sflag:s23], $0x4000  }
0xd5: {  	[sflag:s23] =	ssyncset.done $0x0  }
0xd6: {  	[sflag:s23] =	ssyncadd.s32 $0xFFFFC000  }
0xd7: {  	[spmem:s2] =	stream.indirect.scatter.add.f32 [tilespmem:s16], [sflag:$0x3], $0x80, s19, s20, $0xb8;
	[tilespmem:$0x1D000] =	vst v63  }
0xd8: {  	_ =	swait.ge [sflag:s17], $0x4000  }
0xd9: {  	[sflag:s17] =	ssyncset.done $0x0  }
0xda: {  	[sflag:s17] =	ssyncadd.s32 $0xFFFFC000  }
0xdb: {  	[tilespmem:s16], [sflag:$0x1] =	stream.indirect.gather [hbm4b:s5+s20], $0x80, s13, s20, $0xb8;
	[tilespmem:$0x1D000] =	vst v63  }
0xdc: {  	_ =	swait.ge [sflag:s25], $0x4000  }
0xdd: {  	[sflag:s25] =	ssyncset.done $0x0  }
0xde: {  	[sflag:s25] =	ssyncadd.s32 $0xFFFFC000  }
0xdf: {  	[spmem:s2] =	stream.indirect.scatter.add.f32 [tilespmem:s22], [sflag:$0x3], $0x80, s24, s20, $0xb8;
	[tilespmem:$0x1D000] =	vst v63  }
0xe0: {  	_ =	swait.ge [sflag:s17], $0x4000  }
0xe1: {  	[sflag:s17] =	ssyncset.done $0x0  }
0xe2: {  	[sflag:s17] =	ssyncadd.s32 $0xFFFFC000  }
0xe3: {  	[tilespmem:s22], [sflag:$0x2] =	stream.indirect.gather [hbm4b:s5+s20], $0x80, s26, s20, $0xb8;
	[tilespmem:$0x1D000] =	vst v63  }
0xe4: {  	_ =	swait.ge [sflag:s23], $0x4000  }
0xe5: {  	[sflag:s23] =	ssyncset.done $0x0  }
0xe6: {  	[sflag:s23] =	ssyncadd.s32 $0xFFFFC000  }
0xe7: {  	[spmem:s2] =	stream.indirect.scatter.add.f32 [tilespmem:s16], [sflag:$0x3], $0x80, s28, s20, $0xb8;
	[tilespmem:$0x1D000] =	vst v63  }
0xe8: {  	_ =	swait.ge [sflag:s17], $0x4000  }
0xe9: {  	[sflag:s17] =	ssyncset.done $0x0  }
0xea: {  	[sflag:s17] =	ssyncadd.s32 $0xFFFFC000  }
0xeb: {  	[tilespmem:s16], [sflag:$0x1] =	stream.indirect.gather [hbm4b:s5+s20], $0x80, s29, s20, $0xb8;
	[tilespmem:$0x1D000] =	vst v63  }
0xec: {  	_ =	swait.ge [sflag:s25], $0x4000  }
0xed: {  	[sflag:s25] =	ssyncset.done $0x0  }
0xee: {  	[sflag:s25] =	ssyncadd.s32 $0xFFFFC000  }
0xef: {  	[spmem:s2] =	stream.indirect.scatter.add.f32 [tilespmem:s22], [sflag:$0x3], $0x80, s30, s20, $0xb8;
	[tilespmem:$0x1D000] =	vst v63  }
0xf0: {  	_ =	swait.ge [sflag:s17], $0x4000  }
0xf1: {  	[sflag:s17] =	ssyncset.done $0x0  }
0xf2: {  	[sflag:s17] =	ssyncadd.s32 $0xFFFFC000  }
0xf3: {  	[tilespmem:s22], [sflag:$0x2] =	stream.indirect.gather [hbm4b:s5+s20], $0x80, s0, s20, $0xb8;
	[tilespmem:$0x1D000] =	vst v63  }
0xf4: {  	_ =	swait.ge [sflag:s23], $0x4000  }
0xf5: {  	[sflag:s23] =	ssyncset.done $0x0  }
0xf6: {  	[sflag:s23] =	ssyncadd.s32 $0xFFFFC000  }
0xf7: {  	[spmem:s2] =	stream.indirect.scatter.add.f32 [tilespmem:s16], [sflag:$0x3], $0x80, s1, s20, $0xb8;
	[tilespmem:$0x1D000] =	vst v63  }
0xf8: {  	_ =	swait.ge [sflag:s17], $0x4000  }
0xf9: {  	[sflag:s17] =	ssyncset.done $0x0  }
0xfa: {  	[sflag:s17] =	ssyncadd.s32 $0xFFFFC000  }
0xfb: {  	[tilespmem:s16], [sflag:$0x1] =	stream.indirect.gather [hbm4b:s5+s20], $0x80, s6, s20, $0xb8;
	[tilespmem:$0x1D000] =	vst v63  }
0xfc: {  	_ =	swait.ge [sflag:s25], $0x4000  }
0xfd: {  	[sflag:s25] =	ssyncset.done $0x0  }
0xfe: {  	[sflag:s25] =	ssyncadd.s32 $0xFFFFC000  }
0xff: {  	[spmem:s2] =	stream.indirect.scatter.add.f32 [tilespmem:s22], [sflag:$0x3], $0x80, s8, s20, $0xb8;
	[tilespmem:$0x1D000] =	vst v63  }
0x100: {  	_ =	swait.ge [sflag:s17], $0x4000  }
0x101: {  	[sflag:s17] =	ssyncset.done $0x0  }
0x102: {  	[sflag:s17] =	ssyncadd.s32 $0xFFFFC000  }
0x103: {  	[tilespmem:s22], [sflag:$0x2] =	stream.indirect.gather [hbm4b:s5+s20], $0x80, s9, s20, $0xb8;
	[tilespmem:$0x1D000] =	vst v63  }
0x104: {  	_ =	swait.ge [sflag:s23], $0x4000  }
0x105: {  	[sflag:s23] =	ssyncset.done $0x0  }
0x106: {  	[sflag:s23] =	ssyncadd.s32 $0xFFFFC000  }
0x107: {  	[spmem:s2] =	stream.indirect.scatter.add.f32 [tilespmem:s16], [sflag:$0x3], $0x80, s10, s20, $0xb8;
	[tilespmem:$0x1D000] =	vst v63  }
0x108: {  	_ =	swait.ge [sflag:s17], $0x4000  }
0x109: {  	[sflag:s17] =	ssyncset.done $0x0  }
0x10a: {  	s13 =	simm.s32 $0x14400;
	[sflag:s17] =	ssyncadd.s32 $0xFFFFC000  }
0x10b: {  	[tilespmem:s16], [sflag:$0x1] =	stream.indirect.gather [hbm4b:s5+s20], $0x80, s13, s20, $0xb8;
	[tilespmem:$0x1D000] =	vst v63  }
0x10c: {  	_ =	swait.ge [sflag:s25], $0x4000  }
0x10d: {  	[sflag:s25] =	ssyncset.done $0x0  }
0x10e: {  	[sflag:s25] =	ssyncadd.s32 $0xFFFFC000  }
0x10f: {  	[spmem:s2] =	stream.indirect.scatter.add.f32 [tilespmem:s22], [sflag:$0x3], $0x80, s11, s20, $0xb8;
	[tilespmem:$0x1D000] =	vst v63  }
0x110: {  	_ =	swait.ge [sflag:s17], $0x4000  }
0x111: {  	[sflag:s17] =	ssyncset.done $0x0  }
0x112: {  	s21 =	simm.s32 $0x14480;
	[sflag:s17] =	ssyncadd.s32 $0xFFFFC000  }
0x113: {  	[tilespmem:s22], [sflag:$0x2] =	stream.indirect.gather [hbm4b:s5+s20], $0x80, s21, s20, $0xb8;
	[tilespmem:$0x1D000] =	vst v63  }
0x114: {  	_ =	swait.ge [sflag:s23], $0x4000  }
0x115: {  	[sflag:s23] =	ssyncset.done $0x0  }
0x116: {  	s24 =	simm.s32 $0x14C00;
	[sflag:s23] =	ssyncadd.s32 $0xFFFFC000  }
0x117: {  	[spmem:s2] =	stream.indirect.scatter.add.f32 [tilespmem:s16], [sflag:$0x3], $0x80, s24, s20, $0xb8;
	[tilespmem:$0x1D000] =	vst v63  }
0x118: {  	_ =	swait.ge [sflag:s17], $0x4000  }
0x119: {  	[sflag:s17] =	ssyncset.done $0x0  }
0x11a: {  	s26 =	simm.s32 $0x14500;
	[sflag:s17] =	ssyncadd.s32 $0xFFFFC000  }
0x11b: {  	[tilespmem:s16], [sflag:$0x1] =	stream.indirect.gather [hbm4b:s5+s20], $0x80, s26, s20, $0xb8;
	[tilespmem:$0x1D000] =	vst v63  }
0x11c: {  	_ =	swait.ge [sflag:s25], $0x4000  }
0x11d: {  	[sflag:s25] =	ssyncset.done $0x0  }
0x11e: {  	s1 =	simm.s32 $0x14C80;
	[sflag:s25] =	ssyncadd.s32 $0xFFFFC000  }
0x11f: {  	[spmem:s2] =	stream.indirect.scatter.add.f32 [tilespmem:s22], [sflag:$0x3], $0x80, s1, s20, $0xb8;
	[tilespmem:$0x1D000] =	vst v63  }
0x120: {  	_ =	swait.ge [sflag:s17], $0x4000  }
0x121: {  	[sflag:s17] =	ssyncset.done $0x0  }
0x122: {  	s6 =	simm.s32 $0x14580;
	[sflag:s17] =	ssyncadd.s32 $0xFFFFC000  }
0x123: {  	[tilespmem:s22], [sflag:$0x2] =	stream.indirect.gather [hbm4b:s5+s20], $0x80, s6, s20, $0xb8;
	[tilespmem:$0x1D000] =	vst v63  }
0x124: {  	_ =	swait.ge [sflag:s23], $0x4000  }
0x125: {  	[sflag:s23] =	ssyncset.done $0x0  }
0x126: {  	s7 =	simm.s32 $0x14D00;
	[sflag:s23] =	ssyncadd.s32 $0xFFFFC000  }
0x127: {  	[spmem:s2] =	stream.indirect.scatter.add.f32 [tilespmem:s16], [sflag:$0x3], $0x80, s7, s20, $0xb8;
	[tilespmem:$0x1D000] =	vst v63  }
0x128: {  	_ =	swait.ge [sflag:s17], $0x4000  }
0x129: {  	[sflag:s17] =	ssyncset.done $0x0  }
0x12a: {  	s8 =	simm.s32 $0x14600;
	[sflag:s17] =	ssyncadd.s32 $0xFFFFC000  }
0x12b: {  	[tilespmem:s16], [sflag:$0x1] =	stream.indirect.gather [hbm4b:s5+s20], $0x80, s8, s20, $0xb8;
	[tilespmem:$0x1D000] =	vst v63  }
0x12c: {  	_ =	swait.ge [sflag:s25], $0x4000  }
0x12d: {  	[sflag:s25] =	ssyncset.done $0x0  }
0x12e: {  	s9 =	simm.s32 $0x14D80;
	[sflag:s25] =	ssyncadd.s32 $0xFFFFC000  }
0x12f: {  	[spmem:s2] =	stream.indirect.scatter.add.f32 [tilespmem:s22], [sflag:$0x3], $0x80, s9, s20, $0xb8;
	[tilespmem:$0x1D000] =	vst v63  }
0x130: {  	_ =	swait.ge [sflag:s17], $0x4000  }
0x131: {  	[sflag:s17] =	ssyncset.done $0x0  }
0x132: {  	s10 =	simm.s32 $0x14680;
	[sflag:s17] =	ssyncadd.s32 $0xFFFFC000  }
0x133: {  	[tilespmem:s22], [sflag:$0x2] =	stream.indirect.gather [hbm4b:s5+s20], $0x80, s10, s20, $0xb8;
	[tilespmem:$0x1D000] =	vst v63  }
0x134: {  	_ =	swait.ge [sflag:s23], $0x4000  }
0x135: {  	[sflag:s23] =	ssyncset.done $0x0  }
0x136: {  	s11 =	simm.s32 $0x14E00;
	[sflag:s23] =	ssyncadd.s32 $0xFFFFC000  }
0x137: {  	[spmem:s2] =	stream.indirect.scatter.add.f32 [tilespmem:s16], [sflag:$0x3], $0x80, s11, s20, $0xb8;
	[tilespmem:$0x1D000] =	vst v63  }
0x138: {  	_ =	swait.ge [sflag:s17], $0x4000  }
0x139: {  	[sflag:s17] =	ssyncset.done $0x0  }
0x13a: {  	s12 =	simm.s32 $0x14700;
	[sflag:s17] =	ssyncadd.s32 $0xFFFFC000  }
0x13b: {  	[tilespmem:s16], [sflag:$0x1] =	stream.indirect.gather [hbm4b:s5+s20], $0x80, s12, s20, $0xb8;
	[tilespmem:$0x1D000] =	vst v63  }
0x13c: {  	_ =	swait.ge [sflag:s25], $0x4000  }
0x13d: {  	[sflag:s25] =	ssyncset.done $0x0  }
0x13e: {  	s13 =	simm.s32 $0x14E80;
	[sflag:s25] =	ssyncadd.s32 $0xFFFFC000  }
0x13f: {  	[spmem:s2] =	stream.indirect.scatter.add.f32 [tilespmem:s22], [sflag:$0x3], $0x80, s13, s20, $0xb8;
	[tilespmem:$0x1D000] =	vst v63  }
0x140: {  	_ =	swait.ge [sflag:s17], $0x4000  }
0x141: {  	[sflag:s17] =	ssyncset.done $0x0  }
0x142: {  	s21 =	simm.s32 $0x14780;
	[sflag:s17] =	ssyncadd.s32 $0xFFFFC000  }
0x143: {  	[tilespmem:s22], [sflag:$0x2] =	stream.indirect.gather [hbm4b:s5+s20], $0x80, s21, s20, $0xb8;
	[tilespmem:$0x1D000] =	vst v63  }
0x144: {  	_ =	swait.ge [sflag:s23], $0x4000  }
0x145: {  	[sflag:s23] =	ssyncset.done $0x0  }
0x146: {  	s24 =	simm.s32 $0x14F00;
	[sflag:s23] =	ssyncadd.s32 $0xFFFFC000  }
0x147: {  	[spmem:s2] =	stream.indirect.scatter.add.f32 [tilespmem:s16], [sflag:$0x3], $0x80, s24, s20, $0xb8;
	[tilespmem:$0x1D000] =	vst v63  }
0x148: {  	s31 =	simm.s32 $0x14980;
	_ =	swait.ge [sflag:s17], $0x4000  }
0x149: {  	s28 =	simm.s32 $0x14180;
	s29 =	simm.s32 $0x14900;
	[sflag:s17] =	ssyncset.done $0x0  }
0x14a: {  	s30 =	simm.s32 $0x14200;
	s0 =	simm.s32 $0x14280;
	[sflag:s17] =	ssyncadd.s32 $0xFFFFC000  }
0x14b: {  	s26 =	simm.s32 $0x14F80;
	s1 =	simm.s32 $0x14A00;
	_ =	swait.ge [sflag:s25], $0x4000  }
0x14c: {  	s6 =	simm.s32 $0x14300;
	s8 =	simm.s32 $0x14A80;
	[sflag:s25] =	ssyncset.done $0x0  }
0x14d: {  	s9 =	simm.s32 $0x14380;
	s10 =	simm.s32 $0x14B00;
	[sflag:s25] =	ssyncadd.s32 $0xFFFFC000  }
0x14e: {  	[spmem:s2] =	stream.indirect.scatter.add.f32 [tilespmem:s22], [sflag:$0x3], $0x80, s26, s20, $0xb8;
	[tilespmem:$0x1D000] =	vst v63  }
0x14f: {  	s11 =	simm.s32 $0x100;
	s13 =	simm.s32 $0x200;
	_ =	swait.ge [sflag:s17], $0x4000  }
0x150: {  	s24 =	simm.s32 $0x14100;
	s26 =	simm.s32 $0x14880;
	[sflag:s17] =	ssyncset.done $0x0  }
.LBB2_6:
0x151: {  	s7 =	sadd.s32 s11, s15  }
0x152: {  	[sflag:s17] =	ssyncadd.s32 $0xFFFFC000;
	s21 =	smov.u32 s13;
	s12 =	sadd.s32 $0x100, s13  }
0x153: {  	[tilespmem:s18], [sflag:$0x3] =	stream.linear.gather [hbm4b:s7+s3], $0x800, $0x38;
	[tilespmem:$0x1D000] =	vst v63  }
0x154: {  	p1 =	sne.s32 s13, $0x900;
	_ =	swait.ge [sflag:s17], $0x800  }
0x155: {  	s7 =	sadd.s32 s11, s14;
	[sflag:s17] =	ssyncset.done $0x0  }
0x156: {  	s11 =	smov.u32 s21;
	s21 =	simm.s32 $0x14080;
	[sflag:s17] =	ssyncadd.s32 $0xFFFFF800  }
0x157: {  	[tilespmem:s19], [sflag:$0x3] =	stream.linear.gather [hbm4b:s7+s3], $0x800, $0x38;
	[tilespmem:$0x1D000] =	vst v63  }
0x158: {  	_ =	swait.ge [sflag:s17], $0x800  }
0x159: {  	[sflag:s17] =	ssyncset.done $0x0  }
0x15a: {  	[sflag:s17] =	ssyncadd.s32 $0xFFFFF800  }
0x15b: {  	[tilespmem:s16], [sflag:$0x1] =	stream.indirect.gather [hbm4b:s5+s20], $0x80, s18, s20, $0xb8;
	[tilespmem:$0x1D000] =	vst v63  }
0x15c: {  	_ = 	snop  }
0x15d: {  	[tilespmem:s22], [sflag:$0x2] =	stream.indirect.gather [hbm4b:s5+s20], $0x80, s21, s20, $0xb8;
	[tilespmem:$0x1D000] =	vst v63  }
0x15e: {  	_ =	swait.ge [sflag:s23], $0x4000  }
0x15f: {  	[sflag:s23] =	ssyncset.done $0x0  }
0x160: {  	[sflag:s23] =	ssyncadd.s32 $0xFFFFC000  }
0x161: {  	[spmem:s2] =	stream.indirect.scatter.add.f32 [tilespmem:s16], [sflag:$0x3], $0x80, s19, s20, $0xb8;
	[tilespmem:$0x1D000] =	vst v63  }
0x162: {  	_ =	swait.ge [sflag:s17], $0x4000  }
0x163: {  	[sflag:s17] =	ssyncset.done $0x0  }
0x164: {  	[sflag:s17] =	ssyncadd.s32 $0xFFFFC000  }
0x165: {  	[tilespmem:s16], [sflag:$0x1] =	stream.indirect.gather [hbm4b:s5+s20], $0x80, s24, s20, $0xb8;
	[tilespmem:$0x1D000] =	vst v63  }
0x166: {  	_ =	swait.ge [sflag:s25], $0x4000  }
0x167: {  	[sflag:s25] =	ssyncset.done $0x0  }
0x168: {  	[sflag:s25] =	ssyncadd.s32 $0xFFFFC000  }
0x169: {  	[spmem:s2] =	stream.indirect.scatter.add.f32 [tilespmem:s22], [sflag:$0x3], $0x80, s26, s20, $0xb8;
	[tilespmem:$0x1D000] =	vst v63  }
0x16a: {  	_ =	swait.ge [sflag:s17], $0x4000  }
0x16b: {  	[sflag:s17] =	ssyncset.done $0x0  }
0x16c: {  	[sflag:s17] =	ssyncadd.s32 $0xFFFFC000  }
0x16d: {  	[tilespmem:s22], [sflag:$0x2] =	stream.indirect.gather [hbm4b:s5+s20], $0x80, s28, s20, $0xb8;
	[tilespmem:$0x1D000] =	vst v63  }
0x16e: {  	_ =	swait.ge [sflag:s23], $0x4000  }
0x16f: {  	[sflag:s23] =	ssyncset.done $0x0  }
0x170: {  	[sflag:s23] =	ssyncadd.s32 $0xFFFFC000  }
0x171: {  	[spmem:s2] =	stream.indirect.scatter.add.f32 [tilespmem:s16], [sflag:$0x3], $0x80, s29, s20, $0xb8;
	[tilespmem:$0x1D000] =	vst v63  }
0x172: {  	_ =	swait.ge [sflag:s17], $0x4000  }
0x173: {  	[sflag:s17] =	ssyncset.done $0x0  }
0x174: {  	[sflag:s17] =	ssyncadd.s32 $0xFFFFC000  }
0x175: {  	[tilespmem:s16], [sflag:$0x1] =	stream.indirect.gather [hbm4b:s5+s20], $0x80, s30, s20, $0xb8;
	[tilespmem:$0x1D000] =	vst v63  }
0x176: {  	_ =	swait.ge [sflag:s25], $0x4000  }
0x177: {  	[sflag:s25] =	ssyncset.done $0x0  }
0x178: {  	[sflag:s25] =	ssyncadd.s32 $0xFFFFC000  }
0x179: {  	[spmem:s2] =	stream.indirect.scatter.add.f32 [tilespmem:s22], [sflag:$0x3], $0x80, s31, s20, $0xb8;
	[tilespmem:$0x1D000] =	vst v63  }
0x17a: {  	_ =	swait.ge [sflag:s17], $0x4000  }
0x17b: {  	[sflag:s17] =	ssyncset.done $0x0  }
0x17c: {  	[sflag:s17] =	ssyncadd.s32 $0xFFFFC000  }
0x17d: {  	[tilespmem:s22], [sflag:$0x2] =	stream.indirect.gather [hbm4b:s5+s20], $0x80, s0, s20, $0xb8;
	[tilespmem:$0x1D000] =	vst v63  }
0x17e: {  	_ =	swait.ge [sflag:s23], $0x4000  }
0x17f: {  	[sflag:s23] =	ssyncset.done $0x0  }
0x180: {  	[sflag:s23] =	ssyncadd.s32 $0xFFFFC000  }
0x181: {  	[spmem:s2] =	stream.indirect.scatter.add.f32 [tilespmem:s16], [sflag:$0x3], $0x80, s1, s20, $0xb8;
	[tilespmem:$0x1D000] =	vst v63  }
0x182: {  	_ =	swait.ge [sflag:s17], $0x4000  }
0x183: {  	[sflag:s17] =	ssyncset.done $0x0  }
0x184: {  	[sflag:s17] =	ssyncadd.s32 $0xFFFFC000  }
0x185: {  	[tilespmem:s16], [sflag:$0x1] =	stream.indirect.gather [hbm4b:s5+s20], $0x80, s6, s20, $0xb8;
	[tilespmem:$0x1D000] =	vst v63  }
0x186: {  	_ =	swait.ge [sflag:s25], $0x4000  }
0x187: {  	[sflag:s25] =	ssyncset.done $0x0  }
0x188: {  	[sflag:s25] =	ssyncadd.s32 $0xFFFFC000  }
0x189: {  	[spmem:s2] =	stream.indirect.scatter.add.f32 [tilespmem:s22], [sflag:$0x3], $0x80, s8, s20, $0xb8;
	[tilespmem:$0x1D000] =	vst v63  }
0x18a: {  	_ =	swait.ge [sflag:s17], $0x4000  }
0x18b: {  	[sflag:s17] =	ssyncset.done $0x0  }
0x18c: {  	[sflag:s17] =	ssyncadd.s32 $0xFFFFC000  }
0x18d: {  	[tilespmem:s22], [sflag:$0x2] =	stream.indirect.gather [hbm4b:s5+s20], $0x80, s9, s20, $0xb8;
	[tilespmem:$0x1D000] =	vst v63  }
0x18e: {  	_ =	swait.ge [sflag:s23], $0x4000  }
0x18f: {  	[sflag:s23] =	ssyncset.done $0x0  }
0x190: {  	[sflag:s23] =	ssyncadd.s32 $0xFFFFC000  }
0x191: {  	[spmem:s2] =	stream.indirect.scatter.add.f32 [tilespmem:s16], [sflag:$0x3], $0x80, s10, s20, $0xb8;
	[tilespmem:$0x1D000] =	vst v63  }
0x192: {  	_ =	swait.ge [sflag:s17], $0x4000  }
0x193: {  	[sflag:s17] =	ssyncset.done $0x0  }
0x194: {  	s7 =	simm.s32 $0x14400;
	[sflag:s17] =	ssyncadd.s32 $0xFFFFC000  }
0x195: {  	[tilespmem:s16], [sflag:$0x1] =	stream.indirect.gather [hbm4b:s5+s20], $0x80, s7, s20, $0xb8;
	[tilespmem:$0x1D000] =	vst v63  }
0x196: {  	_ =	swait.ge [sflag:s25], $0x4000  }
0x197: {  	[sflag:s25] =	ssyncset.done $0x0  }
0x198: {  	s7 =	simm.s32 $0x14B80;
	[sflag:s25] =	ssyncadd.s32 $0xFFFFC000  }
0x199: {  	[spmem:s2] =	stream.indirect.scatter.add.f32 [tilespmem:s22], [sflag:$0x3], $0x80, s7, s20, $0xb8;
	[tilespmem:$0x1D000] =	vst v63  }
0x19a: {  	_ =	swait.ge [sflag:s17], $0x4000  }
0x19b: {  	[sflag:s17] =	ssyncset.done $0x0  }
0x19c: {  	s7 =	simm.s32 $0x14480;
	[sflag:s17] =	ssyncadd.s32 $0xFFFFC000  }
0x19d: {  	[tilespmem:s22], [sflag:$0x2] =	stream.indirect.gather [hbm4b:s5+s20], $0x80, s7, s20, $0xb8;
	[tilespmem:$0x1D000] =	vst v63  }
0x19e: {  	_ =	swait.ge [sflag:s23], $0x4000  }
0x19f: {  	[sflag:s23] =	ssyncset.done $0x0  }
0x1a0: {  	s7 =	simm.s32 $0x14C00;
	[sflag:s23] =	ssyncadd.s32 $0xFFFFC000  }
0x1a1: {  	[spmem:s2] =	stream.indirect.scatter.add.f32 [tilespmem:s16], [sflag:$0x3], $0x80, s7, s20, $0xb8;
	[tilespmem:$0x1D000] =	vst v63  }
0x1a2: {  	_ =	swait.ge [sflag:s17], $0x4000  }
0x1a3: {  	[sflag:s17] =	ssyncset.done $0x0  }
0x1a4: {  	s7 =	simm.s32 $0x14500;
	[sflag:s17] =	ssyncadd.s32 $0xFFFFC000  }
0x1a5: {  	[tilespmem:s16], [sflag:$0x1] =	stream.indirect.gather [hbm4b:s5+s20], $0x80, s7, s20, $0xb8;
	[tilespmem:$0x1D000] =	vst v63  }
0x1a6: {  	_ =	swait.ge [sflag:s25], $0x4000  }
0x1a7: {  	[sflag:s25] =	ssyncset.done $0x0  }
0x1a8: {  	s7 =	simm.s32 $0x14C80;
	[sflag:s25] =	ssyncadd.s32 $0xFFFFC000  }
0x1a9: {  	[spmem:s2] =	stream.indirect.scatter.add.f32 [tilespmem:s22], [sflag:$0x3], $0x80, s7, s20, $0xb8;
	[tilespmem:$0x1D000] =	vst v63  }
0x1aa: {  	_ =	swait.ge [sflag:s17], $0x4000  }
0x1ab: {  	[sflag:s17] =	ssyncset.done $0x0  }
0x1ac: {  	s7 =	simm.s32 $0x14580;
	[sflag:s17] =	ssyncadd.s32 $0xFFFFC000  }
0x1ad: {  	[tilespmem:s22], [sflag:$0x2] =	stream.indirect.gather [hbm4b:s5+s20], $0x80, s7, s20, $0xb8;
	[tilespmem:$0x1D000] =	vst v63  }
0x1ae: {  	_ =	swait.ge [sflag:s23], $0x4000  }
0x1af: {  	[sflag:s23] =	ssyncset.done $0x0  }
0x1b0: {  	s7 =	simm.s32 $0x14D00;
	[sflag:s23] =	ssyncadd.s32 $0xFFFFC000  }
0x1b1: {  	[spmem:s2] =	stream.indirect.scatter.add.f32 [tilespmem:s16], [sflag:$0x3], $0x80, s7, s20, $0xb8;
	[tilespmem:$0x1D000] =	vst v63  }
0x1b2: {  	_ =	swait.ge [sflag:s17], $0x4000  }
0x1b3: {  	[sflag:s17] =	ssyncset.done $0x0  }
0x1b4: {  	s7 =	simm.s32 $0x14600;
	[sflag:s17] =	ssyncadd.s32 $0xFFFFC000  }
0x1b5: {  	[tilespmem:s16], [sflag:$0x1] =	stream.indirect.gather [hbm4b:s5+s20], $0x80, s7, s20, $0xb8;
	[tilespmem:$0x1D000] =	vst v63  }
0x1b6: {  	_ =	swait.ge [sflag:s25], $0x4000  }
0x1b7: {  	[sflag:s25] =	ssyncset.done $0x0  }
0x1b8: {  	s7 =	simm.s32 $0x14D80;
	[sflag:s25] =	ssyncadd.s32 $0xFFFFC000  }
0x1b9: {  	[spmem:s2] =	stream.indirect.scatter.add.f32 [tilespmem:s22], [sflag:$0x3], $0x80, s7, s20, $0xb8;
	[tilespmem:$0x1D000] =	vst v63  }
0x1ba: {  	_ =	swait.ge [sflag:s17], $0x4000  }
0x1bb: {  	[sflag:s17] =	ssyncset.done $0x0  }
0x1bc: {  	s7 =	simm.s32 $0x14680;
	[sflag:s17] =	ssyncadd.s32 $0xFFFFC000  }
0x1bd: {  	[tilespmem:s22], [sflag:$0x2] =	stream.indirect.gather [hbm4b:s5+s20], $0x80, s7, s20, $0xb8;
	[tilespmem:$0x1D000] =	vst v63  }
0x1be: {  	_ =	swait.ge [sflag:s23], $0x4000  }
0x1bf: {  	[sflag:s23] =	ssyncset.done $0x0  }
0x1c0: {  	s7 =	simm.s32 $0x14E00;
	[sflag:s23] =	ssyncadd.s32 $0xFFFFC000  }
0x1c1: {  	[spmem:s2] =	stream.indirect.scatter.add.f32 [tilespmem:s16], [sflag:$0x3], $0x80, s7, s20, $0xb8;
	[tilespmem:$0x1D000] =	vst v63  }
0x1c2: {  	_ =	swait.ge [sflag:s17], $0x4000  }
0x1c3: {  	[sflag:s17] =	ssyncset.done $0x0  }
0x1c4: {  	s7 =	simm.s32 $0x14700;
	[sflag:s17] =	ssyncadd.s32 $0xFFFFC000  }
0x1c5: {  	[tilespmem:s16], [sflag:$0x1] =	stream.indirect.gather [hbm4b:s5+s20], $0x80, s7, s20, $0xb8;
	[tilespmem:$0x1D000] =	vst v63  }
0x1c6: {  	_ =	swait.ge [sflag:s25], $0x4000  }
0x1c7: {  	[sflag:s25] =	ssyncset.done $0x0  }
0x1c8: {  	s7 =	simm.s32 $0x14E80;
	[sflag:s25] =	ssyncadd.s32 $0xFFFFC000  }
0x1c9: {  	[spmem:s2] =	stream.indirect.scatter.add.f32 [tilespmem:s22], [sflag:$0x3], $0x80, s7, s20, $0xb8;
	[tilespmem:$0x1D000] =	vst v63  }
0x1ca: {  	_ =	swait.ge [sflag:s17], $0x4000  }
0x1cb: {  	[sflag:s17] =	ssyncset.done $0x0  }
0x1cc: {  	s7 =	simm.s32 $0x14780;
	[sflag:s17] =	ssyncadd.s32 $0xFFFFC000  }
0x1cd: {  	[tilespmem:s22], [sflag:$0x2] =	stream.indirect.gather [hbm4b:s5+s20], $0x80, s7, s20, $0xb8;
	[tilespmem:$0x1D000] =	vst v63  }
0x1ce: {  	_ =	swait.ge [sflag:s23], $0x4000  }
0x1cf: {  	[sflag:s23] =	ssyncset.done $0x0  }
0x1d0: {  	s7 =	simm.s32 $0x14F00;
	[sflag:s23] =	ssyncadd.s32 $0xFFFFC000  }
0x1d1: {  	[spmem:s2] =	stream.indirect.scatter.add.f32 [tilespmem:s16], [sflag:$0x3], $0x80, s7, s20, $0xb8;
	[tilespmem:$0x1D000] =	vst v63  }
0x1d2: {  	_ =	swait.ge [sflag:s17], $0x4000  }
0x1d3: {  	[sflag:s17] =	ssyncset.done $0x0  }
0x1d4: {  	[sflag:s17] =	ssyncadd.s32 $0xFFFFC000  }
0x1d5: {  	_ =	swait.ge [sflag:s25], $0x4000  }
.Ltmp3:
0x1d6: {  	[sflag:s25] =	ssyncset.done $0x0;
	(pc) =	sbr.rel @p1 .LBB2_6-.Ltmp3, $4  }
0x1d7: {  	s7 =	simm.s32 $0x14F80;
	[sflag:s25] =	ssyncadd.s32 $0xFFFFC000  }
0x1d8: {  	[spmem:s2] =	stream.indirect.scatter.add.f32 [tilespmem:s22], [sflag:$0x3], $0x80, s7, s20, $0xb8;
	[tilespmem:$0x1D000] =	vst v63  }
0x1d9: {  	_ =	swait.ge [sflag:s17], $0x4000  }
0x1da: {  	s13 =	smov.u32 s12;
	[sflag:s17] =	ssyncset.done $0x0  }
.Ltmp4:
0x1db: {  	_ = 	snop;
	(pc) =	sbr.rel .LBB2_7-.Ltmp4, $1  }
0x1dc: {  	_ =	sdelay $0x3  }
.LBB2_2:
0x1dd: {  	s11 =	sadd.s32 $0x0, s15  }
0x1de: {  	[tilespmem:s18], [sflag:$0x3] =	stream.linear.gather [hbm4b:s11+s3], $0x800, $0x38;
	[tilespmem:$0x1D000] =	vst v63  }
0x1df: {  	_ =	swait.ge [sflag:s17], $0x800  }
0x1e0: {  	[sflag:s17] =	ssyncset.done $0x0  }
0x1e1: {  	s12 =	sadd.s32 $0x0, s14;
	[sflag:s17] =	ssyncadd.s32 $0xFFFFF800  }
0x1e2: {  	[tilespmem:s19], [sflag:$0x3] =	stream.linear.gather [hbm4b:s12+s3], $0x800, $0x38;
	[tilespmem:$0x1D000] =	vst v63  }
0x1e3: {  	_ =	swait.ge [sflag:s17], $0x800  }
0x1e4: {  	[sflag:s17] =	ssyncset.done $0x0  }
0x1e5: {  	[sflag:s17] =	ssyncadd.s32 $0xFFFFF800  }
0x1e6: {  	[tilespmem:s16], [sflag:$0x1] =	stream.indirect.gather [hbm4b:s4+s20], $0x80, s18, s20, $0xb8;
	[tilespmem:$0x1D000] =	vst v63  }
0x1e7: {  	_ = 	snop  }
0x1e8: {  	[tilespmem:s22], [sflag:$0x2] =	stream.indirect.gather [hbm4b:s4+s20], $0x80, s21, s20, $0xb8;
	[tilespmem:$0x1D000] =	vst v63  }
0x1e9: {  	_ =	swait.ge [sflag:s23], $0x4000  }
0x1ea: {  	[sflag:s23] =	ssyncset.done $0x0  }
0x1eb: {  	[sflag:s23] =	ssyncadd.s32 $0xFFFFC000  }
0x1ec: {  	[spmem:s2] =	stream.indirect.scatter.add.f32 [tilespmem:s16], [sflag:$0x3], $0x80, s19, s20, $0xb8;
	[tilespmem:$0x1D000] =	vst v63  }
0x1ed: {  	_ =	swait.ge [sflag:s17], $0x4000  }
0x1ee: {  	[sflag:s17] =	ssyncset.done $0x0  }
0x1ef: {  	[sflag:s17] =	ssyncadd.s32 $0xFFFFC000  }
0x1f0: {  	[tilespmem:s16], [sflag:$0x1] =	stream.indirect.gather [hbm4b:s4+s20], $0x80, s13, s20, $0xb8;
	[tilespmem:$0x1D000] =	vst v63  }
0x1f1: {  	_ =	swait.ge [sflag:s25], $0x4000  }
0x1f2: {  	[sflag:s25] =	ssyncset.done $0x0  }
0x1f3: {  	[sflag:s25] =	ssyncadd.s32 $0xFFFFC000  }
0x1f4: {  	[spmem:s2] =	stream.indirect.scatter.add.f32 [tilespmem:s22], [sflag:$0x3], $0x80, s24, s20, $0xb8;
	[tilespmem:$0x1D000] =	vst v63  }
0x1f5: {  	_ =	swait.ge [sflag:s17], $0x4000  }
0x1f6: {  	[sflag:s17] =	ssyncset.done $0x0  }
0x1f7: {  	[sflag:s17] =	ssyncadd.s32 $0xFFFFC000  }
0x1f8: {  	[tilespmem:s22], [sflag:$0x2] =	stream.indirect.gather [hbm4b:s4+s20], $0x80, s26, s20, $0xb8;
	[tilespmem:$0x1D000] =	vst v63  }
0x1f9: {  	_ =	swait.ge [sflag:s23], $0x4000  }
0x1fa: {  	[sflag:s23] =	ssyncset.done $0x0  }
0x1fb: {  	[sflag:s23] =	ssyncadd.s32 $0xFFFFC000  }
0x1fc: {  	[spmem:s2] =	stream.indirect.scatter.add.f32 [tilespmem:s16], [sflag:$0x3], $0x80, s28, s20, $0xb8;
	[tilespmem:$0x1D000] =	vst v63  }
0x1fd: {  	_ =	swait.ge [sflag:s17], $0x4000  }
0x1fe: {  	[sflag:s17] =	ssyncset.done $0x0  }
0x1ff: {  	[sflag:s17] =	ssyncadd.s32 $0xFFFFC000  }
0x200: {  	[tilespmem:s16], [sflag:$0x1] =	stream.indirect.gather [hbm4b:s4+s20], $0x80, s29, s20, $0xb8;
	[tilespmem:$0x1D000] =	vst v63  }
0x201: {  	_ =	swait.ge [sflag:s25], $0x4000  }
0x202: {  	[sflag:s25] =	ssyncset.done $0x0  }
0x203: {  	[sflag:s25] =	ssyncadd.s32 $0xFFFFC000  }
0x204: {  	[spmem:s2] =	stream.indirect.scatter.add.f32 [tilespmem:s22], [sflag:$0x3], $0x80, s30, s20, $0xb8;
	[tilespmem:$0x1D000] =	vst v63  }
0x205: {  	_ =	swait.ge [sflag:s17], $0x4000  }
0x206: {  	[sflag:s17] =	ssyncset.done $0x0  }
0x207: {  	[sflag:s17] =	ssyncadd.s32 $0xFFFFC000  }
0x208: {  	[tilespmem:s22], [sflag:$0x2] =	stream.indirect.gather [hbm4b:s4+s20], $0x80, s0, s20, $0xb8;
	[tilespmem:$0x1D000] =	vst v63  }
0x209: {  	_ =	swait.ge [sflag:s23], $0x4000  }
0x20a: {  	[sflag:s23] =	ssyncset.done $0x0  }
0x20b: {  	[sflag:s23] =	ssyncadd.s32 $0xFFFFC000  }
0x20c: {  	[spmem:s2] =	stream.indirect.scatter.add.f32 [tilespmem:s16], [sflag:$0x3], $0x80, s1, s20, $0xb8;
	[tilespmem:$0x1D000] =	vst v63  }
0x20d: {  	_ =	swait.ge [sflag:s17], $0x4000  }
0x20e: {  	[sflag:s17] =	ssyncset.done $0x0  }
0x20f: {  	[sflag:s17] =	ssyncadd.s32 $0xFFFFC000  }
0x210: {  	[tilespmem:s16], [sflag:$0x1] =	stream.indirect.gather [hbm4b:s4+s20], $0x80, s6, s20, $0xb8;
	[tilespmem:$0x1D000] =	vst v63  }
0x211: {  	_ =	swait.ge [sflag:s25], $0x4000  }
0x212: {  	[sflag:s25] =	ssyncset.done $0x0  }
0x213: {  	[sflag:s25] =	ssyncadd.s32 $0xFFFFC000  }
0x214: {  	[spmem:s2] =	stream.indirect.scatter.add.f32 [tilespmem:s22], [sflag:$0x3], $0x80, s8, s20, $0xb8;
	[tilespmem:$0x1D000] =	vst v63  }
0x215: {  	_ =	swait.ge [sflag:s17], $0x4000  }
0x216: {  	[sflag:s17] =	ssyncset.done $0x0  }
0x217: {  	[sflag:s17] =	ssyncadd.s32 $0xFFFFC000  }
0x218: {  	[tilespmem:s22], [sflag:$0x2] =	stream.indirect.gather [hbm4b:s4+s20], $0x80, s9, s20, $0xb8;
	[tilespmem:$0x1D000] =	vst v63  }
0x219: {  	_ =	swait.ge [sflag:s23], $0x4000  }
0x21a: {  	[sflag:s23] =	ssyncset.done $0x0  }
0x21b: {  	[sflag:s23] =	ssyncadd.s32 $0xFFFFC000  }
0x21c: {  	[spmem:s2] =	stream.indirect.scatter.add.f32 [tilespmem:s16], [sflag:$0x3], $0x80, s10, s20, $0xb8;
	[tilespmem:$0x1D000] =	vst v63  }
0x21d: {  	_ =	swait.ge [sflag:s17], $0x4000  }
0x21e: {  	[sflag:s17] =	ssyncset.done $0x0  }
0x21f: {  	s13 =	simm.s32 $0x14400;
	[sflag:s17] =	ssyncadd.s32 $0xFFFFC000  }
0x220: {  	[tilespmem:s16], [sflag:$0x1] =	stream.indirect.gather [hbm4b:s4+s20], $0x80, s13, s20, $0xb8;
	[tilespmem:$0x1D000] =	vst v63  }
0x221: {  	_ =	swait.ge [sflag:s25], $0x4000  }
0x222: {  	[sflag:s25] =	ssyncset.done $0x0  }
0x223: {  	s7 =	simm.s32 $0x14B80;
	[sflag:s25] =	ssyncadd.s32 $0xFFFFC000  }
0x224: {  	[spmem:s2] =	stream.indirect.scatter.add.f32 [tilespmem:s22], [sflag:$0x3], $0x80, s7, s20, $0xb8;
	[tilespmem:$0x1D000] =	vst v63  }
0x225: {  	_ =	swait.ge [sflag:s17], $0x4000  }
0x226: {  	[sflag:s17] =	ssyncset.done $0x0  }
0x227: {  	s21 =	simm.s32 $0x14480;
	[sflag:s17] =	ssyncadd.s32 $0xFFFFC000  }
0x228: {  	[tilespmem:s22], [sflag:$0x2] =	stream.indirect.gather [hbm4b:s4+s20], $0x80, s21, s20, $0xb8;
	[tilespmem:$0x1D000] =	vst v63  }
0x229: {  	_ =	swait.ge [sflag:s23], $0x4000  }
0x22a: {  	[sflag:s23] =	ssyncset.done $0x0  }
0x22b: {  	s24 =	simm.s32 $0x14C00;
	[sflag:s23] =	ssyncadd.s32 $0xFFFFC000  }
0x22c: {  	[spmem:s2] =	stream.indirect.scatter.add.f32 [tilespmem:s16], [sflag:$0x3], $0x80, s24, s20, $0xb8;
	[tilespmem:$0x1D000] =	vst v63  }
0x22d: {  	_ =	swait.ge [sflag:s17], $0x4000  }
0x22e: {  	[sflag:s17] =	ssyncset.done $0x0  }
0x22f: {  	s26 =	simm.s32 $0x14500;
	[sflag:s17] =	ssyncadd.s32 $0xFFFFC000  }
0x230: {  	[tilespmem:s16], [sflag:$0x1] =	stream.indirect.gather [hbm4b:s4+s20], $0x80, s26, s20, $0xb8;
	[tilespmem:$0x1D000] =	vst v63  }
0x231: {  	_ =	swait.ge [sflag:s25], $0x4000  }
0x232: {  	[sflag:s25] =	ssyncset.done $0x0  }
0x233: {  	s1 =	simm.s32 $0x14C80;
	[sflag:s25] =	ssyncadd.s32 $0xFFFFC000  }
0x234: {  	[spmem:s2] =	stream.indirect.scatter.add.f32 [tilespmem:s22], [sflag:$0x3], $0x80, s1, s20, $0xb8;
	[tilespmem:$0x1D000] =	vst v63  }
0x235: {  	_ =	swait.ge [sflag:s17], $0x4000  }
0x236: {  	[sflag:s17] =	ssyncset.done $0x0  }
0x237: {  	s6 =	simm.s32 $0x14580;
	[sflag:s17] =	ssyncadd.s32 $0xFFFFC000  }
0x238: {  	[tilespmem:s22], [sflag:$0x2] =	stream.indirect.gather [hbm4b:s4+s20], $0x80, s6, s20, $0xb8;
	[tilespmem:$0x1D000] =	vst v63  }
0x239: {  	_ =	swait.ge [sflag:s23], $0x4000  }
0x23a: {  	[sflag:s23] =	ssyncset.done $0x0  }
0x23b: {  	s7 =	simm.s32 $0x14D00;
	[sflag:s23] =	ssyncadd.s32 $0xFFFFC000  }
0x23c: {  	[spmem:s2] =	stream.indirect.scatter.add.f32 [tilespmem:s16], [sflag:$0x3], $0x80, s7, s20, $0xb8;
	[tilespmem:$0x1D000] =	vst v63  }
0x23d: {  	_ =	swait.ge [sflag:s17], $0x4000  }
0x23e: {  	[sflag:s17] =	ssyncset.done $0x0  }
0x23f: {  	s8 =	simm.s32 $0x14600;
	[sflag:s17] =	ssyncadd.s32 $0xFFFFC000  }
0x240: {  	[tilespmem:s16], [sflag:$0x1] =	stream.indirect.gather [hbm4b:s4+s20], $0x80, s8, s20, $0xb8;
	[tilespmem:$0x1D000] =	vst v63  }
0x241: {  	_ =	swait.ge [sflag:s25], $0x4000  }
0x242: {  	[sflag:s25] =	ssyncset.done $0x0  }
0x243: {  	s9 =	simm.s32 $0x14D80;
	[sflag:s25] =	ssyncadd.s32 $0xFFFFC000  }
0x244: {  	[spmem:s2] =	stream.indirect.scatter.add.f32 [tilespmem:s22], [sflag:$0x3], $0x80, s9, s20, $0xb8;
	[tilespmem:$0x1D000] =	vst v63  }
0x245: {  	_ =	swait.ge [sflag:s17], $0x4000  }
0x246: {  	[sflag:s17] =	ssyncset.done $0x0  }
0x247: {  	s10 =	simm.s32 $0x14680;
	[sflag:s17] =	ssyncadd.s32 $0xFFFFC000  }
0x248: {  	[tilespmem:s22], [sflag:$0x2] =	stream.indirect.gather [hbm4b:s4+s20], $0x80, s10, s20, $0xb8;
	[tilespmem:$0x1D000] =	vst v63  }
0x249: {  	_ =	swait.ge [sflag:s23], $0x4000  }
0x24a: {  	[sflag:s23] =	ssyncset.done $0x0  }
0x24b: {  	s11 =	simm.s32 $0x14E00;
	[sflag:s23] =	ssyncadd.s32 $0xFFFFC000  }
0x24c: {  	[spmem:s2] =	stream.indirect.scatter.add.f32 [tilespmem:s16], [sflag:$0x3], $0x80, s11, s20, $0xb8;
	[tilespmem:$0x1D000] =	vst v63  }
0x24d: {  	_ =	swait.ge [sflag:s17], $0x4000  }
0x24e: {  	[sflag:s17] =	ssyncset.done $0x0  }
0x24f: {  	s12 =	simm.s32 $0x14700;
	[sflag:s17] =	ssyncadd.s32 $0xFFFFC000  }
0x250: {  	[tilespmem:s16], [sflag:$0x1] =	stream.indirect.gather [hbm4b:s4+s20], $0x80, s12, s20, $0xb8;
	[tilespmem:$0x1D000] =	vst v63  }
0x251: {  	_ =	swait.ge [sflag:s25], $0x4000  }
0x252: {  	[sflag:s25] =	ssyncset.done $0x0  }
0x253: {  	s13 =	simm.s32 $0x14E80;
	[sflag:s25] =	ssyncadd.s32 $0xFFFFC000  }
0x254: {  	[spmem:s2] =	stream.indirect.scatter.add.f32 [tilespmem:s22], [sflag:$0x3], $0x80, s13, s20, $0xb8;
	[tilespmem:$0x1D000] =	vst v63  }
0x255: {  	_ =	swait.ge [sflag:s17], $0x4000  }
0x256: {  	[sflag:s17] =	ssyncset.done $0x0  }
0x257: {  	s21 =	simm.s32 $0x14780;
	[sflag:s17] =	ssyncadd.s32 $0xFFFFC000  }
0x258: {  	[tilespmem:s22], [sflag:$0x2] =	stream.indirect.gather [hbm4b:s4+s20], $0x80, s21, s20, $0xb8;
	[tilespmem:$0x1D000] =	vst v63  }
0x259: {  	_ =	swait.ge [sflag:s23], $0x4000  }
0x25a: {  	[sflag:s23] =	ssyncset.done $0x0  }
0x25b: {  	s24 =	simm.s32 $0x14F00;
	[sflag:s23] =	ssyncadd.s32 $0xFFFFC000  }
0x25c: {  	[spmem:s2] =	stream.indirect.scatter.add.f32 [tilespmem:s16], [sflag:$0x3], $0x80, s24, s20, $0xb8;
	[tilespmem:$0x1D000] =	vst v63  }
0x25d: {  	s31 =	simm.s32 $0x14980;
	_ =	swait.ge [sflag:s17], $0x4000  }
0x25e: {  	s28 =	simm.s32 $0x14180;
	s29 =	simm.s32 $0x14900;
	[sflag:s17] =	ssyncset.done $0x0  }
0x25f: {  	s30 =	simm.s32 $0x14200;
	s0 =	simm.s32 $0x14280;
	[sflag:s17] =	ssyncadd.s32 $0xFFFFC000  }
0x260: {  	s26 =	simm.s32 $0x14F80;
	s1 =	simm.s32 $0x14A00;
	_ =	swait.ge [sflag:s25], $0x4000  }
0x261: {  	s6 =	simm.s32 $0x14300;
	s8 =	simm.s32 $0x14A80;
	[sflag:s25] =	ssyncset.done $0x0  }
0x262: {  	s9 =	simm.s32 $0x14380;
	s10 =	simm.s32 $0x14B00;
	[sflag:s25] =	ssyncadd.s32 $0xFFFFC000  }
0x263: {  	[spmem:s2] =	stream.indirect.scatter.add.f32 [tilespmem:s22], [sflag:$0x3], $0x80, s26, s20, $0xb8;
	[tilespmem:$0x1D000] =	vst v63  }
0x264: {  	s11 =	simm.s32 $0x100;
	s12 =	simm.s32 $0x200;
	_ =	swait.ge [sflag:s17], $0x4000  }
0x265: {  	s24 =	simm.s32 $0x14100;
	s26 =	simm.s32 $0x14880;
	[sflag:s17] =	ssyncset.done $0x0  }
.LBB2_3:
0x266: {  	s7 =	sadd.s32 s11, s15  }
0x267: {  	[sflag:s17] =	ssyncadd.s32 $0xFFFFC000;
	s21 =	smov.u32 s12;
	s13 =	sadd.s32 $0x100, s12  }
0x268: {  	[tilespmem:s18], [sflag:$0x3] =	stream.linear.gather [hbm4b:s7+s3], $0x800, $0x38;
	[tilespmem:$0x1D000] =	vst v63  }
0x269: {  	p1 =	seq.s32 s12, $0x900;
	_ =	swait.ge [sflag:s17], $0x800  }
0x26a: {  	s7 =	sadd.s32 s11, s14;
	[sflag:s17] =	ssyncset.done $0x0  }
0x26b: {  	s11 =	smov.u32 s21;
	s21 =	simm.s32 $0x14080;
	[sflag:s17] =	ssyncadd.s32 $0xFFFFF800  }
0x26c: {  	[tilespmem:s19], [sflag:$0x3] =	stream.linear.gather [hbm4b:s7+s3], $0x800, $0x38;
	[tilespmem:$0x1D000] =	vst v63  }
0x26d: {  	_ =	swait.ge [sflag:s17], $0x800  }
0x26e: {  	[sflag:s17] =	ssyncset.done $0x0  }
0x26f: {  	[sflag:s17] =	ssyncadd.s32 $0xFFFFF800  }
0x270: {  	[tilespmem:s16], [sflag:$0x1] =	stream.indirect.gather [hbm4b:s4+s20], $0x80, s18, s20, $0xb8;
	[tilespmem:$0x1D000] =	vst v63  }
0x271: {  	_ = 	snop  }
0x272: {  	[tilespmem:s22], [sflag:$0x2] =	stream.indirect.gather [hbm4b:s4+s20], $0x80, s21, s20, $0xb8;
	[tilespmem:$0x1D000] =	vst v63  }
0x273: {  	_ =	swait.ge [sflag:s23], $0x4000  }
0x274: {  	[sflag:s23] =	ssyncset.done $0x0  }
0x275: {  	[sflag:s23] =	ssyncadd.s32 $0xFFFFC000  }
0x276: {  	[spmem:s2] =	stream.indirect.scatter.add.f32 [tilespmem:s16], [sflag:$0x3], $0x80, s19, s20, $0xb8;
	[tilespmem:$0x1D000] =	vst v63  }
0x277: {  	_ =	swait.ge [sflag:s17], $0x4000  }
0x278: {  	[sflag:s17] =	ssyncset.done $0x0  }
0x279: {  	[sflag:s17] =	ssyncadd.s32 $0xFFFFC000  }
0x27a: {  	[tilespmem:s16], [sflag:$0x1] =	stream.indirect.gather [hbm4b:s4+s20], $0x80, s24, s20, $0xb8;
	[tilespmem:$0x1D000] =	vst v63  }
0x27b: {  	_ =	swait.ge [sflag:s25], $0x4000  }
0x27c: {  	[sflag:s25] =	ssyncset.done $0x0  }
0x27d: {  	[sflag:s25] =	ssyncadd.s32 $0xFFFFC000  }
0x27e: {  	[spmem:s2] =	stream.indirect.scatter.add.f32 [tilespmem:s22], [sflag:$0x3], $0x80, s26, s20, $0xb8;
	[tilespmem:$0x1D000] =	vst v63  }
0x27f: {  	_ =	swait.ge [sflag:s17], $0x4000  }
0x280: {  	[sflag:s17] =	ssyncset.done $0x0  }
0x281: {  	[sflag:s17] =	ssyncadd.s32 $0xFFFFC000  }
0x282: {  	[tilespmem:s22], [sflag:$0x2] =	stream.indirect.gather [hbm4b:s4+s20], $0x80, s28, s20, $0xb8;
	[tilespmem:$0x1D000] =	vst v63  }
0x283: {  	_ =	swait.ge [sflag:s23], $0x4000  }
0x284: {  	[sflag:s23] =	ssyncset.done $0x0  }
0x285: {  	[sflag:s23] =	ssyncadd.s32 $0xFFFFC000  }
0x286: {  	[spmem:s2] =	stream.indirect.scatter.add.f32 [tilespmem:s16], [sflag:$0x3], $0x80, s29, s20, $0xb8;
	[tilespmem:$0x1D000] =	vst v63  }
0x287: {  	_ =	swait.ge [sflag:s17], $0x4000  }
0x288: {  	[sflag:s17] =	ssyncset.done $0x0  }
0x289: {  	[sflag:s17] =	ssyncadd.s32 $0xFFFFC000  }
0x28a: {  	[tilespmem:s16], [sflag:$0x1] =	stream.indirect.gather [hbm4b:s4+s20], $0x80, s30, s20, $0xb8;
	[tilespmem:$0x1D000] =	vst v63  }
0x28b: {  	_ =	swait.ge [sflag:s25], $0x4000  }
0x28c: {  	[sflag:s25] =	ssyncset.done $0x0  }
0x28d: {  	[sflag:s25] =	ssyncadd.s32 $0xFFFFC000  }
0x28e: {  	[spmem:s2] =	stream.indirect.scatter.add.f32 [tilespmem:s22], [sflag:$0x3], $0x80, s31, s20, $0xb8;
	[tilespmem:$0x1D000] =	vst v63  }
0x28f: {  	_ =	swait.ge [sflag:s17], $0x4000  }
0x290: {  	[sflag:s17] =	ssyncset.done $0x0  }
0x291: {  	[sflag:s17] =	ssyncadd.s32 $0xFFFFC000  }
0x292: {  	[tilespmem:s22], [sflag:$0x2] =	stream.indirect.gather [hbm4b:s4+s20], $0x80, s0, s20, $0xb8;
	[tilespmem:$0x1D000] =	vst v63  }
0x293: {  	_ =	swait.ge [sflag:s23], $0x4000  }
0x294: {  	[sflag:s23] =	ssyncset.done $0x0  }
0x295: {  	[sflag:s23] =	ssyncadd.s32 $0xFFFFC000  }
0x296: {  	[spmem:s2] =	stream.indirect.scatter.add.f32 [tilespmem:s16], [sflag:$0x3], $0x80, s1, s20, $0xb8;
	[tilespmem:$0x1D000] =	vst v63  }
0x297: {  	_ =	swait.ge [sflag:s17], $0x4000  }
0x298: {  	[sflag:s17] =	ssyncset.done $0x0  }
0x299: {  	[sflag:s17] =	ssyncadd.s32 $0xFFFFC000  }
0x29a: {  	[tilespmem:s16], [sflag:$0x1] =	stream.indirect.gather [hbm4b:s4+s20], $0x80, s6, s20, $0xb8;
	[tilespmem:$0x1D000] =	vst v63  }
0x29b: {  	_ =	swait.ge [sflag:s25], $0x4000  }
0x29c: {  	[sflag:s25] =	ssyncset.done $0x0  }
0x29d: {  	[sflag:s25] =	ssyncadd.s32 $0xFFFFC000  }
0x29e: {  	[spmem:s2] =	stream.indirect.scatter.add.f32 [tilespmem:s22], [sflag:$0x3], $0x80, s8, s20, $0xb8;
	[tilespmem:$0x1D000] =	vst v63  }
0x29f: {  	_ =	swait.ge [sflag:s17], $0x4000  }
0x2a0: {  	[sflag:s17] =	ssyncset.done $0x0  }
0x2a1: {  	[sflag:s17] =	ssyncadd.s32 $0xFFFFC000  }
0x2a2: {  	[tilespmem:s22], [sflag:$0x2] =	stream.indirect.gather [hbm4b:s4+s20], $0x80, s9, s20, $0xb8;
	[tilespmem:$0x1D000] =	vst v63  }
0x2a3: {  	_ =	swait.ge [sflag:s23], $0x4000  }
0x2a4: {  	[sflag:s23] =	ssyncset.done $0x0  }
0x2a5: {  	[sflag:s23] =	ssyncadd.s32 $0xFFFFC000  }
0x2a6: {  	[spmem:s2] =	stream.indirect.scatter.add.f32 [tilespmem:s16], [sflag:$0x3], $0x80, s10, s20, $0xb8;
	[tilespmem:$0x1D000] =	vst v63  }
0x2a7: {  	_ =	swait.ge [sflag:s17], $0x4000  }
0x2a8: {  	[sflag:s17] =	ssyncset.done $0x0  }
0x2a9: {  	s7 =	simm.s32 $0x14400;
	[sflag:s17] =	ssyncadd.s32 $0xFFFFC000  }
0x2aa: {  	[tilespmem:s16], [sflag:$0x1] =	stream.indirect.gather [hbm4b:s4+s20], $0x80, s7, s20, $0xb8;
	[tilespmem:$0x1D000] =	vst v63  }
0x2ab: {  	_ =	swait.ge [sflag:s25], $0x4000  }
0x2ac: {  	[sflag:s25] =	ssyncset.done $0x0  }
0x2ad: {  	s7 =	simm.s32 $0x14B80;
	[sflag:s25] =	ssyncadd.s32 $0xFFFFC000  }
0x2ae: {  	[spmem:s2] =	stream.indirect.scatter.add.f32 [tilespmem:s22], [sflag:$0x3], $0x80, s7, s20, $0xb8;
	[tilespmem:$0x1D000] =	vst v63  }
0x2af: {  	_ =	swait.ge [sflag:s17], $0x4000  }
0x2b0: {  	[sflag:s17] =	ssyncset.done $0x0  }
0x2b1: {  	s7 =	simm.s32 $0x14480;
	[sflag:s17] =	ssyncadd.s32 $0xFFFFC000  }
0x2b2: {  	[tilespmem:s22], [sflag:$0x2] =	stream.indirect.gather [hbm4b:s4+s20], $0x80, s7, s20, $0xb8;
	[tilespmem:$0x1D000] =	vst v63  }
0x2b3: {  	_ =	swait.ge [sflag:s23], $0x4000  }
0x2b4: {  	[sflag:s23] =	ssyncset.done $0x0  }
0x2b5: {  	s7 =	simm.s32 $0x14C00;
	[sflag:s23] =	ssyncadd.s32 $0xFFFFC000  }
0x2b6: {  	[spmem:s2] =	stream.indirect.scatter.add.f32 [tilespmem:s16], [sflag:$0x3], $0x80, s7, s20, $0xb8;
	[tilespmem:$0x1D000] =	vst v63  }
0x2b7: {  	_ =	swait.ge [sflag:s17], $0x4000  }
0x2b8: {  	[sflag:s17] =	ssyncset.done $0x0  }
0x2b9: {  	s7 =	simm.s32 $0x14500;
	[sflag:s17] =	ssyncadd.s32 $0xFFFFC000  }
0x2ba: {  	[tilespmem:s16], [sflag:$0x1] =	stream.indirect.gather [hbm4b:s4+s20], $0x80, s7, s20, $0xb8;
	[tilespmem:$0x1D000] =	vst v63  }
0x2bb: {  	_ =	swait.ge [sflag:s25], $0x4000  }
0x2bc: {  	[sflag:s25] =	ssyncset.done $0x0  }
0x2bd: {  	s7 =	simm.s32 $0x14C80;
	[sflag:s25] =	ssyncadd.s32 $0xFFFFC000  }
0x2be: {  	[spmem:s2] =	stream.indirect.scatter.add.f32 [tilespmem:s22], [sflag:$0x3], $0x80, s7, s20, $0xb8;
	[tilespmem:$0x1D000] =	vst v63  }
0x2bf: {  	_ =	swait.ge [sflag:s17], $0x4000  }
0x2c0: {  	[sflag:s17] =	ssyncset.done $0x0  }
0x2c1: {  	s7 =	simm.s32 $0x14580;
	[sflag:s17] =	ssyncadd.s32 $0xFFFFC000  }
0x2c2: {  	[tilespmem:s22], [sflag:$0x2] =	stream.indirect.gather [hbm4b:s4+s20], $0x80, s7, s20, $0xb8;
	[tilespmem:$0x1D000] =	vst v63  }
0x2c3: {  	_ =	swait.ge [sflag:s23], $0x4000  }
0x2c4: {  	[sflag:s23] =	ssyncset.done $0x0  }
0x2c5: {  	s7 =	simm.s32 $0x14D00;
	[sflag:s23] =	ssyncadd.s32 $0xFFFFC000  }
0x2c6: {  	[spmem:s2] =	stream.indirect.scatter.add.f32 [tilespmem:s16], [sflag:$0x3], $0x80, s7, s20, $0xb8;
	[tilespmem:$0x1D000] =	vst v63  }
0x2c7: {  	_ =	swait.ge [sflag:s17], $0x4000  }
0x2c8: {  	[sflag:s17] =	ssyncset.done $0x0  }
0x2c9: {  	s7 =	simm.s32 $0x14600;
	[sflag:s17] =	ssyncadd.s32 $0xFFFFC000  }
0x2ca: {  	[tilespmem:s16], [sflag:$0x1] =	stream.indirect.gather [hbm4b:s4+s20], $0x80, s7, s20, $0xb8;
	[tilespmem:$0x1D000] =	vst v63  }
0x2cb: {  	_ =	swait.ge [sflag:s25], $0x4000  }
0x2cc: {  	[sflag:s25] =	ssyncset.done $0x0  }
0x2cd: {  	s7 =	simm.s32 $0x14D80;
	[sflag:s25] =	ssyncadd.s32 $0xFFFFC000  }
0x2ce: {  	[spmem:s2] =	stream.indirect.scatter.add.f32 [tilespmem:s22], [sflag:$0x3], $0x80, s7, s20, $0xb8;
	[tilespmem:$0x1D000] =	vst v63  }
0x2cf: {  	_ =	swait.ge [sflag:s17], $0x4000  }
0x2d0: {  	[sflag:s17] =	ssyncset.done $0x0  }
0x2d1: {  	s7 =	simm.s32 $0x14680;
	[sflag:s17] =	ssyncadd.s32 $0xFFFFC000  }
0x2d2: {  	[tilespmem:s22], [sflag:$0x2] =	stream.indirect.gather [hbm4b:s4+s20], $0x80, s7, s20, $0xb8;
	[tilespmem:$0x1D000] =	vst v63  }
0x2d3: {  	_ =	swait.ge [sflag:s23], $0x4000  }
0x2d4: {  	[sflag:s23] =	ssyncset.done $0x0  }
0x2d5: {  	s7 =	simm.s32 $0x14E00;
	[sflag:s23] =	ssyncadd.s32 $0xFFFFC000  }
0x2d6: {  	[spmem:s2] =	stream.indirect.scatter.add.f32 [tilespmem:s16], [sflag:$0x3], $0x80, s7, s20, $0xb8;
	[tilespmem:$0x1D000] =	vst v63  }
0x2d7: {  	_ =	swait.ge [sflag:s17], $0x4000  }
0x2d8: {  	[sflag:s17] =	ssyncset.done $0x0  }
0x2d9: {  	s7 =	simm.s32 $0x14700;
	[sflag:s17] =	ssyncadd.s32 $0xFFFFC000  }
0x2da: {  	[tilespmem:s16], [sflag:$0x1] =	stream.indirect.gather [hbm4b:s4+s20], $0x80, s7, s20, $0xb8;
	[tilespmem:$0x1D000] =	vst v63  }
0x2db: {  	_ =	swait.ge [sflag:s25], $0x4000  }
0x2dc: {  	[sflag:s25] =	ssyncset.done $0x0  }
0x2dd: {  	s7 =	simm.s32 $0x14E80;
	[sflag:s25] =	ssyncadd.s32 $0xFFFFC000  }
0x2de: {  	[spmem:s2] =	stream.indirect.scatter.add.f32 [tilespmem:s22], [sflag:$0x3], $0x80, s7, s20, $0xb8;
	[tilespmem:$0x1D000] =	vst v63  }
0x2df: {  	_ =	swait.ge [sflag:s17], $0x4000  }
0x2e0: {  	[sflag:s17] =	ssyncset.done $0x0  }
0x2e1: {  	s7 =	simm.s32 $0x14780;
	[sflag:s17] =	ssyncadd.s32 $0xFFFFC000  }
0x2e2: {  	[tilespmem:s22], [sflag:$0x2] =	stream.indirect.gather [hbm4b:s4+s20], $0x80, s7, s20, $0xb8;
	[tilespmem:$0x1D000] =	vst v63  }
0x2e3: {  	_ =	swait.ge [sflag:s23], $0x4000  }
0x2e4: {  	[sflag:s23] =	ssyncset.done $0x0  }
0x2e5: {  	s7 =	simm.s32 $0x14F00;
	[sflag:s23] =	ssyncadd.s32 $0xFFFFC000  }
0x2e6: {  	[spmem:s2] =	stream.indirect.scatter.add.f32 [tilespmem:s16], [sflag:$0x3], $0x80, s7, s20, $0xb8;
	[tilespmem:$0x1D000] =	vst v63  }
0x2e7: {  	_ =	swait.ge [sflag:s17], $0x4000  }
0x2e8: {  	[sflag:s17] =	ssyncset.done $0x0  }
0x2e9: {  	[sflag:s17] =	ssyncadd.s32 $0xFFFFC000  }
0x2ea: {  	_ =	swait.ge [sflag:s25], $0x4000  }
.Ltmp5:
0x2eb: {  	[sflag:s25] =	ssyncset.done $0x0;
	(pc) =	sbr.rel @!p1 .LBB2_3-.Ltmp5, $4  }
0x2ec: {  	s7 =	simm.s32 $0x14F80;
	[sflag:s25] =	ssyncadd.s32 $0xFFFFC000  }
0x2ed: {  	[spmem:s2] =	stream.indirect.scatter.add.f32 [tilespmem:s22], [sflag:$0x3], $0x80, s7, s20, $0xb8;
	[tilespmem:$0x1D000] =	vst v63  }
0x2ee: {  	_ =	swait.ge [sflag:s17], $0x4000  }
0x2ef: {  	s12 =	smov.u32 s13;
	[sflag:s17] =	ssyncset.done $0x0  }
0x2f0: {  	s7 =	sadd.s32 s11, s15;
	[sflag:s17] =	ssyncadd.s32 $0xFFFFC000  }
0x2f1: {  	[tilespmem:s18], [sflag:$0x3] =	stream.linear.gather [hbm4b:s7+s3], $0x800, $0x38;
	[tilespmem:$0x1D000] =	vst v63  }
0x2f2: {  	_ =	swait.ge [sflag:s17], $0x800  }
0x2f3: {  	[sflag:s17] =	ssyncset.done $0x0  }
0x2f4: {  	s13 =	sadd.s32 s11, s14;
	[sflag:s17] =	ssyncadd.s32 $0xFFFFF800  }
0x2f5: {  	[tilespmem:s19], [sflag:$0x3] =	stream.linear.gather [hbm4b:s13+s3], $0x800, $0x38;
	[tilespmem:$0x1D000] =	vst v63  }
0x2f6: {  	_ =	swait.ge [sflag:s17], $0x800  }
0x2f7: {  	[sflag:s17] =	ssyncset.done $0x0  }
0x2f8: {  	[sflag:s17] =	ssyncadd.s32 $0xFFFFF800  }
0x2f9: {  	[tilespmem:s16], [sflag:$0x1] =	stream.indirect.gather [hbm4b:s4+s20], $0x80, s18, s20, $0xb8;
	[tilespmem:$0x1D000] =	vst v63  }
0x2fa: {  	_ = 	snop  }
0x2fb: {  	[tilespmem:s22], [sflag:$0x2] =	stream.indirect.gather [hbm4b:s4+s20], $0x80, s21, s20, $0xb8;
	[tilespmem:$0x1D000] =	vst v63  }
0x2fc: {  	_ =	swait.ge [sflag:s23], $0x4000  }
0x2fd: {  	[sflag:s23] =	ssyncset.done $0x0  }
0x2fe: {  	[sflag:s23] =	ssyncadd.s32 $0xFFFFC000  }
0x2ff: {  	[spmem:s2] =	stream.indirect.scatter.add.f32 [tilespmem:s16], [sflag:$0x3], $0x80, s19, s20, $0xb8;
	[tilespmem:$0x1D000] =	vst v63  }
0x300: {  	_ =	swait.ge [sflag:s17], $0x4000  }
0x301: {  	[sflag:s17] =	ssyncset.done $0x0  }
0x302: {  	[sflag:s17] =	ssyncadd.s32 $0xFFFFC000  }
0x303: {  	[tilespmem:s16], [sflag:$0x1] =	stream.indirect.gather [hbm4b:s4+s20], $0x80, s24, s20, $0xb8;
	[tilespmem:$0x1D000] =	vst v63  }
0x304: {  	_ =	swait.ge [sflag:s25], $0x4000  }
0x305: {  	[sflag:s25] =	ssyncset.done $0x0  }
0x306: {  	[sflag:s25] =	ssyncadd.s32 $0xFFFFC000  }
0x307: {  	[spmem:s2] =	stream.indirect.scatter.add.f32 [tilespmem:s22], [sflag:$0x3], $0x80, s26, s20, $0xb8;
	[tilespmem:$0x1D000] =	vst v63  }
0x308: {  	_ =	swait.ge [sflag:s17], $0x4000  }
0x309: {  	[sflag:s17] =	ssyncset.done $0x0  }
0x30a: {  	[sflag:s17] =	ssyncadd.s32 $0xFFFFC000  }
0x30b: {  	[tilespmem:s22], [sflag:$0x2] =	stream.indirect.gather [hbm4b:s4+s20], $0x80, s28, s20, $0xb8;
	[tilespmem:$0x1D000] =	vst v63  }
0x30c: {  	_ =	swait.ge [sflag:s23], $0x4000  }
0x30d: {  	[sflag:s23] =	ssyncset.done $0x0  }
0x30e: {  	[sflag:s23] =	ssyncadd.s32 $0xFFFFC000  }
0x30f: {  	[spmem:s2] =	stream.indirect.scatter.add.f32 [tilespmem:s16], [sflag:$0x3], $0x80, s29, s20, $0xb8;
	[tilespmem:$0x1D000] =	vst v63  }
0x310: {  	_ =	swait.ge [sflag:s17], $0x4000  }
0x311: {  	[sflag:s17] =	ssyncset.done $0x0  }
0x312: {  	[sflag:s17] =	ssyncadd.s32 $0xFFFFC000  }
0x313: {  	[tilespmem:s16], [sflag:$0x1] =	stream.indirect.gather [hbm4b:s4+s20], $0x80, s30, s20, $0xb8;
	[tilespmem:$0x1D000] =	vst v63  }
0x314: {  	_ =	swait.ge [sflag:s25], $0x4000  }
0x315: {  	[sflag:s25] =	ssyncset.done $0x0  }
0x316: {  	[sflag:s25] =	ssyncadd.s32 $0xFFFFC000  }
0x317: {  	[spmem:s2] =	stream.indirect.scatter.add.f32 [tilespmem:s22], [sflag:$0x3], $0x80, s31, s20, $0xb8;
	[tilespmem:$0x1D000] =	vst v63  }
0x318: {  	_ =	swait.ge [sflag:s17], $0x4000  }
0x319: {  	[sflag:s17] =	ssyncset.done $0x0  }
0x31a: {  	[sflag:s17] =	ssyncadd.s32 $0xFFFFC000  }
0x31b: {  	[tilespmem:s22], [sflag:$0x2] =	stream.indirect.gather [hbm4b:s4+s20], $0x80, s0, s20, $0xb8;
	[tilespmem:$0x1D000] =	vst v63  }
0x31c: {  	_ =	swait.ge [sflag:s23], $0x4000  }
0x31d: {  	[sflag:s23] =	ssyncset.done $0x0  }
0x31e: {  	[sflag:s23] =	ssyncadd.s32 $0xFFFFC000  }
0x31f: {  	[spmem:s2] =	stream.indirect.scatter.add.f32 [tilespmem:s16], [sflag:$0x3], $0x80, s1, s20, $0xb8;
	[tilespmem:$0x1D000] =	vst v63  }
0x320: {  	_ =	swait.ge [sflag:s17], $0x4000  }
0x321: {  	[sflag:s17] =	ssyncset.done $0x0  }
0x322: {  	[sflag:s17] =	ssyncadd.s32 $0xFFFFC000  }
0x323: {  	[tilespmem:s16], [sflag:$0x1] =	stream.indirect.gather [hbm4b:s4+s20], $0x80, s6, s20, $0xb8;
	[tilespmem:$0x1D000] =	vst v63  }
0x324: {  	_ =	swait.ge [sflag:s25], $0x4000  }
0x325: {  	[sflag:s25] =	ssyncset.done $0x0  }
0x326: {  	[sflag:s25] =	ssyncadd.s32 $0xFFFFC000  }
0x327: {  	[spmem:s2] =	stream.indirect.scatter.add.f32 [tilespmem:s22], [sflag:$0x3], $0x80, s8, s20, $0xb8;
	[tilespmem:$0x1D000] =	vst v63  }
0x328: {  	_ =	swait.ge [sflag:s17], $0x4000  }
0x329: {  	[sflag:s17] =	ssyncset.done $0x0  }
0x32a: {  	[sflag:s17] =	ssyncadd.s32 $0xFFFFC000  }
0x32b: {  	[tilespmem:s22], [sflag:$0x2] =	stream.indirect.gather [hbm4b:s4+s20], $0x80, s9, s20, $0xb8;
	[tilespmem:$0x1D000] =	vst v63  }
0x32c: {  	_ =	swait.ge [sflag:s23], $0x4000  }
0x32d: {  	[sflag:s23] =	ssyncset.done $0x0  }
0x32e: {  	[sflag:s23] =	ssyncadd.s32 $0xFFFFC000  }
0x32f: {  	[spmem:s2] =	stream.indirect.scatter.add.f32 [tilespmem:s16], [sflag:$0x3], $0x80, s10, s20, $0xb8;
	[tilespmem:$0x1D000] =	vst v63  }
0x330: {  	_ =	swait.ge [sflag:s17], $0x4000  }
0x331: {  	[sflag:s17] =	ssyncset.done $0x0  }
0x332: {  	s10 =	simm.s32 $0x14400;
	[sflag:s17] =	ssyncadd.s32 $0xFFFFC000  }
0x333: {  	[tilespmem:s16], [sflag:$0x1] =	stream.indirect.gather [hbm4b:s4+s20], $0x80, s10, s20, $0xb8;
	[tilespmem:$0x1D000] =	vst v63  }
0x334: {  	_ =	swait.ge [sflag:s25], $0x4000  }
0x335: {  	[sflag:s25] =	ssyncset.done $0x0  }
0x336: {  	s11 =	simm.s32 $0x14B80;
	[sflag:s25] =	ssyncadd.s32 $0xFFFFC000  }
0x337: {  	[spmem:s2] =	stream.indirect.scatter.add.f32 [tilespmem:s22], [sflag:$0x3], $0x80, s11, s20, $0xb8;
	[tilespmem:$0x1D000] =	vst v63  }
0x338: {  	_ =	swait.ge [sflag:s17], $0x4000  }
0x339: {  	[sflag:s17] =	ssyncset.done $0x0  }
0x33a: {  	s12 =	simm.s32 $0x14480;
	[sflag:s17] =	ssyncadd.s32 $0xFFFFC000  }
0x33b: {  	[tilespmem:s22], [sflag:$0x2] =	stream.indirect.gather [hbm4b:s4+s20], $0x80, s12, s20, $0xb8;
	[tilespmem:$0x1D000] =	vst v63  }
0x33c: {  	_ =	swait.ge [sflag:s23], $0x4000  }
0x33d: {  	[sflag:s23] =	ssyncset.done $0x0  }
0x33e: {  	s13 =	simm.s32 $0x14C00;
	[sflag:s23] =	ssyncadd.s32 $0xFFFFC000  }
0x33f: {  	[spmem:s2] =	stream.indirect.scatter.add.f32 [tilespmem:s16], [sflag:$0x3], $0x80, s13, s20, $0xb8;
	[tilespmem:$0x1D000] =	vst v63  }
0x340: {  	_ =	swait.ge [sflag:s17], $0x4000  }
0x341: {  	[sflag:s17] =	ssyncset.done $0x0  }
0x342: {  	s24 =	simm.s32 $0x14500;
	[sflag:s17] =	ssyncadd.s32 $0xFFFFC000  }
0x343: {  	[tilespmem:s16], [sflag:$0x1] =	stream.indirect.gather [hbm4b:s4+s20], $0x80, s24, s20, $0xb8;
	[tilespmem:$0x1D000] =	vst v63  }
0x344: {  	_ =	swait.ge [sflag:s25], $0x4000  }
0x345: {  	[sflag:s25] =	ssyncset.done $0x0  }
0x346: {  	s26 =	simm.s32 $0x14C80;
	[sflag:s25] =	ssyncadd.s32 $0xFFFFC000  }
0x347: {  	[spmem:s2] =	stream.indirect.scatter.add.f32 [tilespmem:s22], [sflag:$0x3], $0x80, s26, s20, $0xb8;
	[tilespmem:$0x1D000] =	vst v63  }
0x348: {  	_ =	swait.ge [sflag:s17], $0x4000  }
0x349: {  	[sflag:s17] =	ssyncset.done $0x0  }
0x34a: {  	s1 =	simm.s32 $0x14580;
	[sflag:s17] =	ssyncadd.s32 $0xFFFFC000  }
0x34b: {  	[tilespmem:s22], [sflag:$0x2] =	stream.indirect.gather [hbm4b:s4+s20], $0x80, s1, s20, $0xb8;
	[tilespmem:$0x1D000] =	vst v63  }
0x34c: {  	_ =	swait.ge [sflag:s23], $0x4000  }
0x34d: {  	[sflag:s23] =	ssyncset.done $0x0  }
0x34e: {  	s6 =	simm.s32 $0x14D00;
	[sflag:s23] =	ssyncadd.s32 $0xFFFFC000  }
0x34f: {  	[spmem:s2] =	stream.indirect.scatter.add.f32 [tilespmem:s16], [sflag:$0x3], $0x80, s6, s20, $0xb8;
	[tilespmem:$0x1D000] =	vst v63  }
0x350: {  	_ =	swait.ge [sflag:s17], $0x4000  }
0x351: {  	[sflag:s17] =	ssyncset.done $0x0  }
0x352: {  	s7 =	simm.s32 $0x14600;
	[sflag:s17] =	ssyncadd.s32 $0xFFFFC000  }
0x353: {  	[tilespmem:s16], [sflag:$0x1] =	stream.indirect.gather [hbm4b:s4+s20], $0x80, s7, s20, $0xb8;
	[tilespmem:$0x1D000] =	vst v63  }
0x354: {  	_ =	swait.ge [sflag:s25], $0x4000  }
0x355: {  	[sflag:s25] =	ssyncset.done $0x0  }
0x356: {  	s8 =	simm.s32 $0x14D80;
	[sflag:s25] =	ssyncadd.s32 $0xFFFFC000  }
0x357: {  	[spmem:s2] =	stream.indirect.scatter.add.f32 [tilespmem:s22], [sflag:$0x3], $0x80, s8, s20, $0xb8;
	[tilespmem:$0x1D000] =	vst v63  }
0x358: {  	_ =	swait.ge [sflag:s17], $0x4000  }
0x359: {  	[sflag:s17] =	ssyncset.done $0x0  }
0x35a: {  	s9 =	simm.s32 $0x14680;
	[sflag:s17] =	ssyncadd.s32 $0xFFFFC000  }
0x35b: {  	[tilespmem:s22], [sflag:$0x2] =	stream.indirect.gather [hbm4b:s4+s20], $0x80, s9, s20, $0xb8;
	[tilespmem:$0x1D000] =	vst v63  }
0x35c: {  	_ =	swait.ge [sflag:s23], $0x4000  }
0x35d: {  	[sflag:s23] =	ssyncset.done $0x0  }
0x35e: {  	s10 =	simm.s32 $0x14E00;
	[sflag:s23] =	ssyncadd.s32 $0xFFFFC000  }
0x35f: {  	[spmem:s2] =	stream.indirect.scatter.add.f32 [tilespmem:s16], [sflag:$0x3], $0x80, s10, s20, $0xb8;
	[tilespmem:$0x1D000] =	vst v63  }
0x360: {  	_ =	swait.ge [sflag:s17], $0x4000  }
0x361: {  	[sflag:s17] =	ssyncset.done $0x0  }
0x362: {  	s11 =	simm.s32 $0x14700;
	[sflag:s17] =	ssyncadd.s32 $0xFFFFC000  }
0x363: {  	[tilespmem:s16], [sflag:$0x1] =	stream.indirect.gather [hbm4b:s4+s20], $0x80, s11, s20, $0xb8;
	[tilespmem:$0x1D000] =	vst v63  }
0x364: {  	_ =	swait.ge [sflag:s25], $0x4000  }
0x365: {  	[sflag:s25] =	ssyncset.done $0x0  }
0x366: {  	s12 =	simm.s32 $0x14E80;
	[sflag:s25] =	ssyncadd.s32 $0xFFFFC000  }
0x367: {  	[spmem:s2] =	stream.indirect.scatter.add.f32 [tilespmem:s22], [sflag:$0x3], $0x80, s12, s20, $0xb8;
	[tilespmem:$0x1D000] =	vst v63  }
0x368: {  	_ =	swait.ge [sflag:s17], $0x4000  }
0x369: {  	[sflag:s17] =	ssyncset.done $0x0  }
0x36a: {  	s13 =	simm.s32 $0x14780;
	[sflag:s17] =	ssyncadd.s32 $0xFFFFC000  }
0x36b: {  	[tilespmem:s22], [sflag:$0x2] =	stream.indirect.gather [hbm4b:s4+s20], $0x80, s13, s20, $0xb8;
	[tilespmem:$0x1D000] =	vst v63  }
0x36c: {  	_ =	swait.ge [sflag:s23], $0x4000  }
0x36d: {  	[sflag:s23] =	ssyncset.done $0x0  }
0x36e: {  	s24 =	simm.s32 $0x14F00;
	[sflag:s23] =	ssyncadd.s32 $0xFFFFC000  }
0x36f: {  	[spmem:s2] =	stream.indirect.scatter.add.f32 [tilespmem:s16], [sflag:$0x3], $0x80, s24, s20, $0xb8;
	[tilespmem:$0x1D000] =	vst v63  }
0x370: {  	_ =	swait.ge [sflag:s17], $0x4000  }
0x371: {  	[sflag:s17] =	ssyncset.done $0x0  }
0x372: {  	s28 =	simm.s32 $0x14900;
	s29 =	simm.s32 $0x14200;
	[sflag:s17] =	ssyncadd.s32 $0xFFFFC000  }
0x373: {  	s30 =	simm.s32 $0x14980;
	s0 =	simm.s32 $0x14280;
	_ =	swait.ge [sflag:s25], $0x4000  }
0x374: {  	s26 =	simm.s32 $0x14F80;
	s1 =	simm.s32 $0x14A00;
	[sflag:s25] =	ssyncset.done $0x0  }
.Ltmp6:
0x375: {  	s6 =	simm.s32 $0x14300;
	[sflag:s25] =	ssyncadd.s32 $0xFFFFC000;
	(pc) =	sbr.rel .LBB2_8-.Ltmp6, $4  }
0x376: {  	[spmem:s2] =	stream.indirect.scatter.add.f32 [tilespmem:s22], [sflag:$0x3], $0x80, s26, s20, $0xb8;
	[tilespmem:$0x1D000] =	vst v63  }
0x377: {  	s8 =	simm.s32 $0x14A80;
	s9 =	simm.s32 $0x14380;
	_ =	swait.ge [sflag:s17], $0x4000  }
0x378: {  	s10 =	simm.s32 $0x14B00;
	s24 =	simm.s32 $0x14880;
	[sflag:s17] =	ssyncset.done $0x0  }
0x379: {  	s26 =	simm.s32 $0x14180;
	s31 =	rddreg [dreg:$0xb];
	[sflag:s17] =	ssyncadd.s32 $0xFFFFC000  }
.LBB2_9:
0x37a: {  	_ =	sfence.sel $0x180000  }
0x37b: {  	[bflag:$0x0] =	sbarrier.arrive $0xFFFF  }
0x37c: {  	_ =	strace $0x9000004A  }
0x37d: {  	s0 =	stileid.u32;
	[bflag:$0x2] =	sbarrier.arrive $0xFFFF  }
0x37e: {  	p0 =	sne.s32 s0, $0x0;
	s0 =	rddreg [dreg:$0x2]  }
0x37f: {  	s0 =	sadd.s32 @!p0 $0x100000, s0  }
0x380: {  	[sflag:s0] =	ssyncadd.tile.s32 @!p0 $0x1;
	_ =	shalt  }
.Lfunc_end2:
_tile_overlayer_lowered:
.L_overlay_start_2:
0x381: {  	(tag) =	ssettag $0x2  }
0x382: {  	s0 =	rddreg [dreg:$0x0];
	s2 =	stileid.u32  }
0x383: {  	s1 =	rddreg [dreg:$0x1];
	p0 =	sne.s32 s2, $0x0  }
0x384: {  	s3 =	rddreg [dreg:$0x2];
	[bflag:$0x3] =	sbarrier.arrive $0xFFFF;
	s2 =	simm.s32 @!p0 $0x1C03  }
0x385: {  	[timem:s3], [sflag:s2] =	dma.local @!p0 [hbm:s0], s1  }
0x386: {  	s0 =	simm.s32 @!p0 $0x3  }
0x387: {  	_ =	swait.ge @!p0 [sflag:s0], s1  }
0x388: {  	s1 =	ssub.s32 @!p0 $0x0, s1;
	[sflag:s0] =	ssyncset.done @!p0 $0x0  }
0x389: {  	[sflag:s0] =	ssyncadd.s32 @!p0 s1  }
0x38a: {  	[bflag:$0x3] =	sbarrier.arrive $0xFFFF  }
0x38b: {  	_ =	shalt  }

</sc_bundles>
